<compile_context>
chip_gen: v7x
topology: tpu7x:2x2x1
jax: 0.10.2.dev20260603
libtpu: 0.0.44.dev20260713+nightly
codegen_flags: <defaults>
</compile_context>

<pallas_src>
import functools

import jax
import jax.numpy as jnp
from jax import lax
from jax.experimental import pallas as pl
from jax.experimental.pallas import tpu as pltpu, tpu_sc as plsc

_B, _S, _D, _H = 4, 2048, 1024, 8
_DK = _D // _H
_BS = _B * _S
_SCALE = float(_DK) ** 0.5
_R = 512
_CH = 32

_DNT = (((1,), (1,)), ((), ()))
_DN = (((1,), (0,)), ((), ()))



def _sc_gather_body(left_hbm, idx_hbm, out_hbm, idx_v, rows_v,
                    gs0, gs1, cs0, cs1):
    info = plsc.get_sparse_core_info()
    nc, ns, nl = info.num_cores, info.num_subcores, info.num_lanes
    rows_per = _BS // (nc * ns)
    nch = rows_per // _CH
    wid = lax.axis_index("s") * nc + lax.axis_index("c")
    base_row = wid * rows_per
    b_off = (base_row // _S) * _S
    off_vec = jnp.full((nl,), 1, jnp.int32) * b_off
    for c in range(nch):
        pltpu.sync_copy(idx_hbm.at[pl.ds(base_row + c * _CH, _CH)],
                        idx_v.at[c])
        for j in range(_CH // nl):
            sl = pl.ds(j * nl, nl)
            idx_v[c, sl] = idx_v[c, sl] + off_vec
    gsem = [gs0, gs1]
    csem = [cs0, cs1]
    gat = [pltpu.async_copy(left_hbm.at[idx_v.at[s]], rows_v.at[s], gsem[s])
           for s in range(2)]
    cout = [None, None]
    for c in range(nch):
        s = c % 2
        gat[s].wait()
        cout[s] = pltpu.async_copy(
            rows_v.at[s], out_hbm.at[pl.ds(base_row + c * _CH, _CH)], csem[s])
        if c + 2 < nch:
            cout[s].wait()
            gat[s] = pltpu.async_copy(
                left_hbm.at[idx_v.at[c + 2]], rows_v.at[s], gsem[s])
    cout[0].wait()
    cout[1].wait()


def _sc_gather(left2, idx):
    mesh = plsc.VectorSubcoreMesh(core_axis_name="c", subcore_axis_name="s")
    nch = _BS // (32 * _CH)
    f = functools.partial(
        pl.kernel,
        mesh=mesh,
        out_type=jax.ShapeDtypeStruct((_BS, _D), jnp.float32),
        scratch_types=[
            pltpu.VMEM((nch, _CH), jnp.int32),
            pltpu.VMEM((2, _CH, _D), jnp.float32),
            pltpu.SemaphoreType.DMA,
            pltpu.SemaphoreType.DMA,
            pltpu.SemaphoreType.DMA,
            pltpu.SemaphoreType.DMA,
        ],
    )(_sc_gather_body)
    return f(left2, idx)



_NB = 4
_RW = _D // _NB
_RQ = 2 * _D // _NB


def _wfuse_body(wv_ref, w1_ref, wq_ref, wk_ref, wo_ref, w2_ref,
                lng_ref, lnb_ref, b1_ref, bv_ref, bq_ref, bk_ref,
                bo_ref, b2_ref,
                wqk_ref, wvf_ref, wfo_ref, w2_b_ref,
                bvf_ref, bqk_ref, bfo_ref):
    j = pl.program_id(0)
    w1b = w1_ref[...].astype(jnp.bfloat16)
    wob = wo_ref[...].astype(jnp.bfloat16)
    wvb = wv_ref[...].astype(jnp.bfloat16)
    wvf_ref[...] = lax.dot_general(
        wvb, w1b, _DN, preferred_element_type=jnp.float32).astype(jnp.bfloat16)
    w2c = w2_ref[...].astype(jnp.bfloat16)
    wfo_ref[...] = lax.dot_general(
        w2c, wob, _DN, preferred_element_type=jnp.float32).astype(jnp.bfloat16)
    w2_b_ref[...] = w2c
    g = lng_ref[...]
    lnb8 = jnp.broadcast_to(lnb_ref[...], (8, _D)).astype(jnp.bfloat16)

    @pl.when(j < 2)
    def _():
        wqk_ref[...] = (wq_ref[...] * g).astype(jnp.bfloat16)
        bqk_ref[...] = lax.dot_general(
            lnb8, wq_ref[...].astype(jnp.bfloat16), _DNT,
            preferred_element_type=jnp.float32)[0:1, :] + bq_ref[...]

    @pl.when(j >= 2)
    def _():
        wqk_ref[...] = (wk_ref[...] * g).astype(jnp.bfloat16)
        bqk_ref[...] = lax.dot_general(
            lnb8, wk_ref[...].astype(jnp.bfloat16), _DNT,
            preferred_element_type=jnp.float32)[0:1, :] + bk_ref[...]

    b1b8 = jnp.broadcast_to(b1_ref[...], (8, _D)).astype(jnp.bfloat16)
    bvf_ref[...] = lax.dot_general(
        b1b8, wvb, _DNT, preferred_element_type=jnp.float32)[0:1, :] + bv_ref[...]
    bo8 = jnp.broadcast_to(bo_ref[...], (8, _D)).astype(jnp.bfloat16)
    bfo_ref[...] = lax.dot_general(
        bo8, w2c, _DNT, preferred_element_type=jnp.float32)[0:1, :] + b2_ref[...]


def _wfuse(wv, w1, wq, wk, wo, w2, lng, lnb, b1_row, bv_row, bq_row, bk_row,
           bo_row, b2_row):
    def fullv(a, b):
        return pl.BlockSpec((a, b), lambda j: (0, 0))

    return pl.pallas_call(
        _wfuse_body,
        grid=(_NB,),
        in_specs=[
            pl.BlockSpec((_RW, _D), lambda j: (j, 0)),
            fullv(_D, _D),
            pl.BlockSpec((_RQ, _D), lambda j: (jnp.minimum(j, 1), 0)),
            pl.BlockSpec((_RQ, _D), lambda j: (jnp.maximum(j - 2, 0), 0)),
            fullv(_D, _D),
            pl.BlockSpec((_RW, _D), lambda j: (j, 0)),
            fullv(1, _D),
            fullv(1, _D),
            fullv(1, _D),
            pl.BlockSpec((1, _RW), lambda j: (0, j)),
            pl.BlockSpec((1, _RQ), lambda j: (0, jnp.minimum(j, 1))),
            pl.BlockSpec((1, _RQ), lambda j: (0, jnp.maximum(j - 2, 0))),
            fullv(1, _D),
            pl.BlockSpec((1, _RW), lambda j: (0, j)),
        ],
        out_specs=(
            pl.BlockSpec((_RQ, _D), lambda j: (j, 0)),
            pl.BlockSpec((_RW, _D), lambda j: (j, 0)),
            pl.BlockSpec((_RW, _D), lambda j: (j, 0)),
            pl.BlockSpec((_RW, _D), lambda j: (j, 0)),
            pl.BlockSpec((1, _RW), lambda j: (0, j)),
            pl.BlockSpec((1, _RQ), lambda j: (0, j)),
            pl.BlockSpec((1, _RW), lambda j: (0, j)),
        ),
        out_shape=(
            jax.ShapeDtypeStruct((2 * _D, _D), jnp.bfloat16),
            jax.ShapeDtypeStruct((_D, _D), jnp.bfloat16),
            jax.ShapeDtypeStruct((_D, _D), jnp.bfloat16),
            jax.ShapeDtypeStruct((_D, _D), jnp.bfloat16),
            jax.ShapeDtypeStruct((1, _D), jnp.float32),
            jax.ShapeDtypeStruct((1, 2 * _D), jnp.float32),
            jax.ShapeDtypeStruct((1, _D), jnp.float32),
        ),
        compiler_params=pltpu.CompilerParams(
            dimension_semantics=("arbitrary",)),
    )(wv, w1, wq, wk, wo, w2, lng, lnb, b1_row, bv_row, bq_row, bk_row,
      bo_row, b2_row)



def _main_body(state_ref, g_ref, wqk_ref, bqk_ref,
               wvf_ref, bvf_ref, wfo_ref, w2_ref, bfo_ref, out_ref):
    hr = _R // 2
    for sub in range(2):
        rs = pl.ds(sub * hr, hr)
        x = state_ref[rs, :]
        xb = x.astype(jnp.bfloat16)
        base = lax.dot_general(xb, w2_ref[...], _DNT,
                               preferred_element_type=jnp.float32)
        m = jnp.mean(x, axis=1, keepdims=True)
        xc = x - m
        var = jnp.mean(xc * xc, axis=1, keepdims=True)
        xn = xc * lax.rsqrt(var + 1e-6)
        xnb = xn.astype(jnp.bfloat16)
        qk = lax.dot_general(xnb, wqk_ref[...], _DNT,
                             preferred_element_type=jnp.float32)
        q = qk[:, :_D] + bqk_ref[:, :_D]
        k = qk[:, _D:] + bqk_ref[:, _D:]
        v = lax.dot_general(g_ref[rs, :].astype(jnp.bfloat16), wvf_ref[...],
                            _DNT, preferred_element_type=jnp.float32) + bvf_ref[...]
        kv = k - v
        t = q * kv
        parts = []
        for h in range(_H):
            lo, hi = h * _DK, (h + 1) * _DK
            d = jnp.sum(t[:, lo:hi], axis=1, keepdims=True) * (1.0 / _SCALE)
            e = jnp.exp(-jnp.abs(d))
            p0 = jnp.where(d >= 0, 1.0 / (1.0 + e), e / (1.0 + e))
            parts.append(v[:, lo:hi] + p0 * kv[:, lo:hi])
        o = jnp.concatenate(parts, axis=1)
        out_ref[rs, :] = base + bfo_ref[...] + lax.dot_general(
            o.astype(jnp.bfloat16), wfo_ref[...], _DNT,
            preferred_element_type=jnp.float32)


def _main(state2, g2, wqk, bqk, wvf, bvf, wfo, w2_b, bfo):
    row_blk = pl.BlockSpec((_R, _D), lambda i: (i, 0))
    vec = pl.BlockSpec((1, _D), lambda i: (0, 0))

    def full(a, b):
        return pl.BlockSpec((a, b), lambda i: (0, 0))

    return pl.pallas_call(
        _main_body,
        grid=(_BS // _R,),
        in_specs=[row_blk, row_blk, full(2 * _D, _D), full(1, 2 * _D),
                  full(_D, _D), vec,
                  full(_D, _D), full(_D, _D), vec],
        out_specs=row_blk,
        out_shape=jax.ShapeDtypeStruct((_BS, _D), jnp.float32),
        compiler_params=pltpu.CompilerParams(
            dimension_semantics=("parallel",)),
    )(state2, g2, wqk, bqk, wvf, bvf, wfo, w2_b, bfo)


def kernel(state, left, inputad, W1, b1, W2, b2, ln_g, ln_b,
           Wq, bq, Wk, bk, Wv, bv, Wo, bo):
    state2 = state.reshape(_BS, _D)
    left2 = left.reshape(_BS, _D)
    idx = inputad.reshape(_BS).astype(jnp.int32)
    g2 = _sc_gather(left2, idx)
    wqk, wvf, wfo, w2_b, bvf, bqk, bfo = _wfuse(
        Wv, W1, Wq, Wk, Wo, W2, ln_g.reshape(1, _D), ln_b.reshape(1, _D),
        b1.reshape(1, _D), bv.reshape(1, _D), bq.reshape(1, _D),
        bk.reshape(1, _D), bo.reshape(1, _D), b2.reshape(1, _D))
    out2 = _main(state2, g2, wqk, bqk, wvf, bvf, wfo, w2_b, bfo)
    return out2.reshape(_B, _S, _D)

# --- scband reference (transcript-rebuilt; emitter-appended) ---
"""Pipeline reference for scband-gcnn-52647709114811 (READ-ONLY COPY).

The authoritative reference and input builder live on the scoring server;
editing this copy changes nothing except your own understanding.
"""

import jax, jax.numpy as jnp
import numpy as np
import math

B, S, D, H = 4, 2048, 1024, 8
DK = D // H


def _layernorm(x, g, b, eps=1e-6):
    m = jnp.mean(x, axis=-1, keepdims=True)
    v = jnp.mean((x - m) ** 2, axis=-1, keepdims=True)
    return g * (x - m) / jnp.sqrt(v + eps) + b


def _heads(x):
    b, s, _ = x.shape
    return x.reshape(b, s, H, DK).transpose(0, 2, 1, 3)


def setup_inputs(seed: int = 0):
    key = jax.random.key(seed)
    ks = jax.random.split(key, 20)
    def w(k, shape, scale=0.02):
        return (scale * jax.random.normal(k, shape, dtype=jnp.float32))
    inp = {}
    inp['state'] = jax.random.normal(ks[0], (B, S, D), dtype=jnp.float32)
    inp['left'] = jax.random.normal(ks[1], (B, S, D), dtype=jnp.float32)
    inp['inputad'] = jax.random.randint(ks[2], (B, S), 0, S, dtype=jnp.int32)
    inp['W1'] = w(ks[3], (D, D)); inp['b1'] = jnp.zeros((D,), jnp.float32)
    inp['W2'] = w(ks[4], (D, D)); inp['b2'] = jnp.zeros((D,), jnp.float32)
    inp['ln_g'] = jnp.ones((D,), jnp.float32); inp['ln_b'] = jnp.zeros((D,), jnp.float32)
    inp['Wq'] = w(ks[5], (D, D)); inp['bq'] = jnp.zeros((D,), jnp.float32)
    inp['Wk'] = w(ks[6], (D, D)); inp['bk'] = jnp.zeros((D,), jnp.float32)
    inp['Wv'] = w(ks[7], (D, D)); inp['bv'] = jnp.zeros((D,), jnp.float32)
    inp['Wo'] = w(ks[8], (D, D)); inp['bo'] = jnp.zeros((D,), jnp.float32)
    return inp


def reference(state, left, inputad, W1, b1, W2, b2, ln_g, ln_b, Wq, bq, Wk, bk, Wv, bv, Wo, bo):
    # addstate = self.linear(left)
    addstate = left @ W1.T + b1
    # pem = addstate[idx, inputp, :]  -- per-batch-row gather along sequence dim
    idx = jnp.broadcast_to(inputad[..., None].astype(jnp.int32), (B, S, D))
    pem = jnp.take_along_axis(addstate, idx, axis=1)
    # SublayerConnection: x + dropout(com(norm(x), norm(x), pem)) ; dropout=eval no-op
    xn = _layernorm(state, ln_g, ln_b)
    q = _heads(xn @ Wq.T + bq)
    k = _heads(xn @ Wk.T + bk)
    v = _heads(pem @ Wv.T + bv)
    scale = jnp.float32(math.sqrt(DK))
    s1 = jnp.sum(q * k, axis=-1, keepdims=True) / scale
    s2 = jnp.sum(q * v, axis=-1, keepdims=True) / scale
    p = jax.nn.softmax(jnp.concatenate([s1, s2], axis=-1), axis=-1)
    o = p[..., 0:1] * k + p[..., 1:2] * v
    o = o.transpose(0, 2, 1, 3).reshape(B, S, D)
    comb = o @ Wo.T + bo
    res = state + comb
    out = res @ W2.T + b2
    return out


if False:  # reference __main__ guard neutralized (emitter)
    out = reference(**setup_inputs())
    print(out.shape)

if __name__ == "__main__":
    import jax
    _d = setup_inputs()
    print(jax.jit(kernel)(*tuple(_d.values())))

</pallas_src>

<mosaic_0001>
#map = affine_map<(d0, d1) -> (0, 0)>
#map1 = affine_map<(d0, d1) -> (0)>
module attributes {stable_mosaic.version = 14 : i64} {
  func.func @_sc_gather_body(%arg0: i32, %arg1: i32, %arg2: memref<8192x1024xf32, #tpu.memory_space<hbm>>, %arg3: memref<8192xi32, #tpu.memory_space<hbm>>, %arg4: memref<8192x1024xf32, #tpu.memory_space<hbm>>, %arg5: memref<8x32xi32, #tpu.memory_space<vmem>>, %arg6: memref<2x32x1024xf32, #tpu.memory_space<vmem>>, %arg7: memref<!tpu.dma_semaphore, #tpu.memory_space<semaphore_mem>>, %arg8: memref<!tpu.dma_semaphore, #tpu.memory_space<semaphore_mem>>, %arg9: memref<!tpu.dma_semaphore, #tpu.memory_space<semaphore_mem>>, %arg10: memref<!tpu.dma_semaphore, #tpu.memory_space<semaphore_mem>>) attributes {dimension_semantics = [#tpu.dimension_semantics<core_parallel>, #tpu.dimension_semantics<subcore_parallel>], iteration_bounds = array<i64: 2, 16>, scalar_prefetch = 0 : i64, scratch_operands = 6 : i64, tpu.core_type = #tpu.core_type<sc_vector_subcore>, window_params = [{transform_indices = #map}, {transform_indices = #map1}, {transform_indices = #map}]} {
    %mul3A = arith.constant 2 : i32
    %mul3A_0 = arith.muli %arg1, %mul3A : i32
    %add3A = arith.addi %mul3A_0, %arg0 : i32
    %mul3A_1 = arith.constant 256 : i32
    %mul3A_2 = arith.muli %add3A, %mul3A_1 : i32
    %jit3A = arith.constant 2048 : i32
    %div3A = arith.divsi %mul3A_2, %jit3A : i32
    %sign3A = arith.constant 0 : i32
    %sign3A_3 = arith.cmpi sgt, %mul3A_2, %sign3A : i32
    %sign3A_4 = arith.extui %sign3A_3 : i1 to i32
    %sign3A_5 = arith.constant 0 : i32
    %sign3A_6 = arith.cmpi slt, %mul3A_2, %sign3A_5 : i32
    %sign3A_7 = arith.extui %sign3A_6 : i1 to i32
    %sign3A_8 = arith.subi %sign3A_4, %sign3A_7 : i32
    %sign3A_9 = arith.constant 0 : i32
    %sign3A_10 = arith.cmpi sgt, %jit3A, %sign3A_9 : i32
    %sign3A_11 = arith.extui %sign3A_10 : i1 to i32
    %sign3A_12 = arith.constant 0 : i32
    %sign3A_13 = arith.cmpi slt, %jit3A, %sign3A_12 : i32
    %sign3A_14 = arith.extui %sign3A_13 : i1 to i32
    %sign3A_15 = arith.subi %sign3A_11, %sign3A_14 : i32
    %ne3A = arith.cmpi ne, %sign3A_8, %sign3A_15 : i32
    %rem3A = arith.remsi %mul3A_2, %jit3A : i32
    %ne3A_16 = arith.constant 0 : i32
    %ne3A_17 = arith.cmpi ne, %rem3A, %ne3A_16 : i32
    %and3A = arith.andi %ne3A, %ne3A_17 : i1
    %sub3A = arith.constant 1 : i32
    %sub3A_18 = arith.subi %div3A, %sub3A : i32
    %select_n3A = arith.select %and3A, %sub3A_18, %div3A : i32
    %mul3A_19 = arith.constant 2048 : i32
    %mul3A_20 = arith.muli %select_n3A, %mul3A_19 : i32
    %broadcast_in_dim3A = arith.constant 1 : i32
    %broadcast_in_dim3A_21 = vector.broadcast %broadcast_in_dim3A : i32 to vector<16xi32>
    %mul3A_22 = vector.broadcast %mul3A_20 : i32 to vector<16xi32>
    %mul3A_23 = arith.muli %broadcast_in_dim3A_21, %mul3A_22 : vector<16xi32>
    %add3A_24 = arith.constant 0 : i32
    %add3A_25 = arith.addi %mul3A_2, %add3A_24 : i32
    %run_scoped3A = arith.constant 0 : i32
    "tpu.region"() ({
      %run_scoped3A_651 = tpu.sem_alloc : memref<!tpu.dma_semaphore, #tpu.memory_space<semaphore_mem>>
      %dma_start3A_652 = arith.constant 0 : i32
      %dma_start3A_653 = tpu.memref_slice %arg5[%run_scoped3A, %dma_start3A_652] : memref<8x32xi32, #tpu.memory_space<vmem>> -> memref<1x32xi32, #tpu.memory_space<vmem>>
      %dma_start3A_654 = tpu.memref_squeeze %dma_start3A_653 : memref<1x32xi32, #tpu.memory_space<vmem>> -> memref<32xi32, #tpu.memory_space<vmem>>
      %dma_start3A_655 = tpu.memref_slice %arg3[%add3A_25] : memref<8192xi32, #tpu.memory_space<hbm>> -> memref<32xi32, #tpu.memory_space<hbm>>
      %dma_start3A_656 = arith.constant 0 : i32
      %dma_start3A_657 = tpu.memref_slice %arg5[%run_scoped3A, %dma_start3A_656] : memref<8x32xi32, #tpu.memory_space<vmem>> -> memref<1x32xi32, #tpu.memory_space<vmem>>
      %dma_start3A_658 = tpu.memref_squeeze %dma_start3A_657 : memref<1x32xi32, #tpu.memory_space<vmem>> -> memref<32xi32, #tpu.memory_space<vmem>>
      %dma_start3A_659 = tpu.memref_slice %arg3[%add3A_25] : memref<8192xi32, #tpu.memory_space<hbm>> -> memref<32xi32, #tpu.memory_space<hbm>>
      tpu.enqueue_dma source(%dma_start3A_659 : memref<32xi32, #tpu.memory_space<hbm>>) target(%dma_start3A_658 : memref<32xi32, #tpu.memory_space<vmem>>) target_semaphore(%run_scoped3A_651 : memref<!tpu.dma_semaphore, #tpu.memory_space<semaphore_mem>>)
      %dma_wait3A_660 = arith.constant 0 : i32
      %dma_wait3A_661 = tpu.memref_slice %arg5[%run_scoped3A, %dma_wait3A_660] : memref<8x32xi32, #tpu.memory_space<vmem>> -> memref<1x32xi32, #tpu.memory_space<vmem>>
      %dma_wait3A_662 = tpu.memref_squeeze %dma_wait3A_661 : memref<1x32xi32, #tpu.memory_space<vmem>> -> memref<32xi32, #tpu.memory_space<vmem>>
      %dma_wait3A_663 = tpu.memref_slice %arg3[%add3A_25] : memref<8192xi32, #tpu.memory_space<hbm>> -> memref<32xi32, #tpu.memory_space<hbm>>
      %dma_wait3A_664 = arith.constant 0 : i32
      %dma_wait3A_665 = tpu.memref_slice %arg5[%run_scoped3A, %dma_wait3A_664] : memref<8x32xi32, #tpu.memory_space<vmem>> -> memref<1x32xi32, #tpu.memory_space<vmem>>
      %dma_wait3A_666 = tpu.memref_squeeze %dma_wait3A_665 : memref<1x32xi32, #tpu.memory_space<vmem>> -> memref<32xi32, #tpu.memory_space<vmem>>
      %dma_wait3A_667 = tpu.memref_slice %arg3[%add3A_25] : memref<8192xi32, #tpu.memory_space<hbm>> -> memref<32xi32, #tpu.memory_space<hbm>>
      tpu.wait_dma2 semaphore(%run_scoped3A_651 : memref<!tpu.dma_semaphore, #tpu.memory_space<semaphore_mem>>) src(%dma_wait3A_667 : memref<32xi32, #tpu.memory_space<hbm>>) dst(%dma_wait3A_666 : memref<32xi32, #tpu.memory_space<vmem>>)
      tpu.yield
    }) : () -> ()
    %get3A = arith.constant 0 : i32
    %get3A_26 = arith.index_cast %get3A : i32 to index
    %get3A_27 = arith.constant 0 : index
    %get3A_28 = tpu.vector_load %arg5[%get3A_26, %get3A_27] {strides = array<i32>} : memref<8x32xi32, #tpu.memory_space<vmem>>, vector<1x16xi32>,
    %get3A_29 = vector.shape_cast %get3A_28 : vector<1x16xi32> to vector<16xi32>
    %add3A_30 = arith.addi %get3A_29, %mul3A_23 : vector<16xi32>
    %swap3A = arith.constant 0 : i32
    %swap3A_31 = arith.index_cast %swap3A : i32 to index
    %swap3A_32 = arith.constant 0 : index
    %swap3A_33 = tpu.vector_load %arg5[%swap3A_31, %swap3A_32] {strides = array<i32>} : memref<8x32xi32, #tpu.memory_space<vmem>>, vector<1x16xi32>,
    %swap3A_34 = vector.shape_cast %swap3A_33 : vector<1x16xi32> to vector<16xi32>
    %swap3A_35 = vector.shape_cast %add3A_30 : vector<16xi32> to vector<1x16xi32>
    tpu.vector_store %arg5[%swap3A_31, %swap3A_32], %swap3A_35 {strides = array<i32>} : memref<8x32xi32, #tpu.memory_space<vmem>>, vector<1x16xi32>,
    %get3A_36 = arith.constant 0 : i32
    %get3A_37 = arith.index_cast %get3A_36 : i32 to index
    %get3A_38 = arith.constant 16 : index
    %get3A_39 = tpu.vector_load %arg5[%get3A_37, %get3A_38] {strides = array<i32>} : memref<8x32xi32, #tpu.memory_space<vmem>>, vector<1x16xi32>,
    %get3A_40 = vector.shape_cast %get3A_39 : vector<1x16xi32> to vector<16xi32>
    %add3A_41 = arith.addi %get3A_40, %mul3A_23 : vector<16xi32>
    %swap3A_42 = arith.constant 0 : i32
    %swap3A_43 = arith.index_cast %swap3A_42 : i32 to index
    %swap3A_44 = arith.constant 16 : index
    %swap3A_45 = tpu.vector_load %arg5[%swap3A_43, %swap3A_44] {strides = array<i32>} : memref<8x32xi32, #tpu.memory_space<vmem>>, vector<1x16xi32>,
    %swap3A_46 = vector.shape_cast %swap3A_45 : vector<1x16xi32> to vector<16xi32>
    %swap3A_47 = vector.shape_cast %add3A_41 : vector<16xi32> to vector<1x16xi32>
    tpu.vector_store %arg5[%swap3A_43, %swap3A_44], %swap3A_47 {strides = array<i32>} : memref<8x32xi32, #tpu.memory_space<vmem>>, vector<1x16xi32>,
    %add3A_48 = arith.constant 32 : i32
    %add3A_49 = arith.addi %mul3A_2, %add3A_48 : i32
    %run_scoped3A_50 = arith.constant 1 : i32
    "tpu.region"() ({
      %run_scoped3A_651 = tpu.sem_alloc : memref<!tpu.dma_semaphore, #tpu.memory_space<semaphore_mem>>
      %dma_start3A_652 = arith.constant 0 : i32
      %dma_start3A_653 = tpu.memref_slice %arg5[%run_scoped3A_50, %dma_start3A_652] : memref<8x32xi32, #tpu.memory_space<vmem>> -> memref<1x32xi32, #tpu.memory_space<vmem>>
      %dma_start3A_654 = tpu.memref_squeeze %dma_start3A_653 : memref<1x32xi32, #tpu.memory_space<vmem>> -> memref<32xi32, #tpu.memory_space<vmem>>
      %dma_start3A_655 = tpu.memref_slice %arg3[%add3A_49] : memref<8192xi32, #tpu.memory_space<hbm>> -> memref<32xi32, #tpu.memory_space<hbm>>
      %dma_start3A_656 = arith.constant 0 : i32
      %dma_start3A_657 = tpu.memref_slice %arg5[%run_scoped3A_50, %dma_start3A_656] : memref<8x32xi32, #tpu.memory_space<vmem>> -> memref<1x32xi32, #tpu.memory_space<vmem>>
      %dma_start3A_658 = tpu.memref_squeeze %dma_start3A_657 : memref<1x32xi32, #tpu.memory_space<vmem>> -> memref<32xi32, #tpu.memory_space<vmem>>
      %dma_start3A_659 = tpu.memref_slice %arg3[%add3A_49] : memref<8192xi32, #tpu.memory_space<hbm>> -> memref<32xi32, #tpu.memory_space<hbm>>
      tpu.enqueue_dma source(%dma_start3A_659 : memref<32xi32, #tpu.memory_space<hbm>>) target(%dma_start3A_658 : memref<32xi32, #tpu.memory_space<vmem>>) target_semaphore(%run_scoped3A_651 : memref<!tpu.dma_semaphore, #tpu.memory_space<semaphore_mem>>)
      %dma_wait3A_660 = arith.constant 0 : i32
      %dma_wait3A_661 = tpu.memref_slice %arg5[%run_scoped3A_50, %dma_wait3A_660] : memref<8x32xi32, #tpu.memory_space<vmem>> -> memref<1x32xi32, #tpu.memory_space<vmem>>
      %dma_wait3A_662 = tpu.memref_squeeze %dma_wait3A_661 : memref<1x32xi32, #tpu.memory_space<vmem>> -> memref<32xi32, #tpu.memory_space<vmem>>
      %dma_wait3A_663 = tpu.memref_slice %arg3[%add3A_49] : memref<8192xi32, #tpu.memory_space<hbm>> -> memref<32xi32, #tpu.memory_space<hbm>>
      %dma_wait3A_664 = arith.constant 0 : i32
      %dma_wait3A_665 = tpu.memref_slice %arg5[%run_scoped3A_50, %dma_wait3A_664] : memref<8x32xi32, #tpu.memory_space<vmem>> -> memref<1x32xi32, #tpu.memory_space<vmem>>
      %dma_wait3A_666 = tpu.memref_squeeze %dma_wait3A_665 : memref<1x32xi32, #tpu.memory_space<vmem>> -> memref<32xi32, #tpu.memory_space<vmem>>
      %dma_wait3A_667 = tpu.memref_slice %arg3[%add3A_49] : memref<8192xi32, #tpu.memory_space<hbm>> -> memref<32xi32, #tpu.memory_space<hbm>>
      tpu.wait_dma2 semaphore(%run_scoped3A_651 : memref<!tpu.dma_semaphore, #tpu.memory_space<semaphore_mem>>) src(%dma_wait3A_667 : memref<32xi32, #tpu.memory_space<hbm>>) dst(%dma_wait3A_666 : memref<32xi32, #tpu.memory_space<vmem>>)
      tpu.yield
    }) : () -> ()
    %get3A_51 = arith.constant 1 : i32
    %get3A_52 = arith.index_cast %get3A_51 : i32 to index
    %get3A_53 = arith.constant 0 : index
    %get3A_54 = tpu.vector_load %arg5[%get3A_52, %get3A_53] {strides = array<i32>} : memref<8x32xi32, #tpu.memory_space<vmem>>, vector<1x16xi32>,
    %get3A_55 = vector.shape_cast %get3A_54 : vector<1x16xi32> to vector<16xi32>
    %add3A_56 = arith.addi %get3A_55, %mul3A_23 : vector<16xi32>
    %swap3A_57 = arith.constant 1 : i32
    %swap3A_58 = arith.index_cast %swap3A_57 : i32 to index
    %swap3A_59 = arith.constant 0 : index
    %swap3A_60 = tpu.vector_load %arg5[%swap3A_58, %swap3A_59] {strides = array<i32>} : memref<8x32xi32, #tpu.memory_space<vmem>>, vector<1x16xi32>,
    %swap3A_61 = vector.shape_cast %swap3A_60 : vector<1x16xi32> to vector<16xi32>
    %swap3A_62 = vector.shape_cast %add3A_56 : vector<16xi32> to vector<1x16xi32>
    tpu.vector_store %arg5[%swap3A_58, %swap3A_59], %swap3A_62 {strides = array<i32>} : memref<8x32xi32, #tpu.memory_space<vmem>>, vector<1x16xi32>,
    %get3A_63 = arith.constant 1 : i32
    %get3A_64 = arith.index_cast %get3A_63 : i32 to index
    %get3A_65 = arith.constant 16 : index
    %get3A_66 = tpu.vector_load %arg5[%get3A_64, %get3A_65] {strides = array<i32>} : memref<8x32xi32, #tpu.memory_space<vmem>>, vector<1x16xi32>,
    %get3A_67 = vector.shape_cast %get3A_66 : vector<1x16xi32> to vector<16xi32>
    %add3A_68 = arith.addi %get3A_67, %mul3A_23 : vector<16xi32>
    %swap3A_69 = arith.constant 1 : i32
    %swap3A_70 = arith.index_cast %swap3A_69 : i32 to index
    %swap3A_71 = arith.constant 16 : index
    %swap3A_72 = tpu.vector_load %arg5[%swap3A_70, %swap3A_71] {strides = array<i32>} : memref<8x32xi32, #tpu.memory_space<vmem>>, vector<1x16xi32>,
    %swap3A_73 = vector.shape_cast %swap3A_72 : vector<1x16xi32> to vector<16xi32>
    %swap3A_74 = vector.shape_cast %add3A_68 : vector<16xi32> to vector<1x16xi32>
    tpu.vector_store %arg5[%swap3A_70, %swap3A_71], %swap3A_74 {strides = array<i32>} : memref<8x32xi32, #tpu.memory_space<vmem>>, vector<1x16xi32>,
    %add3A_75 = arith.constant 64 : i32
    %add3A_76 = arith.addi %mul3A_2, %add3A_75 : i32
    %run_scoped3A_77 = arith.constant 2 : i32
    "tpu.region"() ({
      %run_scoped3A_651 = tpu.sem_alloc : memref<!tpu.dma_semaphore, #tpu.memory_space<semaphore_mem>>
      %dma_start3A_652 = arith.constant 0 : i32
      %dma_start3A_653 = tpu.memref_slice %arg5[%run_scoped3A_77, %dma_start3A_652] : memref<8x32xi32, #tpu.memory_space<vmem>> -> memref<1x32xi32, #tpu.memory_space<vmem>>
      %dma_start3A_654 = tpu.memref_squeeze %dma_start3A_653 : memref<1x32xi32, #tpu.memory_space<vmem>> -> memref<32xi32, #tpu.memory_space<vmem>>
      %dma_start3A_655 = tpu.memref_slice %arg3[%add3A_76] : memref<8192xi32, #tpu.memory_space<hbm>> -> memref<32xi32, #tpu.memory_space<hbm>>
      %dma_start3A_656 = arith.constant 0 : i32
      %dma_start3A_657 = tpu.memref_slice %arg5[%run_scoped3A_77, %dma_start3A_656] : memref<8x32xi32, #tpu.memory_space<vmem>> -> memref<1x32xi32, #tpu.memory_space<vmem>>
      %dma_start3A_658 = tpu.memref_squeeze %dma_start3A_657 : memref<1x32xi32, #tpu.memory_space<vmem>> -> memref<32xi32, #tpu.memory_space<vmem>>
      %dma_start3A_659 = tpu.memref_slice %arg3[%add3A_76] : memref<8192xi32, #tpu.memory_space<hbm>> -> memref<32xi32, #tpu.memory_space<hbm>>
      tpu.enqueue_dma source(%dma_start3A_659 : memref<32xi32, #tpu.memory_space<hbm>>) target(%dma_start3A_658 : memref<32xi32, #tpu.memory_space<vmem>>) target_semaphore(%run_scoped3A_651 : memref<!tpu.dma_semaphore, #tpu.memory_space<semaphore_mem>>)
      %dma_wait3A_660 = arith.constant 0 : i32
      %dma_wait3A_661 = tpu.memref_slice %arg5[%run_scoped3A_77, %dma_wait3A_660] : memref<8x32xi32, #tpu.memory_space<vmem>> -> memref<1x32xi32, #tpu.memory_space<vmem>>
      %dma_wait3A_662 = tpu.memref_squeeze %dma_wait3A_661 : memref<1x32xi32, #tpu.memory_space<vmem>> -> memref<32xi32, #tpu.memory_space<vmem>>
      %dma_wait3A_663 = tpu.memref_slice %arg3[%add3A_76] : memref<8192xi32, #tpu.memory_space<hbm>> -> memref<32xi32, #tpu.memory_space<hbm>>
      %dma_wait3A_664 = arith.constant 0 : i32
      %dma_wait3A_665 = tpu.memref_slice %arg5[%run_scoped3A_77, %dma_wait3A_664] : memref<8x32xi32, #tpu.memory_space<vmem>> -> memref<1x32xi32, #tpu.memory_space<vmem>>
      %dma_wait3A_666 = tpu.memref_squeeze %dma_wait3A_665 : memref<1x32xi32, #tpu.memory_space<vmem>> -> memref<32xi32, #tpu.memory_space<vmem>>
      %dma_wait3A_667 = tpu.memref_slice %arg3[%add3A_76] : memref<8192xi32, #tpu.memory_space<hbm>> -> memref<32xi32, #tpu.memory_space<hbm>>
      tpu.wait_dma2 semaphore(%run_scoped3A_651 : memref<!tpu.dma_semaphore, #tpu.memory_space<semaphore_mem>>) src(%dma_wait3A_667 : memref<32xi32, #tpu.memory_space<hbm>>) dst(%dma_wait3A_666 : memref<32xi32, #tpu.memory_space<vmem>>)
      tpu.yield
    }) : () -> ()
    %get3A_78 = arith.constant 2 : i32
    %get3A_79 = arith.index_cast %get3A_78 : i32 to index
    %get3A_80 = arith.constant 0 : index
    %get3A_81 = tpu.vector_load %arg5[%get3A_79, %get3A_80] {strides = array<i32>} : memref<8x32xi32, #tpu.memory_space<vmem>>, vector<1x16xi32>,
    %get3A_82 = vector.shape_cast %get3A_81 : vector<1x16xi32> to vector<16xi32>
    %add3A_83 = arith.addi %get3A_82, %mul3A_23 : vector<16xi32>
    %swap3A_84 = arith.constant 2 : i32
    %swap3A_85 = arith.index_cast %swap3A_84 : i32 to index
    %swap3A_86 = arith.constant 0 : index
    %swap3A_87 = tpu.vector_load %arg5[%swap3A_85, %swap3A_86] {strides = array<i32>} : memref<8x32xi32, #tpu.memory_space<vmem>>, vector<1x16xi32>,
    %swap3A_88 = vector.shape_cast %swap3A_87 : vector<1x16xi32> to vector<16xi32>
    %swap3A_89 = vector.shape_cast %add3A_83 : vector<16xi32> to vector<1x16xi32>
    tpu.vector_store %arg5[%swap3A_85, %swap3A_86], %swap3A_89 {strides = array<i32>} : memref<8x32xi32, #tpu.memory_space<vmem>>, vector<1x16xi32>,
    %get3A_90 = arith.constant 2 : i32
    %get3A_91 = arith.index_cast %get3A_90 : i32 to index
    %get3A_92 = arith.constant 16 : index
    %get3A_93 = tpu.vector_load %arg5[%get3A_91, %get3A_92] {strides = array<i32>} : memref<8x32xi32, #tpu.memory_space<vmem>>, vector<1x16xi32>,
    %get3A_94 = vector.shape_cast %get3A_93 : vector<1x16xi32> to vector<16xi32>
    %add3A_95 = arith.addi %get3A_94, %mul3A_23 : vector<16xi32>
    %swap3A_96 = arith.constant 2 : i32
    %swap3A_97 = arith.index_cast %swap3A_96 : i32 to index
    %swap3A_98 = arith.constant 16 : index
    %swap3A_99 = tpu.vector_load %arg5[%swap3A_97, %swap3A_98] {strides = array<i32>} : memref<8x32xi32, #tpu.memory_space<vmem>>, vector<1x16xi32>,
    %swap3A_100 = vector.shape_cast %swap3A_99 : vector<1x16xi32> to vector<16xi32>
    %swap3A_101 = vector.shape_cast %add3A_95 : vector<16xi32> to vector<1x16xi32>
    tpu.vector_store %arg5[%swap3A_97, %swap3A_98], %swap3A_101 {strides = array<i32>} : memref<8x32xi32, #tpu.memory_space<vmem>>, vector<1x16xi32>,
    %add3A_102 = arith.constant 96 : i32
    %add3A_103 = arith.addi %mul3A_2, %add3A_102 : i32
    %run_scoped3A_104 = arith.constant 3 : i32
    "tpu.region"() ({
      %run_scoped3A_651 = tpu.sem_alloc : memref<!tpu.dma_semaphore, #tpu.memory_space<semaphore_mem>>
      %dma_start3A_652 = arith.constant 0 : i32
      %dma_start3A_653 = tpu.memref_slice %arg5[%run_scoped3A_104, %dma_start3A_652] : memref<8x32xi32, #tpu.memory_space<vmem>> -> memref<1x32xi32, #tpu.memory_space<vmem>>
      %dma_start3A_654 = tpu.memref_squeeze %dma_start3A_653 : memref<1x32xi32, #tpu.memory_space<vmem>> -> memref<32xi32, #tpu.memory_space<vmem>>
      %dma_start3A_655 = tpu.memref_slice %arg3[%add3A_103] : memref<8192xi32, #tpu.memory_space<hbm>> -> memref<32xi32, #tpu.memory_space<hbm>>
      %dma_start3A_656 = arith.constant 0 : i32
      %dma_start3A_657 = tpu.memref_slice %arg5[%run_scoped3A_104, %dma_start3A_656] : memref<8x32xi32, #tpu.memory_space<vmem>> -> memref<1x32xi32, #tpu.memory_space<vmem>>
      %dma_start3A_658 = tpu.memref_squeeze %dma_start3A_657 : memref<1x32xi32, #tpu.memory_space<vmem>> -> memref<32xi32, #tpu.memory_space<vmem>>
      %dma_start3A_659 = tpu.memref_slice %arg3[%add3A_103] : memref<8192xi32, #tpu.memory_space<hbm>> -> memref<32xi32, #tpu.memory_space<hbm>>
      tpu.enqueue_dma source(%dma_start3A_659 : memref<32xi32, #tpu.memory_space<hbm>>) target(%dma_start3A_658 : memref<32xi32, #tpu.memory_space<vmem>>) target_semaphore(%run_scoped3A_651 : memref<!tpu.dma_semaphore, #tpu.memory_space<semaphore_mem>>)
      %dma_wait3A_660 = arith.constant 0 : i32
      %dma_wait3A_661 = tpu.memref_slice %arg5[%run_scoped3A_104, %dma_wait3A_660] : memref<8x32xi32, #tpu.memory_space<vmem>> -> memref<1x32xi32, #tpu.memory_space<vmem>>
      %dma_wait3A_662 = tpu.memref_squeeze %dma_wait3A_661 : memref<1x32xi32, #tpu.memory_space<vmem>> -> memref<32xi32, #tpu.memory_space<vmem>>
      %dma_wait3A_663 = tpu.memref_slice %arg3[%add3A_103] : memref<8192xi32, #tpu.memory_space<hbm>> -> memref<32xi32, #tpu.memory_space<hbm>>
      %dma_wait3A_664 = arith.constant 0 : i32
      %dma_wait3A_665 = tpu.memref_slice %arg5[%run_scoped3A_104, %dma_wait3A_664] : memref<8x32xi32, #tpu.memory_space<vmem>> -> memref<1x32xi32, #tpu.memory_space<vmem>>
      %dma_wait3A_666 = tpu.memref_squeeze %dma_wait3A_665 : memref<1x32xi32, #tpu.memory_space<vmem>> -> memref<32xi32, #tpu.memory_space<vmem>>
      %dma_wait3A_667 = tpu.memref_slice %arg3[%add3A_103] : memref<8192xi32, #tpu.memory_space<hbm>> -> memref<32xi32, #tpu.memory_space<hbm>>
      tpu.wait_dma2 semaphore(%run_scoped3A_651 : memref<!tpu.dma_semaphore, #tpu.memory_space<semaphore_mem>>) src(%dma_wait3A_667 : memref<32xi32, #tpu.memory_space<hbm>>) dst(%dma_wait3A_666 : memref<32xi32, #tpu.memory_space<vmem>>)
      tpu.yield
    }) : () -> ()
    %get3A_105 = arith.constant 3 : i32
    %get3A_106 = arith.index_cast %get3A_105 : i32 to index
    %get3A_107 = arith.constant 0 : index
    %get3A_108 = tpu.vector_load %arg5[%get3A_106, %get3A_107] {strides = array<i32>} : memref<8x32xi32, #tpu.memory_space<vmem>>, vector<1x16xi32>,
    %get3A_109 = vector.shape_cast %get3A_108 : vector<1x16xi32> to vector<16xi32>
    %add3A_110 = arith.addi %get3A_109, %mul3A_23 : vector<16xi32>
    %swap3A_111 = arith.constant 3 : i32
    %swap3A_112 = arith.index_cast %swap3A_111 : i32 to index
    %swap3A_113 = arith.constant 0 : index
    %swap3A_114 = tpu.vector_load %arg5[%swap3A_112, %swap3A_113] {strides = array<i32>} : memref<8x32xi32, #tpu.memory_space<vmem>>, vector<1x16xi32>,
    %swap3A_115 = vector.shape_cast %swap3A_114 : vector<1x16xi32> to vector<16xi32>
    %swap3A_116 = vector.shape_cast %add3A_110 : vector<16xi32> to vector<1x16xi32>
    tpu.vector_store %arg5[%swap3A_112, %swap3A_113], %swap3A_116 {strides = array<i32>} : memref<8x32xi32, #tpu.memory_space<vmem>>, vector<1x16xi32>,
    %get3A_117 = arith.constant 3 : i32
    %get3A_118 = arith.index_cast %get3A_117 : i32 to index
    %get3A_119 = arith.constant 16 : index
    %get3A_120 = tpu.vector_load %arg5[%get3A_118, %get3A_119] {strides = array<i32>} : memref<8x32xi32, #tpu.memory_space<vmem>>, vector<1x16xi32>,
    %get3A_121 = vector.shape_cast %get3A_120 : vector<1x16xi32> to vector<16xi32>
    %add3A_122 = arith.addi %get3A_121, %mul3A_23 : vector<16xi32>
    %swap3A_123 = arith.constant 3 : i32
    %swap3A_124 = arith.index_cast %swap3A_123 : i32 to index
    %swap3A_125 = arith.constant 16 : index
    %swap3A_126 = tpu.vector_load %arg5[%swap3A_124, %swap3A_125] {strides = array<i32>} : memref<8x32xi32, #tpu.memory_space<vmem>>, vector<1x16xi32>,
    %swap3A_127 = vector.shape_cast %swap3A_126 : vector<1x16xi32> to vector<16xi32>
    %swap3A_128 = vector.shape_cast %add3A_122 : vector<16xi32> to vector<1x16xi32>
    tpu.vector_store %arg5[%swap3A_124, %swap3A_125], %swap3A_128 {strides = array<i32>} : memref<8x32xi32, #tpu.memory_space<vmem>>, vector<1x16xi32>,
    %add3A_129 = arith.constant 128 : i32
    %add3A_130 = arith.addi %mul3A_2, %add3A_129 : i32
    %run_scoped3A_131 = arith.constant 4 : i32
    "tpu.region"() ({
      %run_scoped3A_651 = tpu.sem_alloc : memref<!tpu.dma_semaphore, #tpu.memory_space<semaphore_mem>>
      %dma_start3A_652 = arith.constant 0 : i32
      %dma_start3A_653 = tpu.memref_slice %arg5[%run_scoped3A_131, %dma_start3A_652] : memref<8x32xi32, #tpu.memory_space<vmem>> -> memref<1x32xi32, #tpu.memory_space<vmem>>
      %dma_start3A_654 = tpu.memref_squeeze %dma_start3A_653 : memref<1x32xi32, #tpu.memory_space<vmem>> -> memref<32xi32, #tpu.memory_space<vmem>>
      %dma_start3A_655 = tpu.memref_slice %arg3[%add3A_130] : memref<8192xi32, #tpu.memory_space<hbm>> -> memref<32xi32, #tpu.memory_space<hbm>>
      %dma_start3A_656 = arith.constant 0 : i32
      %dma_start3A_657 = tpu.memref_slice %arg5[%run_scoped3A_131, %dma_start3A_656] : memref<8x32xi32, #tpu.memory_space<vmem>> -> memref<1x32xi32, #tpu.memory_space<vmem>>
      %dma_start3A_658 = tpu.memref_squeeze %dma_start3A_657 : memref<1x32xi32, #tpu.memory_space<vmem>> -> memref<32xi32, #tpu.memory_space<vmem>>
      %dma_start3A_659 = tpu.memref_slice %arg3[%add3A_130] : memref<8192xi32, #tpu.memory_space<hbm>> -> memref<32xi32, #tpu.memory_space<hbm>>
      tpu.enqueue_dma source(%dma_start3A_659 : memref<32xi32, #tpu.memory_space<hbm>>) target(%dma_start3A_658 : memref<32xi32, #tpu.memory_space<vmem>>) target_semaphore(%run_scoped3A_651 : memref<!tpu.dma_semaphore, #tpu.memory_space<semaphore_mem>>)
      %dma_wait3A_660 = arith.constant 0 : i32
      %dma_wait3A_661 = tpu.memref_slice %arg5[%run_scoped3A_131, %dma_wait3A_660] : memref<8x32xi32, #tpu.memory_space<vmem>> -> memref<1x32xi32, #tpu.memory_space<vmem>>
      %dma_wait3A_662 = tpu.memref_squeeze %dma_wait3A_661 : memref<1x32xi32, #tpu.memory_space<vmem>> -> memref<32xi32, #tpu.memory_space<vmem>>
      %dma_wait3A_663 = tpu.memref_slice %arg3[%add3A_130] : memref<8192xi32, #tpu.memory_space<hbm>> -> memref<32xi32, #tpu.memory_space<hbm>>
      %dma_wait3A_664 = arith.constant 0 : i32
      %dma_wait3A_665 = tpu.memref_slice %arg5[%run_scoped3A_131, %dma_wait3A_664] : memref<8x32xi32, #tpu.memory_space<vmem>> -> memref<1x32xi32, #tpu.memory_space<vmem>>
      %dma_wait3A_666 = tpu.memref_squeeze %dma_wait3A_665 : memref<1x32xi32, #tpu.memory_space<vmem>> -> memref<32xi32, #tpu.memory_space<vmem>>
      %dma_wait3A_667 = tpu.memref_slice %arg3[%add3A_130] : memref<8192xi32, #tpu.memory_space<hbm>> -> memref<32xi32, #tpu.memory_space<hbm>>
      tpu.wait_dma2 semaphore(%run_scoped3A_651 : memref<!tpu.dma_semaphore, #tpu.memory_space<semaphore_mem>>) src(%dma_wait3A_667 : memref<32xi32, #tpu.memory_space<hbm>>) dst(%dma_wait3A_666 : memref<32xi32, #tpu.memory_space<vmem>>)
      tpu.yield
    }) : () -> ()
    %get3A_132 = arith.constant 4 : i32
    %get3A_133 = arith.index_cast %get3A_132 : i32 to index
    %get3A_134 = arith.constant 0 : index
    %get3A_135 = tpu.vector_load %arg5[%get3A_133, %get3A_134] {strides = array<i32>} : memref<8x32xi32, #tpu.memory_space<vmem>>, vector<1x16xi32>,
    %get3A_136 = vector.shape_cast %get3A_135 : vector<1x16xi32> to vector<16xi32>
    %add3A_137 = arith.addi %get3A_136, %mul3A_23 : vector<16xi32>
    %swap3A_138 = arith.constant 4 : i32
    %swap3A_139 = arith.index_cast %swap3A_138 : i32 to index
    %swap3A_140 = arith.constant 0 : index
    %swap3A_141 = tpu.vector_load %arg5[%swap3A_139, %swap3A_140] {strides = array<i32>} : memref<8x32xi32, #tpu.memory_space<vmem>>, vector<1x16xi32>,
    %swap3A_142 = vector.shape_cast %swap3A_141 : vector<1x16xi32> to vector<16xi32>
    %swap3A_143 = vector.shape_cast %add3A_137 : vector<16xi32> to vector<1x16xi32>
    tpu.vector_store %arg5[%swap3A_139, %swap3A_140], %swap3A_143 {strides = array<i32>} : memref<8x32xi32, #tpu.memory_space<vmem>>, vector<1x16xi32>,
    %get3A_144 = arith.constant 4 : i32
    %get3A_145 = arith.index_cast %get3A_144 : i32 to index
    %get3A_146 = arith.constant 16 : index
    %get3A_147 = tpu.vector_load %arg5[%get3A_145, %get3A_146] {strides = array<i32>} : memref<8x32xi32, #tpu.memory_space<vmem>>, vector<1x16xi32>,
    %get3A_148 = vector.shape_cast %get3A_147 : vector<1x16xi32> to vector<16xi32>
    %add3A_149 = arith.addi %get3A_148, %mul3A_23 : vector<16xi32>
    %swap3A_150 = arith.constant 4 : i32
    %swap3A_151 = arith.index_cast %swap3A_150 : i32 to index
    %swap3A_152 = arith.constant 16 : index
    %swap3A_153 = tpu.vector_load %arg5[%swap3A_151, %swap3A_152] {strides = array<i32>} : memref<8x32xi32, #tpu.memory_space<vmem>>, vector<1x16xi32>,
    %swap3A_154 = vector.shape_cast %swap3A_153 : vector<1x16xi32> to vector<16xi32>
    %swap3A_155 = vector.shape_cast %add3A_149 : vector<16xi32> to vector<1x16xi32>
    tpu.vector_store %arg5[%swap3A_151, %swap3A_152], %swap3A_155 {strides = array<i32>} : memref<8x32xi32, #tpu.memory_space<vmem>>, vector<1x16xi32>,
    %add3A_156 = arith.constant 160 : i32
    %add3A_157 = arith.addi %mul3A_2, %add3A_156 : i32
    %run_scoped3A_158 = arith.constant 5 : i32
    "tpu.region"() ({
      %run_scoped3A_651 = tpu.sem_alloc : memref<!tpu.dma_semaphore, #tpu.memory_space<semaphore_mem>>
      %dma_start3A_652 = arith.constant 0 : i32
      %dma_start3A_653 = tpu.memref_slice %arg5[%run_scoped3A_158, %dma_start3A_652] : memref<8x32xi32, #tpu.memory_space<vmem>> -> memref<1x32xi32, #tpu.memory_space<vmem>>
      %dma_start3A_654 = tpu.memref_squeeze %dma_start3A_653 : memref<1x32xi32, #tpu.memory_space<vmem>> -> memref<32xi32, #tpu.memory_space<vmem>>
      %dma_start3A_655 = tpu.memref_slice %arg3[%add3A_157] : memref<8192xi32, #tpu.memory_space<hbm>> -> memref<32xi32, #tpu.memory_space<hbm>>
      %dma_start3A_656 = arith.constant 0 : i32
      %dma_start3A_657 = tpu.memref_slice %arg5[%run_scoped3A_158, %dma_start3A_656] : memref<8x32xi32, #tpu.memory_space<vmem>> -> memref<1x32xi32, #tpu.memory_space<vmem>>
      %dma_start3A_658 = tpu.memref_squeeze %dma_start3A_657 : memref<1x32xi32, #tpu.memory_space<vmem>> -> memref<32xi32, #tpu.memory_space<vmem>>
      %dma_start3A_659 = tpu.memref_slice %arg3[%add3A_157] : memref<8192xi32, #tpu.memory_space<hbm>> -> memref<32xi32, #tpu.memory_space<hbm>>
      tpu.enqueue_dma source(%dma_start3A_659 : memref<32xi32, #tpu.memory_space<hbm>>) target(%dma_start3A_658 : memref<32xi32, #tpu.memory_space<vmem>>) target_semaphore(%run_scoped3A_651 : memref<!tpu.dma_semaphore, #tpu.memory_space<semaphore_mem>>)
      %dma_wait3A_660 = arith.constant 0 : i32
      %dma_wait3A_661 = tpu.memref_slice %arg5[%run_scoped3A_158, %dma_wait3A_660] : memref<8x32xi32, #tpu.memory_space<vmem>> -> memref<1x32xi32, #tpu.memory_space<vmem>>
      %dma_wait3A_662 = tpu.memref_squeeze %dma_wait3A_661 : memref<1x32xi32, #tpu.memory_space<vmem>> -> memref<32xi32, #tpu.memory_space<vmem>>
      %dma_wait3A_663 = tpu.memref_slice %arg3[%add3A_157] : memref<8192xi32, #tpu.memory_space<hbm>> -> memref<32xi32, #tpu.memory_space<hbm>>
      %dma_wait3A_664 = arith.constant 0 : i32
      %dma_wait3A_665 = tpu.memref_slice %arg5[%run_scoped3A_158, %dma_wait3A_664] : memref<8x32xi32, #tpu.memory_space<vmem>> -> memref<1x32xi32, #tpu.memory_space<vmem>>
      %dma_wait3A_666 = tpu.memref_squeeze %dma_wait3A_665 : memref<1x32xi32, #tpu.memory_space<vmem>> -> memref<32xi32, #tpu.memory_space<vmem>>
      %dma_wait3A_667 = tpu.memref_slice %arg3[%add3A_157] : memref<8192xi32, #tpu.memory_space<hbm>> -> memref<32xi32, #tpu.memory_space<hbm>>
      tpu.wait_dma2 semaphore(%run_scoped3A_651 : memref<!tpu.dma_semaphore, #tpu.memory_space<semaphore_mem>>) src(%dma_wait3A_667 : memref<32xi32, #tpu.memory_space<hbm>>) dst(%dma_wait3A_666 : memref<32xi32, #tpu.memory_space<vmem>>)
      tpu.yield
    }) : () -> ()
    %get3A_159 = arith.constant 5 : i32
    %get3A_160 = arith.index_cast %get3A_159 : i32 to index
    %get3A_161 = arith.constant 0 : index
    %get3A_162 = tpu.vector_load %arg5[%get3A_160, %get3A_161] {strides = array<i32>} : memref<8x32xi32, #tpu.memory_space<vmem>>, vector<1x16xi32>,
    %get3A_163 = vector.shape_cast %get3A_162 : vector<1x16xi32> to vector<16xi32>
    %add3A_164 = arith.addi %get3A_163, %mul3A_23 : vector<16xi32>
    %swap3A_165 = arith.constant 5 : i32
    %swap3A_166 = arith.index_cast %swap3A_165 : i32 to index
    %swap3A_167 = arith.constant 0 : index
    %swap3A_168 = tpu.vector_load %arg5[%swap3A_166, %swap3A_167] {strides = array<i32>} : memref<8x32xi32, #tpu.memory_space<vmem>>, vector<1x16xi32>,
    %swap3A_169 = vector.shape_cast %swap3A_168 : vector<1x16xi32> to vector<16xi32>
    %swap3A_170 = vector.shape_cast %add3A_164 : vector<16xi32> to vector<1x16xi32>
    tpu.vector_store %arg5[%swap3A_166, %swap3A_167], %swap3A_170 {strides = array<i32>} : memref<8x32xi32, #tpu.memory_space<vmem>>, vector<1x16xi32>,
    %get3A_171 = arith.constant 5 : i32
    %get3A_172 = arith.index_cast %get3A_171 : i32 to index
    %get3A_173 = arith.constant 16 : index
    %get3A_174 = tpu.vector_load %arg5[%get3A_172, %get3A_173] {strides = array<i32>} : memref<8x32xi32, #tpu.memory_space<vmem>>, vector<1x16xi32>,
    %get3A_175 = vector.shape_cast %get3A_174 : vector<1x16xi32> to vector<16xi32>
    %add3A_176 = arith.addi %get3A_175, %mul3A_23 : vector<16xi32>
    %swap3A_177 = arith.constant 5 : i32
    %swap3A_178 = arith.index_cast %swap3A_177 : i32 to index
    %swap3A_179 = arith.constant 16 : index
    %swap3A_180 = tpu.vector_load %arg5[%swap3A_178, %swap3A_179] {strides = array<i32>} : memref<8x32xi32, #tpu.memory_space<vmem>>, vector<1x16xi32>,
    %swap3A_181 = vector.shape_cast %swap3A_180 : vector<1x16xi32> to vector<16xi32>
    %swap3A_182 = vector.shape_cast %add3A_176 : vector<16xi32> to vector<1x16xi32>
    tpu.vector_store %arg5[%swap3A_178, %swap3A_179], %swap3A_182 {strides = array<i32>} : memref<8x32xi32, #tpu.memory_space<vmem>>, vector<1x16xi32>,
    %add3A_183 = arith.constant 192 : i32
    %add3A_184 = arith.addi %mul3A_2, %add3A_183 : i32
    %run_scoped3A_185 = arith.constant 6 : i32
    "tpu.region"() ({
      %run_scoped3A_651 = tpu.sem_alloc : memref<!tpu.dma_semaphore, #tpu.memory_space<semaphore_mem>>
      %dma_start3A_652 = arith.constant 0 : i32
      %dma_start3A_653 = tpu.memref_slice %arg5[%run_scoped3A_185, %dma_start3A_652] : memref<8x32xi32, #tpu.memory_space<vmem>> -> memref<1x32xi32, #tpu.memory_space<vmem>>
      %dma_start3A_654 = tpu.memref_squeeze %dma_start3A_653 : memref<1x32xi32, #tpu.memory_space<vmem>> -> memref<32xi32, #tpu.memory_space<vmem>>
      %dma_start3A_655 = tpu.memref_slice %arg3[%add3A_184] : memref<8192xi32, #tpu.memory_space<hbm>> -> memref<32xi32, #tpu.memory_space<hbm>>
      %dma_start3A_656 = arith.constant 0 : i32
      %dma_start3A_657 = tpu.memref_slice %arg5[%run_scoped3A_185, %dma_start3A_656] : memref<8x32xi32, #tpu.memory_space<vmem>> -> memref<1x32xi32, #tpu.memory_space<vmem>>
      %dma_start3A_658 = tpu.memref_squeeze %dma_start3A_657 : memref<1x32xi32, #tpu.memory_space<vmem>> -> memref<32xi32, #tpu.memory_space<vmem>>
      %dma_start3A_659 = tpu.memref_slice %arg3[%add3A_184] : memref<8192xi32, #tpu.memory_space<hbm>> -> memref<32xi32, #tpu.memory_space<hbm>>
      tpu.enqueue_dma source(%dma_start3A_659 : memref<32xi32, #tpu.memory_space<hbm>>) target(%dma_start3A_658 : memref<32xi32, #tpu.memory_space<vmem>>) target_semaphore(%run_scoped3A_651 : memref<!tpu.dma_semaphore, #tpu.memory_space<semaphore_mem>>)
      %dma_wait3A_660 = arith.constant 0 : i32
      %dma_wait3A_661 = tpu.memref_slice %arg5[%run_scoped3A_185, %dma_wait3A_660] : memref<8x32xi32, #tpu.memory_space<vmem>> -> memref<1x32xi32, #tpu.memory_space<vmem>>
      %dma_wait3A_662 = tpu.memref_squeeze %dma_wait3A_661 : memref<1x32xi32, #tpu.memory_space<vmem>> -> memref<32xi32, #tpu.memory_space<vmem>>
      %dma_wait3A_663 = tpu.memref_slice %arg3[%add3A_184] : memref<8192xi32, #tpu.memory_space<hbm>> -> memref<32xi32, #tpu.memory_space<hbm>>
      %dma_wait3A_664 = arith.constant 0 : i32
      %dma_wait3A_665 = tpu.memref_slice %arg5[%run_scoped3A_185, %dma_wait3A_664] : memref<8x32xi32, #tpu.memory_space<vmem>> -> memref<1x32xi32, #tpu.memory_space<vmem>>
      %dma_wait3A_666 = tpu.memref_squeeze %dma_wait3A_665 : memref<1x32xi32, #tpu.memory_space<vmem>> -> memref<32xi32, #tpu.memory_space<vmem>>
      %dma_wait3A_667 = tpu.memref_slice %arg3[%add3A_184] : memref<8192xi32, #tpu.memory_space<hbm>> -> memref<32xi32, #tpu.memory_space<hbm>>
      tpu.wait_dma2 semaphore(%run_scoped3A_651 : memref<!tpu.dma_semaphore, #tpu.memory_space<semaphore_mem>>) src(%dma_wait3A_667 : memref<32xi32, #tpu.memory_space<hbm>>) dst(%dma_wait3A_666 : memref<32xi32, #tpu.memory_space<vmem>>)
      tpu.yield
    }) : () -> ()
    %get3A_186 = arith.constant 6 : i32
    %get3A_187 = arith.index_cast %get3A_186 : i32 to index
    %get3A_188 = arith.constant 0 : index
    %get3A_189 = tpu.vector_load %arg5[%get3A_187, %get3A_188] {strides = array<i32>} : memref<8x32xi32, #tpu.memory_space<vmem>>, vector<1x16xi32>,
    %get3A_190 = vector.shape_cast %get3A_189 : vector<1x16xi32> to vector<16xi32>
    %add3A_191 = arith.addi %get3A_190, %mul3A_23 : vector<16xi32>
    %swap3A_192 = arith.constant 6 : i32
    %swap3A_193 = arith.index_cast %swap3A_192 : i32 to index
    %swap3A_194 = arith.constant 0 : index
    %swap3A_195 = tpu.vector_load %arg5[%swap3A_193, %swap3A_194] {strides = array<i32>} : memref<8x32xi32, #tpu.memory_space<vmem>>, vector<1x16xi32>,
    %swap3A_196 = vector.shape_cast %swap3A_195 : vector<1x16xi32> to vector<16xi32>
    %swap3A_197 = vector.shape_cast %add3A_191 : vector<16xi32> to vector<1x16xi32>
    tpu.vector_store %arg5[%swap3A_193, %swap3A_194], %swap3A_197 {strides = array<i32>} : memref<8x32xi32, #tpu.memory_space<vmem>>, vector<1x16xi32>,
    %get3A_198 = arith.constant 6 : i32
    %get3A_199 = arith.index_cast %get3A_198 : i32 to index
    %get3A_200 = arith.constant 16 : index
    %get3A_201 = tpu.vector_load %arg5[%get3A_199, %get3A_200] {strides = array<i32>} : memref<8x32xi32, #tpu.memory_space<vmem>>, vector<1x16xi32>,
    %get3A_202 = vector.shape_cast %get3A_201 : vector<1x16xi32> to vector<16xi32>
    %add3A_203 = arith.addi %get3A_202, %mul3A_23 : vector<16xi32>
    %swap3A_204 = arith.constant 6 : i32
    %swap3A_205 = arith.index_cast %swap3A_204 : i32 to index
    %swap3A_206 = arith.constant 16 : index
    %swap3A_207 = tpu.vector_load %arg5[%swap3A_205, %swap3A_206] {strides = array<i32>} : memref<8x32xi32, #tpu.memory_space<vmem>>, vector<1x16xi32>,
    %swap3A_208 = vector.shape_cast %swap3A_207 : vector<1x16xi32> to vector<16xi32>
    %swap3A_209 = vector.shape_cast %add3A_203 : vector<16xi32> to vector<1x16xi32>
    tpu.vector_store %arg5[%swap3A_205, %swap3A_206], %swap3A_209 {strides = array<i32>} : memref<8x32xi32, #tpu.memory_space<vmem>>, vector<1x16xi32>,
    %add3A_210 = arith.constant 224 : i32
    %add3A_211 = arith.addi %mul3A_2, %add3A_210 : i32
    %run_scoped3A_212 = arith.constant 7 : i32
    "tpu.region"() ({
      %run_scoped3A_651 = tpu.sem_alloc : memref<!tpu.dma_semaphore, #tpu.memory_space<semaphore_mem>>
      %dma_start3A_652 = arith.constant 0 : i32
      %dma_start3A_653 = tpu.memref_slice %arg5[%run_scoped3A_212, %dma_start3A_652] : memref<8x32xi32, #tpu.memory_space<vmem>> -> memref<1x32xi32, #tpu.memory_space<vmem>>
      %dma_start3A_654 = tpu.memref_squeeze %dma_start3A_653 : memref<1x32xi32, #tpu.memory_space<vmem>> -> memref<32xi32, #tpu.memory_space<vmem>>
      %dma_start3A_655 = tpu.memref_slice %arg3[%add3A_211] : memref<8192xi32, #tpu.memory_space<hbm>> -> memref<32xi32, #tpu.memory_space<hbm>>
      %dma_start3A_656 = arith.constant 0 : i32
      %dma_start3A_657 = tpu.memref_slice %arg5[%run_scoped3A_212, %dma_start3A_656] : memref<8x32xi32, #tpu.memory_space<vmem>> -> memref<1x32xi32, #tpu.memory_space<vmem>>
      %dma_start3A_658 = tpu.memref_squeeze %dma_start3A_657 : memref<1x32xi32, #tpu.memory_space<vmem>> -> memref<32xi32, #tpu.memory_space<vmem>>
      %dma_start3A_659 = tpu.memref_slice %arg3[%add3A_211] : memref<8192xi32, #tpu.memory_space<hbm>> -> memref<32xi32, #tpu.memory_space<hbm>>
      tpu.enqueue_dma source(%dma_start3A_659 : memref<32xi32, #tpu.memory_space<hbm>>) target(%dma_start3A_658 : memref<32xi32, #tpu.memory_space<vmem>>) target_semaphore(%run_scoped3A_651 : memref<!tpu.dma_semaphore, #tpu.memory_space<semaphore_mem>>)
      %dma_wait3A_660 = arith.constant 0 : i32
      %dma_wait3A_661 = tpu.memref_slice %arg5[%run_scoped3A_212, %dma_wait3A_660] : memref<8x32xi32, #tpu.memory_space<vmem>> -> memref<1x32xi32, #tpu.memory_space<vmem>>
      %dma_wait3A_662 = tpu.memref_squeeze %dma_wait3A_661 : memref<1x32xi32, #tpu.memory_space<vmem>> -> memref<32xi32, #tpu.memory_space<vmem>>
      %dma_wait3A_663 = tpu.memref_slice %arg3[%add3A_211] : memref<8192xi32, #tpu.memory_space<hbm>> -> memref<32xi32, #tpu.memory_space<hbm>>
      %dma_wait3A_664 = arith.constant 0 : i32
      %dma_wait3A_665 = tpu.memref_slice %arg5[%run_scoped3A_212, %dma_wait3A_664] : memref<8x32xi32, #tpu.memory_space<vmem>> -> memref<1x32xi32, #tpu.memory_space<vmem>>
      %dma_wait3A_666 = tpu.memref_squeeze %dma_wait3A_665 : memref<1x32xi32, #tpu.memory_space<vmem>> -> memref<32xi32, #tpu.memory_space<vmem>>
      %dma_wait3A_667 = tpu.memref_slice %arg3[%add3A_211] : memref<8192xi32, #tpu.memory_space<hbm>> -> memref<32xi32, #tpu.memory_space<hbm>>
      tpu.wait_dma2 semaphore(%run_scoped3A_651 : memref<!tpu.dma_semaphore, #tpu.memory_space<semaphore_mem>>) src(%dma_wait3A_667 : memref<32xi32, #tpu.memory_space<hbm>>) dst(%dma_wait3A_666 : memref<32xi32, #tpu.memory_space<vmem>>)
      tpu.yield
    }) : () -> ()
    %get3A_213 = arith.constant 7 : i32
    %get3A_214 = arith.index_cast %get3A_213 : i32 to index
    %get3A_215 = arith.constant 0 : index
    %get3A_216 = tpu.vector_load %arg5[%get3A_214, %get3A_215] {strides = array<i32>} : memref<8x32xi32, #tpu.memory_space<vmem>>, vector<1x16xi32>,
    %get3A_217 = vector.shape_cast %get3A_216 : vector<1x16xi32> to vector<16xi32>
    %add3A_218 = arith.addi %get3A_217, %mul3A_23 : vector<16xi32>
    %swap3A_219 = arith.constant 7 : i32
    %swap3A_220 = arith.index_cast %swap3A_219 : i32 to index
    %swap3A_221 = arith.constant 0 : index
    %swap3A_222 = tpu.vector_load %arg5[%swap3A_220, %swap3A_221] {strides = array<i32>} : memref<8x32xi32, #tpu.memory_space<vmem>>, vector<1x16xi32>,
    %swap3A_223 = vector.shape_cast %swap3A_222 : vector<1x16xi32> to vector<16xi32>
    %swap3A_224 = vector.shape_cast %add3A_218 : vector<16xi32> to vector<1x16xi32>
    tpu.vector_store %arg5[%swap3A_220, %swap3A_221], %swap3A_224 {strides = array<i32>} : memref<8x32xi32, #tpu.memory_space<vmem>>, vector<1x16xi32>,
    %get3A_225 = arith.constant 7 : i32
    %get3A_226 = arith.index_cast %get3A_225 : i32 to index
    %get3A_227 = arith.constant 16 : index
    %get3A_228 = tpu.vector_load %arg5[%get3A_226, %get3A_227] {strides = array<i32>} : memref<8x32xi32, #tpu.memory_space<vmem>>, vector<1x16xi32>,
    %get3A_229 = vector.shape_cast %get3A_228 : vector<1x16xi32> to vector<16xi32>
    %add3A_230 = arith.addi %get3A_229, %mul3A_23 : vector<16xi32>
    %swap3A_231 = arith.constant 7 : i32
    %swap3A_232 = arith.index_cast %swap3A_231 : i32 to index
    %swap3A_233 = arith.constant 16 : index
    %swap3A_234 = tpu.vector_load %arg5[%swap3A_232, %swap3A_233] {strides = array<i32>} : memref<8x32xi32, #tpu.memory_space<vmem>>, vector<1x16xi32>,
    %swap3A_235 = vector.shape_cast %swap3A_234 : vector<1x16xi32> to vector<16xi32>
    %swap3A_236 = vector.shape_cast %add3A_230 : vector<16xi32> to vector<1x16xi32>
    tpu.vector_store %arg5[%swap3A_232, %swap3A_233], %swap3A_236 {strides = array<i32>} : memref<8x32xi32, #tpu.memory_space<vmem>>, vector<1x16xi32>,
    %dma_start3A = arith.constant 0 : i32
    %dma_start3A_237 = arith.constant 0 : i32
    %dma_start3A_238 = arith.constant 0 : i32
    %dma_start3A_239 = arith.constant 0 : i32
    %dma_start3A_240 = tpu.memref_slice %arg6[%dma_start3A_237, %dma_start3A_238, %dma_start3A_239] : memref<2x32x1024xf32, #tpu.memory_space<vmem>> -> memref<1x32x1024xf32, #tpu.memory_space<vmem>>
    %dma_start3A_241 = tpu.memref_squeeze %dma_start3A_240 : memref<1x32x1024xf32, #tpu.memory_space<vmem>> -> memref<32x1024xf32, #tpu.memory_space<vmem>>
    %dma_start3A_242 = arith.constant 0 : i32
    %dma_start3A_243 = tpu.memref_slice %arg5[%dma_start3A, %dma_start3A_242] : memref<8x32xi32, #tpu.memory_space<vmem>> -> memref<1x32xi32, #tpu.memory_space<vmem>>
    %dma_start3A_244 = tpu.memref_squeeze %dma_start3A_243 : memref<1x32xi32, #tpu.memory_space<vmem>> -> memref<32xi32, #tpu.memory_space<vmem>>
    %dma_start3A_245 = arith.constant 0 : i32
    %dma_start3A_246 = arith.constant 0 : i32
    %dma_start3A_247 = tpu.memref_slice %arg2[%dma_start3A_245, %dma_start3A_246] : memref<8192x1024xf32, #tpu.memory_space<hbm>> -> memref<8192x1024xf32, #tpu.memory_space<hbm>>
    tpu.enqueue_indirect_dma source(%dma_start3A_247 : memref<8192x1024xf32, #tpu.memory_space<hbm>>) target(%dma_start3A_241 : memref<32x1024xf32, #tpu.memory_space<vmem>>) offsets(%dma_start3A_244 : memref<32xi32, #tpu.memory_space<vmem>>) semaphore(%arg7 : memref<!tpu.dma_semaphore, #tpu.memory_space<semaphore_mem>>)
    %dma_start3A_248 = arith.constant 1 : i32
    %dma_start3A_249 = arith.constant 1 : i32
    %dma_start3A_250 = arith.constant 0 : i32
    %dma_start3A_251 = arith.constant 0 : i32
    %dma_start3A_252 = tpu.memref_slice %arg6[%dma_start3A_249, %dma_start3A_250, %dma_start3A_251] : memref<2x32x1024xf32, #tpu.memory_space<vmem>> -> memref<1x32x1024xf32, #tpu.memory_space<vmem>>
    %dma_start3A_253 = tpu.memref_squeeze %dma_start3A_252 : memref<1x32x1024xf32, #tpu.memory_space<vmem>> -> memref<32x1024xf32, #tpu.memory_space<vmem>>
    %dma_start3A_254 = arith.constant 0 : i32
    %dma_start3A_255 = tpu.memref_slice %arg5[%dma_start3A_248, %dma_start3A_254] : memref<8x32xi32, #tpu.memory_space<vmem>> -> memref<1x32xi32, #tpu.memory_space<vmem>>
    %dma_start3A_256 = tpu.memref_squeeze %dma_start3A_255 : memref<1x32xi32, #tpu.memory_space<vmem>> -> memref<32xi32, #tpu.memory_space<vmem>>
    %dma_start3A_257 = arith.constant 0 : i32
    %dma_start3A_258 = arith.constant 0 : i32
    %dma_start3A_259 = tpu.memref_slice %arg2[%dma_start3A_257, %dma_start3A_258] : memref<8192x1024xf32, #tpu.memory_space<hbm>> -> memref<8192x1024xf32, #tpu.memory_space<hbm>>
    tpu.enqueue_indirect_dma source(%dma_start3A_259 : memref<8192x1024xf32, #tpu.memory_space<hbm>>) target(%dma_start3A_253 : memref<32x1024xf32, #tpu.memory_space<vmem>>) offsets(%dma_start3A_256 : memref<32xi32, #tpu.memory_space<vmem>>) semaphore(%arg8 : memref<!tpu.dma_semaphore, #tpu.memory_space<semaphore_mem>>)
    %dma_wait3A = arith.constant 0 : i32
    %dma_wait3A_260 = arith.constant 0 : i32
    %dma_wait3A_261 = arith.constant 0 : i32
    %dma_wait3A_262 = arith.constant 0 : i32
    %dma_wait3A_263 = tpu.memref_slice %arg6[%dma_wait3A_260, %dma_wait3A_261, %dma_wait3A_262] : memref<2x32x1024xf32, #tpu.memory_space<vmem>> -> memref<1x32x1024xf32, #tpu.memory_space<vmem>>
    %dma_wait3A_264 = tpu.memref_squeeze %dma_wait3A_263 : memref<1x32x1024xf32, #tpu.memory_space<vmem>> -> memref<32x1024xf32, #tpu.memory_space<vmem>>
    %dma_wait3A_265 = arith.constant 0 : i32
    %dma_wait3A_266 = tpu.memref_slice %arg5[%dma_wait3A, %dma_wait3A_265] : memref<8x32xi32, #tpu.memory_space<vmem>> -> memref<1x32xi32, #tpu.memory_space<vmem>>
    %dma_wait3A_267 = tpu.memref_squeeze %dma_wait3A_266 : memref<1x32xi32, #tpu.memory_space<vmem>> -> memref<32xi32, #tpu.memory_space<vmem>>
    %dma_wait3A_268 = arith.constant 0 : i32
    %dma_wait3A_269 = arith.constant 0 : i32
    %dma_wait3A_270 = tpu.memref_slice %arg2[%dma_wait3A_268, %dma_wait3A_269] : memref<8192x1024xf32, #tpu.memory_space<hbm>> -> memref<8192x1024xf32, #tpu.memory_space<hbm>>
    tpu.wait_indirect_dma semaphore(%arg7 : memref<!tpu.dma_semaphore, #tpu.memory_space<semaphore_mem>>) src(%dma_wait3A_270 : memref<8192x1024xf32, #tpu.memory_space<hbm>>) dst(%dma_wait3A_264 : memref<32x1024xf32, #tpu.memory_space<vmem>>)
    %add3A_271 = arith.constant 0 : i32
    %add3A_272 = arith.addi %mul3A_2, %add3A_271 : i32
    %dma_start3A_273 = arith.constant 0 : i32
    %dma_start3A_274 = arith.constant 0 : i32
    %dma_start3A_275 = arith.constant 0 : i32
    %dma_start3A_276 = tpu.memref_slice %arg6[%dma_start3A_273, %dma_start3A_274, %dma_start3A_275] : memref<2x32x1024xf32, #tpu.memory_space<vmem>> -> memref<1x32x1024xf32, #tpu.memory_space<vmem>>
    %dma_start3A_277 = tpu.memref_squeeze %dma_start3A_276 : memref<1x32x1024xf32, #tpu.memory_space<vmem>> -> memref<32x1024xf32, #tpu.memory_space<vmem>>
    %dma_start3A_278 = arith.constant 0 : i32
    %dma_start3A_279 = tpu.memref_slice %arg4[%add3A_272, %dma_start3A_278] : memref<8192x1024xf32, #tpu.memory_space<hbm>> -> memref<32x1024xf32, #tpu.memory_space<hbm>>
    %dma_start3A_280 = arith.constant 0 : i32
    %dma_start3A_281 = tpu.memref_slice %arg4[%add3A_272, %dma_start3A_280] : memref<8192x1024xf32, #tpu.memory_space<hbm>> -> memref<32x1024xf32, #tpu.memory_space<hbm>>
    %dma_start3A_282 = arith.constant 0 : i32
    %dma_start3A_283 = arith.constant 0 : i32
    %dma_start3A_284 = tpu.memref_slice %arg6[%dma_start3A_273, %dma_start3A_282, %dma_start3A_283] : memref<2x32x1024xf32, #tpu.memory_space<vmem>> -> memref<1x32x1024xf32, #tpu.memory_space<vmem>>
    %dma_start3A_285 = tpu.memref_squeeze %dma_start3A_284 : memref<1x32x1024xf32, #tpu.memory_space<vmem>> -> memref<32x1024xf32, #tpu.memory_space<vmem>>
    tpu.enqueue_dma source(%dma_start3A_285 : memref<32x1024xf32, #tpu.memory_space<vmem>>) target(%dma_start3A_281 : memref<32x1024xf32, #tpu.memory_space<hbm>>) target_semaphore(%arg9 : memref<!tpu.dma_semaphore, #tpu.memory_space<semaphore_mem>>)
    %dma_wait3A_286 = arith.constant 0 : i32
    %dma_wait3A_287 = arith.constant 0 : i32
    %dma_wait3A_288 = arith.constant 0 : i32
    %dma_wait3A_289 = tpu.memref_slice %arg6[%dma_wait3A_286, %dma_wait3A_287, %dma_wait3A_288] : memref<2x32x1024xf32, #tpu.memory_space<vmem>> -> memref<1x32x1024xf32, #tpu.memory_space<vmem>>
    %dma_wait3A_290 = tpu.memref_squeeze %dma_wait3A_289 : memref<1x32x1024xf32, #tpu.memory_space<vmem>> -> memref<32x1024xf32, #tpu.memory_space<vmem>>
    %dma_wait3A_291 = arith.constant 0 : i32
    %dma_wait3A_292 = tpu.memref_slice %arg4[%add3A_272, %dma_wait3A_291] : memref<8192x1024xf32, #tpu.memory_space<hbm>> -> memref<32x1024xf32, #tpu.memory_space<hbm>>
    %dma_wait3A_293 = arith.constant 0 : i32
    %dma_wait3A_294 = tpu.memref_slice %arg4[%add3A_272, %dma_wait3A_293] : memref<8192x1024xf32, #tpu.memory_space<hbm>> -> memref<32x1024xf32, #tpu.memory_space<hbm>>
    %dma_wait3A_295 = arith.constant 0 : i32
    %dma_wait3A_296 = arith.constant 0 : i32
    %dma_wait3A_297 = tpu.memref_slice %arg6[%dma_wait3A_286, %dma_wait3A_295, %dma_wait3A_296] : memref<2x32x1024xf32, #tpu.memory_space<vmem>> -> memref<1x32x1024xf32, #tpu.memory_space<vmem>>
    %dma_wait3A_298 = tpu.memref_squeeze %dma_wait3A_297 : memref<1x32x1024xf32, #tpu.memory_space<vmem>> -> memref<32x1024xf32, #tpu.memory_space<vmem>>
    tpu.wait_dma2 semaphore(%arg9 : memref<!tpu.dma_semaphore, #tpu.memory_space<semaphore_mem>>) src(%dma_wait3A_298 : memref<32x1024xf32, #tpu.memory_space<vmem>>) dst(%dma_wait3A_294 : memref<32x1024xf32, #tpu.memory_space<hbm>>)
    %dma_start3A_299 = arith.constant 2 : i32
    %dma_start3A_300 = arith.constant 0 : i32
    %dma_start3A_301 = arith.constant 0 : i32
    %dma_start3A_302 = arith.constant 0 : i32
    %dma_start3A_303 = tpu.memref_slice %arg6[%dma_start3A_300, %dma_start3A_301, %dma_start3A_302] : memref<2x32x1024xf32, #tpu.memory_space<vmem>> -> memref<1x32x1024xf32, #tpu.memory_space<vmem>>
    %dma_start3A_304 = tpu.memref_squeeze %dma_start3A_303 : memref<1x32x1024xf32, #tpu.memory_space<vmem>> -> memref<32x1024xf32, #tpu.memory_space<vmem>>
    %dma_start3A_305 = arith.constant 0 : i32
    %dma_start3A_306 = tpu.memref_slice %arg5[%dma_start3A_299, %dma_start3A_305] : memref<8x32xi32, #tpu.memory_space<vmem>> -> memref<1x32xi32, #tpu.memory_space<vmem>>
    %dma_start3A_307 = tpu.memref_squeeze %dma_start3A_306 : memref<1x32xi32, #tpu.memory_space<vmem>> -> memref<32xi32, #tpu.memory_space<vmem>>
    %dma_start3A_308 = arith.constant 0 : i32
    %dma_start3A_309 = arith.constant 0 : i32
    %dma_start3A_310 = tpu.memref_slice %arg2[%dma_start3A_308, %dma_start3A_309] : memref<8192x1024xf32, #tpu.memory_space<hbm>> -> memref<8192x1024xf32, #tpu.memory_space<hbm>>
    tpu.enqueue_indirect_dma source(%dma_start3A_310 : memref<8192x1024xf32, #tpu.memory_space<hbm>>) target(%dma_start3A_304 : memref<32x1024xf32, #tpu.memory_space<vmem>>) offsets(%dma_start3A_307 : memref<32xi32, #tpu.memory_space<vmem>>) semaphore(%arg7 : memref<!tpu.dma_semaphore, #tpu.memory_space<semaphore_mem>>)
    %dma_wait3A_311 = arith.constant 1 : i32
    %dma_wait3A_312 = arith.constant 1 : i32
    %dma_wait3A_313 = arith.constant 0 : i32
    %dma_wait3A_314 = arith.constant 0 : i32
    %dma_wait3A_315 = tpu.memref_slice %arg6[%dma_wait3A_312, %dma_wait3A_313, %dma_wait3A_314] : memref<2x32x1024xf32, #tpu.memory_space<vmem>> -> memref<1x32x1024xf32, #tpu.memory_space<vmem>>
    %dma_wait3A_316 = tpu.memref_squeeze %dma_wait3A_315 : memref<1x32x1024xf32, #tpu.memory_space<vmem>> -> memref<32x1024xf32, #tpu.memory_space<vmem>>
    %dma_wait3A_317 = arith.constant 0 : i32
    %dma_wait3A_318 = tpu.memref_slice %arg5[%dma_wait3A_311, %dma_wait3A_317] : memref<8x32xi32, #tpu.memory_space<vmem>> -> memref<1x32xi32, #tpu.memory_space<vmem>>
    %dma_wait3A_319 = tpu.memref_squeeze %dma_wait3A_318 : memref<1x32xi32, #tpu.memory_space<vmem>> -> memref<32xi32, #tpu.memory_space<vmem>>
    %dma_wait3A_320 = arith.constant 0 : i32
    %dma_wait3A_321 = arith.constant 0 : i32
    %dma_wait3A_322 = tpu.memref_slice %arg2[%dma_wait3A_320, %dma_wait3A_321] : memref<8192x1024xf32, #tpu.memory_space<hbm>> -> memref<8192x1024xf32, #tpu.memory_space<hbm>>
    tpu.wait_indirect_dma semaphore(%arg8 : memref<!tpu.dma_semaphore, #tpu.memory_space<semaphore_mem>>) src(%dma_wait3A_322 : memref<8192x1024xf32, #tpu.memory_space<hbm>>) dst(%dma_wait3A_316 : memref<32x1024xf32, #tpu.memory_space<vmem>>)
    %add3A_323 = arith.constant 32 : i32
    %add3A_324 = arith.addi %mul3A_2, %add3A_323 : i32
    %dma_start3A_325 = arith.constant 1 : i32
    %dma_start3A_326 = arith.constant 0 : i32
    %dma_start3A_327 = arith.constant 0 : i32
    %dma_start3A_328 = tpu.memref_slice %arg6[%dma_start3A_325, %dma_start3A_326, %dma_start3A_327] : memref<2x32x1024xf32, #tpu.memory_space<vmem>> -> memref<1x32x1024xf32, #tpu.memory_space<vmem>>
    %dma_start3A_329 = tpu.memref_squeeze %dma_start3A_328 : memref<1x32x1024xf32, #tpu.memory_space<vmem>> -> memref<32x1024xf32, #tpu.memory_space<vmem>>
    %dma_start3A_330 = arith.constant 0 : i32
    %dma_start3A_331 = tpu.memref_slice %arg4[%add3A_324, %dma_start3A_330] : memref<8192x1024xf32, #tpu.memory_space<hbm>> -> memref<32x1024xf32, #tpu.memory_space<hbm>>
    %dma_start3A_332 = arith.constant 0 : i32
    %dma_start3A_333 = tpu.memref_slice %arg4[%add3A_324, %dma_start3A_332] : memref<8192x1024xf32, #tpu.memory_space<hbm>> -> memref<32x1024xf32, #tpu.memory_space<hbm>>
    %dma_start3A_334 = arith.constant 0 : i32
    %dma_start3A_335 = arith.constant 0 : i32
    %dma_start3A_336 = tpu.memref_slice %arg6[%dma_start3A_325, %dma_start3A_334, %dma_start3A_335] : memref<2x32x1024xf32, #tpu.memory_space<vmem>> -> memref<1x32x1024xf32, #tpu.memory_space<vmem>>
    %dma_start3A_337 = tpu.memref_squeeze %dma_start3A_336 : memref<1x32x1024xf32, #tpu.memory_space<vmem>> -> memref<32x1024xf32, #tpu.memory_space<vmem>>
    tpu.enqueue_dma source(%dma_start3A_337 : memref<32x1024xf32, #tpu.memory_space<vmem>>) target(%dma_start3A_333 : memref<32x1024xf32, #tpu.memory_space<hbm>>) target_semaphore(%arg10 : memref<!tpu.dma_semaphore, #tpu.memory_space<semaphore_mem>>)
    %dma_wait3A_338 = arith.constant 1 : i32
    %dma_wait3A_339 = arith.constant 0 : i32
    %dma_wait3A_340 = arith.constant 0 : i32
    %dma_wait3A_341 = tpu.memref_slice %arg6[%dma_wait3A_338, %dma_wait3A_339, %dma_wait3A_340] : memref<2x32x1024xf32, #tpu.memory_space<vmem>> -> memref<1x32x1024xf32, #tpu.memory_space<vmem>>
    %dma_wait3A_342 = tpu.memref_squeeze %dma_wait3A_341 : memref<1x32x1024xf32, #tpu.memory_space<vmem>> -> memref<32x1024xf32, #tpu.memory_space<vmem>>
    %dma_wait3A_343 = arith.constant 0 : i32
    %dma_wait3A_344 = tpu.memref_slice %arg4[%add3A_324, %dma_wait3A_343] : memref<8192x1024xf32, #tpu.memory_space<hbm>> -> memref<32x1024xf32, #tpu.memory_space<hbm>>
    %dma_wait3A_345 = arith.constant 0 : i32
    %dma_wait3A_346 = tpu.memref_slice %arg4[%add3A_324, %dma_wait3A_345] : memref<8192x1024xf32, #tpu.memory_space<hbm>> -> memref<32x1024xf32, #tpu.memory_space<hbm>>
    %dma_wait3A_347 = arith.constant 0 : i32
    %dma_wait3A_348 = arith.constant 0 : i32
    %dma_wait3A_349 = tpu.memref_slice %arg6[%dma_wait3A_338, %dma_wait3A_347, %dma_wait3A_348] : memref<2x32x1024xf32, #tpu.memory_space<vmem>> -> memref<1x32x1024xf32, #tpu.memory_space<vmem>>
    %dma_wait3A_350 = tpu.memref_squeeze %dma_wait3A_349 : memref<1x32x1024xf32, #tpu.memory_space<vmem>> -> memref<32x1024xf32, #tpu.memory_space<vmem>>
    tpu.wait_dma2 semaphore(%arg10 : memref<!tpu.dma_semaphore, #tpu.memory_space<semaphore_mem>>) src(%dma_wait3A_350 : memref<32x1024xf32, #tpu.memory_space<vmem>>) dst(%dma_wait3A_346 : memref<32x1024xf32, #tpu.memory_space<hbm>>)
    %dma_start3A_351 = arith.constant 3 : i32
    %dma_start3A_352 = arith.constant 1 : i32
    %dma_start3A_353 = arith.constant 0 : i32
    %dma_start3A_354 = arith.constant 0 : i32
    %dma_start3A_355 = tpu.memref_slice %arg6[%dma_start3A_352, %dma_start3A_353, %dma_start3A_354] : memref<2x32x1024xf32, #tpu.memory_space<vmem>> -> memref<1x32x1024xf32, #tpu.memory_space<vmem>>
    %dma_start3A_356 = tpu.memref_squeeze %dma_start3A_355 : memref<1x32x1024xf32, #tpu.memory_space<vmem>> -> memref<32x1024xf32, #tpu.memory_space<vmem>>
    %dma_start3A_357 = arith.constant 0 : i32
    %dma_start3A_358 = tpu.memref_slice %arg5[%dma_start3A_351, %dma_start3A_357] : memref<8x32xi32, #tpu.memory_space<vmem>> -> memref<1x32xi32, #tpu.memory_space<vmem>>
    %dma_start3A_359 = tpu.memref_squeeze %dma_start3A_358 : memref<1x32xi32, #tpu.memory_space<vmem>> -> memref<32xi32, #tpu.memory_space<vmem>>
    %dma_start3A_360 = arith.constant 0 : i32
    %dma_start3A_361 = arith.constant 0 : i32
    %dma_start3A_362 = tpu.memref_slice %arg2[%dma_start3A_360, %dma_start3A_361] : memref<8192x1024xf32, #tpu.memory_space<hbm>> -> memref<8192x1024xf32, #tpu.memory_space<hbm>>
    tpu.enqueue_indirect_dma source(%dma_start3A_362 : memref<8192x1024xf32, #tpu.memory_space<hbm>>) target(%dma_start3A_356 : memref<32x1024xf32, #tpu.memory_space<vmem>>) offsets(%dma_start3A_359 : memref<32xi32, #tpu.memory_space<vmem>>) semaphore(%arg8 : memref<!tpu.dma_semaphore, #tpu.memory_space<semaphore_mem>>)
    %dma_wait3A_363 = arith.constant 2 : i32
    %dma_wait3A_364 = arith.constant 0 : i32
    %dma_wait3A_365 = arith.constant 0 : i32
    %dma_wait3A_366 = arith.constant 0 : i32
    %dma_wait3A_367 = tpu.memref_slice %arg6[%dma_wait3A_364, %dma_wait3A_365, %dma_wait3A_366] : memref<2x32x1024xf32, #tpu.memory_space<vmem>> -> memref<1x32x1024xf32, #tpu.memory_space<vmem>>
    %dma_wait3A_368 = tpu.memref_squeeze %dma_wait3A_367 : memref<1x32x1024xf32, #tpu.memory_space<vmem>> -> memref<32x1024xf32, #tpu.memory_space<vmem>>
    %dma_wait3A_369 = arith.constant 0 : i32
    %dma_wait3A_370 = tpu.memref_slice %arg5[%dma_wait3A_363, %dma_wait3A_369] : memref<8x32xi32, #tpu.memory_space<vmem>> -> memref<1x32xi32, #tpu.memory_space<vmem>>
    %dma_wait3A_371 = tpu.memref_squeeze %dma_wait3A_370 : memref<1x32xi32, #tpu.memory_space<vmem>> -> memref<32xi32, #tpu.memory_space<vmem>>
    %dma_wait3A_372 = arith.constant 0 : i32
    %dma_wait3A_373 = arith.constant 0 : i32
    %dma_wait3A_374 = tpu.memref_slice %arg2[%dma_wait3A_372, %dma_wait3A_373] : memref<8192x1024xf32, #tpu.memory_space<hbm>> -> memref<8192x1024xf32, #tpu.memory_space<hbm>>
    tpu.wait_indirect_dma semaphore(%arg7 : memref<!tpu.dma_semaphore, #tpu.memory_space<semaphore_mem>>) src(%dma_wait3A_374 : memref<8192x1024xf32, #tpu.memory_space<hbm>>) dst(%dma_wait3A_368 : memref<32x1024xf32, #tpu.memory_space<vmem>>)
    %add3A_375 = arith.constant 64 : i32
    %add3A_376 = arith.addi %mul3A_2, %add3A_375 : i32
    %dma_start3A_377 = arith.constant 0 : i32
    %dma_start3A_378 = arith.constant 0 : i32
    %dma_start3A_379 = arith.constant 0 : i32
    %dma_start3A_380 = tpu.memref_slice %arg6[%dma_start3A_377, %dma_start3A_378, %dma_start3A_379] : memref<2x32x1024xf32, #tpu.memory_space<vmem>> -> memref<1x32x1024xf32, #tpu.memory_space<vmem>>
    %dma_start3A_381 = tpu.memref_squeeze %dma_start3A_380 : memref<1x32x1024xf32, #tpu.memory_space<vmem>> -> memref<32x1024xf32, #tpu.memory_space<vmem>>
    %dma_start3A_382 = arith.constant 0 : i32
    %dma_start3A_383 = tpu.memref_slice %arg4[%add3A_376, %dma_start3A_382] : memref<8192x1024xf32, #tpu.memory_space<hbm>> -> memref<32x1024xf32, #tpu.memory_space<hbm>>
    %dma_start3A_384 = arith.constant 0 : i32
    %dma_start3A_385 = tpu.memref_slice %arg4[%add3A_376, %dma_start3A_384] : memref<8192x1024xf32, #tpu.memory_space<hbm>> -> memref<32x1024xf32, #tpu.memory_space<hbm>>
    %dma_start3A_386 = arith.constant 0 : i32
    %dma_start3A_387 = arith.constant 0 : i32
    %dma_start3A_388 = tpu.memref_slice %arg6[%dma_start3A_377, %dma_start3A_386, %dma_start3A_387] : memref<2x32x1024xf32, #tpu.memory_space<vmem>> -> memref<1x32x1024xf32, #tpu.memory_space<vmem>>
    %dma_start3A_389 = tpu.memref_squeeze %dma_start3A_388 : memref<1x32x1024xf32, #tpu.memory_space<vmem>> -> memref<32x1024xf32, #tpu.memory_space<vmem>>
    tpu.enqueue_dma source(%dma_start3A_389 : memref<32x1024xf32, #tpu.memory_space<vmem>>) target(%dma_start3A_385 : memref<32x1024xf32, #tpu.memory_space<hbm>>) target_semaphore(%arg9 : memref<!tpu.dma_semaphore, #tpu.memory_space<semaphore_mem>>)
    %dma_wait3A_390 = arith.constant 0 : i32
    %dma_wait3A_391 = arith.constant 0 : i32
    %dma_wait3A_392 = arith.constant 0 : i32
    %dma_wait3A_393 = tpu.memref_slice %arg6[%dma_wait3A_390, %dma_wait3A_391, %dma_wait3A_392] : memref<2x32x1024xf32, #tpu.memory_space<vmem>> -> memref<1x32x1024xf32, #tpu.memory_space<vmem>>
    %dma_wait3A_394 = tpu.memref_squeeze %dma_wait3A_393 : memref<1x32x1024xf32, #tpu.memory_space<vmem>> -> memref<32x1024xf32, #tpu.memory_space<vmem>>
    %dma_wait3A_395 = arith.constant 0 : i32
    %dma_wait3A_396 = tpu.memref_slice %arg4[%add3A_376, %dma_wait3A_395] : memref<8192x1024xf32, #tpu.memory_space<hbm>> -> memref<32x1024xf32, #tpu.memory_space<hbm>>
    %dma_wait3A_397 = arith.constant 0 : i32
    %dma_wait3A_398 = tpu.memref_slice %arg4[%add3A_376, %dma_wait3A_397] : memref<8192x1024xf32, #tpu.memory_space<hbm>> -> memref<32x1024xf32, #tpu.memory_space<hbm>>
    %dma_wait3A_399 = arith.constant 0 : i32
    %dma_wait3A_400 = arith.constant 0 : i32
    %dma_wait3A_401 = tpu.memref_slice %arg6[%dma_wait3A_390, %dma_wait3A_399, %dma_wait3A_400] : memref<2x32x1024xf32, #tpu.memory_space<vmem>> -> memref<1x32x1024xf32, #tpu.memory_space<vmem>>
    %dma_wait3A_402 = tpu.memref_squeeze %dma_wait3A_401 : memref<1x32x1024xf32, #tpu.memory_space<vmem>> -> memref<32x1024xf32, #tpu.memory_space<vmem>>
    tpu.wait_dma2 semaphore(%arg9 : memref<!tpu.dma_semaphore, #tpu.memory_space<semaphore_mem>>) src(%dma_wait3A_402 : memref<32x1024xf32, #tpu.memory_space<vmem>>) dst(%dma_wait3A_398 : memref<32x1024xf32, #tpu.memory_space<hbm>>)
    %dma_start3A_403 = arith.constant 4 : i32
    %dma_start3A_404 = arith.constant 0 : i32
    %dma_start3A_405 = arith.constant 0 : i32
    %dma_start3A_406 = arith.constant 0 : i32
    %dma_start3A_407 = tpu.memref_slice %arg6[%dma_start3A_404, %dma_start3A_405, %dma_start3A_406] : memref<2x32x1024xf32, #tpu.memory_space<vmem>> -> memref<1x32x1024xf32, #tpu.memory_space<vmem>>
    %dma_start3A_408 = tpu.memref_squeeze %dma_start3A_407 : memref<1x32x1024xf32, #tpu.memory_space<vmem>> -> memref<32x1024xf32, #tpu.memory_space<vmem>>
    %dma_start3A_409 = arith.constant 0 : i32
    %dma_start3A_410 = tpu.memref_slice %arg5[%dma_start3A_403, %dma_start3A_409] : memref<8x32xi32, #tpu.memory_space<vmem>> -> memref<1x32xi32, #tpu.memory_space<vmem>>
    %dma_start3A_411 = tpu.memref_squeeze %dma_start3A_410 : memref<1x32xi32, #tpu.memory_space<vmem>> -> memref<32xi32, #tpu.memory_space<vmem>>
    %dma_start3A_412 = arith.constant 0 : i32
    %dma_start3A_413 = arith.constant 0 : i32
    %dma_start3A_414 = tpu.memref_slice %arg2[%dma_start3A_412, %dma_start3A_413] : memref<8192x1024xf32, #tpu.memory_space<hbm>> -> memref<8192x1024xf32, #tpu.memory_space<hbm>>
    tpu.enqueue_indirect_dma source(%dma_start3A_414 : memref<8192x1024xf32, #tpu.memory_space<hbm>>) target(%dma_start3A_408 : memref<32x1024xf32, #tpu.memory_space<vmem>>) offsets(%dma_start3A_411 : memref<32xi32, #tpu.memory_space<vmem>>) semaphore(%arg7 : memref<!tpu.dma_semaphore, #tpu.memory_space<semaphore_mem>>)
    %dma_wait3A_415 = arith.constant 3 : i32
    %dma_wait3A_416 = arith.constant 1 : i32
    %dma_wait3A_417 = arith.constant 0 : i32
    %dma_wait3A_418 = arith.constant 0 : i32
    %dma_wait3A_419 = tpu.memref_slice %arg6[%dma_wait3A_416, %dma_wait3A_417, %dma_wait3A_418] : memref<2x32x1024xf32, #tpu.memory_space<vmem>> -> memref<1x32x1024xf32, #tpu.memory_space<vmem>>
    %dma_wait3A_420 = tpu.memref_squeeze %dma_wait3A_419 : memref<1x32x1024xf32, #tpu.memory_space<vmem>> -> memref<32x1024xf32, #tpu.memory_space<vmem>>
    %dma_wait3A_421 = arith.constant 0 : i32
    %dma_wait3A_422 = tpu.memref_slice %arg5[%dma_wait3A_415, %dma_wait3A_421] : memref<8x32xi32, #tpu.memory_space<vmem>> -> memref<1x32xi32, #tpu.memory_space<vmem>>
    %dma_wait3A_423 = tpu.memref_squeeze %dma_wait3A_422 : memref<1x32xi32, #tpu.memory_space<vmem>> -> memref<32xi32, #tpu.memory_space<vmem>>
    %dma_wait3A_424 = arith.constant 0 : i32
    %dma_wait3A_425 = arith.constant 0 : i32
    %dma_wait3A_426 = tpu.memref_slice %arg2[%dma_wait3A_424, %dma_wait3A_425] : memref<8192x1024xf32, #tpu.memory_space<hbm>> -> memref<8192x1024xf32, #tpu.memory_space<hbm>>
    tpu.wait_indirect_dma semaphore(%arg8 : memref<!tpu.dma_semaphore, #tpu.memory_space<semaphore_mem>>) src(%dma_wait3A_426 : memref<8192x1024xf32, #tpu.memory_space<hbm>>) dst(%dma_wait3A_420 : memref<32x1024xf32, #tpu.memory_space<vmem>>)
    %add3A_427 = arith.constant 96 : i32
    %add3A_428 = arith.addi %mul3A_2, %add3A_427 : i32
    %dma_start3A_429 = arith.constant 1 : i32
    %dma_start3A_430 = arith.constant 0 : i32
    %dma_start3A_431 = arith.constant 0 : i32
    %dma_start3A_432 = tpu.memref_slice %arg6[%dma_start3A_429, %dma_start3A_430, %dma_start3A_431] : memref<2x32x1024xf32, #tpu.memory_space<vmem>> -> memref<1x32x1024xf32, #tpu.memory_space<vmem>>
    %dma_start3A_433 = tpu.memref_squeeze %dma_start3A_432 : memref<1x32x1024xf32, #tpu.memory_space<vmem>> -> memref<32x1024xf32, #tpu.memory_space<vmem>>
    %dma_start3A_434 = arith.constant 0 : i32
    %dma_start3A_435 = tpu.memref_slice %arg4[%add3A_428, %dma_start3A_434] : memref<8192x1024xf32, #tpu.memory_space<hbm>> -> memref<32x1024xf32, #tpu.memory_space<hbm>>
    %dma_start3A_436 = arith.constant 0 : i32
    %dma_start3A_437 = tpu.memref_slice %arg4[%add3A_428, %dma_start3A_436] : memref<8192x1024xf32, #tpu.memory_space<hbm>> -> memref<32x1024xf32, #tpu.memory_space<hbm>>
    %dma_start3A_438 = arith.constant 0 : i32
    %dma_start3A_439 = arith.constant 0 : i32
    %dma_start3A_440 = tpu.memref_slice %arg6[%dma_start3A_429, %dma_start3A_438, %dma_start3A_439] : memref<2x32x1024xf32, #tpu.memory_space<vmem>> -> memref<1x32x1024xf32, #tpu.memory_space<vmem>>
    %dma_start3A_441 = tpu.memref_squeeze %dma_start3A_440 : memref<1x32x1024xf32, #tpu.memory_space<vmem>> -> memref<32x1024xf32, #tpu.memory_space<vmem>>
    tpu.enqueue_dma source(%dma_start3A_441 : memref<32x1024xf32, #tpu.memory_space<vmem>>) target(%dma_start3A_437 : memref<32x1024xf32, #tpu.memory_space<hbm>>) target_semaphore(%arg10 : memref<!tpu.dma_semaphore, #tpu.memory_space<semaphore_mem>>)
    %dma_wait3A_442 = arith.constant 1 : i32
    %dma_wait3A_443 = arith.constant 0 : i32
    %dma_wait3A_444 = arith.constant 0 : i32
    %dma_wait3A_445 = tpu.memref_slice %arg6[%dma_wait3A_442, %dma_wait3A_443, %dma_wait3A_444] : memref<2x32x1024xf32, #tpu.memory_space<vmem>> -> memref<1x32x1024xf32, #tpu.memory_space<vmem>>
    %dma_wait3A_446 = tpu.memref_squeeze %dma_wait3A_445 : memref<1x32x1024xf32, #tpu.memory_space<vmem>> -> memref<32x1024xf32, #tpu.memory_space<vmem>>
    %dma_wait3A_447 = arith.constant 0 : i32
    %dma_wait3A_448 = tpu.memref_slice %arg4[%add3A_428, %dma_wait3A_447] : memref<8192x1024xf32, #tpu.memory_space<hbm>> -> memref<32x1024xf32, #tpu.memory_space<hbm>>
    %dma_wait3A_449 = arith.constant 0 : i32
    %dma_wait3A_450 = tpu.memref_slice %arg4[%add3A_428, %dma_wait3A_449] : memref<8192x1024xf32, #tpu.memory_space<hbm>> -> memref<32x1024xf32, #tpu.memory_space<hbm>>
    %dma_wait3A_451 = arith.constant 0 : i32
    %dma_wait3A_452 = arith.constant 0 : i32
    %dma_wait3A_453 = tpu.memref_slice %arg6[%dma_wait3A_442, %dma_wait3A_451, %dma_wait3A_452] : memref<2x32x1024xf32, #tpu.memory_space<vmem>> -> memref<1x32x1024xf32, #tpu.memory_space<vmem>>
    %dma_wait3A_454 = tpu.memref_squeeze %dma_wait3A_453 : memref<1x32x1024xf32, #tpu.memory_space<vmem>> -> memref<32x1024xf32, #tpu.memory_space<vmem>>
    tpu.wait_dma2 semaphore(%arg10 : memref<!tpu.dma_semaphore, #tpu.memory_space<semaphore_mem>>) src(%dma_wait3A_454 : memref<32x1024xf32, #tpu.memory_space<vmem>>) dst(%dma_wait3A_450 : memref<32x1024xf32, #tpu.memory_space<hbm>>)
    %dma_start3A_455 = arith.constant 5 : i32
    %dma_start3A_456 = arith.constant 1 : i32
    %dma_start3A_457 = arith.constant 0 : i32
    %dma_start3A_458 = arith.constant 0 : i32
    %dma_start3A_459 = tpu.memref_slice %arg6[%dma_start3A_456, %dma_start3A_457, %dma_start3A_458] : memref<2x32x1024xf32, #tpu.memory_space<vmem>> -> memref<1x32x1024xf32, #tpu.memory_space<vmem>>
    %dma_start3A_460 = tpu.memref_squeeze %dma_start3A_459 : memref<1x32x1024xf32, #tpu.memory_space<vmem>> -> memref<32x1024xf32, #tpu.memory_space<vmem>>
    %dma_start3A_461 = arith.constant 0 : i32
    %dma_start3A_462 = tpu.memref_slice %arg5[%dma_start3A_455, %dma_start3A_461] : memref<8x32xi32, #tpu.memory_space<vmem>> -> memref<1x32xi32, #tpu.memory_space<vmem>>
    %dma_start3A_463 = tpu.memref_squeeze %dma_start3A_462 : memref<1x32xi32, #tpu.memory_space<vmem>> -> memref<32xi32, #tpu.memory_space<vmem>>
    %dma_start3A_464 = arith.constant 0 : i32
    %dma_start3A_465 = arith.constant 0 : i32
    %dma_start3A_466 = tpu.memref_slice %arg2[%dma_start3A_464, %dma_start3A_465] : memref<8192x1024xf32, #tpu.memory_space<hbm>> -> memref<8192x1024xf32, #tpu.memory_space<hbm>>
    tpu.enqueue_indirect_dma source(%dma_start3A_466 : memref<8192x1024xf32, #tpu.memory_space<hbm>>) target(%dma_start3A_460 : memref<32x1024xf32, #tpu.memory_space<vmem>>) offsets(%dma_start3A_463 : memref<32xi32, #tpu.memory_space<vmem>>) semaphore(%arg8 : memref<!tpu.dma_semaphore, #tpu.memory_space<semaphore_mem>>)
    %dma_wait3A_467 = arith.constant 4 : i32
    %dma_wait3A_468 = arith.constant 0 : i32
    %dma_wait3A_469 = arith.constant 0 : i32
    %dma_wait3A_470 = arith.constant 0 : i32
    %dma_wait3A_471 = tpu.memref_slice %arg6[%dma_wait3A_468, %dma_wait3A_469, %dma_wait3A_470] : memref<2x32x1024xf32, #tpu.memory_space<vmem>> -> memref<1x32x1024xf32, #tpu.memory_space<vmem>>
    %dma_wait3A_472 = tpu.memref_squeeze %dma_wait3A_471 : memref<1x32x1024xf32, #tpu.memory_space<vmem>> -> memref<32x1024xf32, #tpu.memory_space<vmem>>
    %dma_wait3A_473 = arith.constant 0 : i32
    %dma_wait3A_474 = tpu.memref_slice %arg5[%dma_wait3A_467, %dma_wait3A_473] : memref<8x32xi32, #tpu.memory_space<vmem>> -> memref<1x32xi32, #tpu.memory_space<vmem>>
    %dma_wait3A_475 = tpu.memref_squeeze %dma_wait3A_474 : memref<1x32xi32, #tpu.memory_space<vmem>> -> memref<32xi32, #tpu.memory_space<vmem>>
    %dma_wait3A_476 = arith.constant 0 : i32
    %dma_wait3A_477 = arith.constant 0 : i32
    %dma_wait3A_478 = tpu.memref_slice %arg2[%dma_wait3A_476, %dma_wait3A_477] : memref<8192x1024xf32, #tpu.memory_space<hbm>> -> memref<8192x1024xf32, #tpu.memory_space<hbm>>
    tpu.wait_indirect_dma semaphore(%arg7 : memref<!tpu.dma_semaphore, #tpu.memory_space<semaphore_mem>>) src(%dma_wait3A_478 : memref<8192x1024xf32, #tpu.memory_space<hbm>>) dst(%dma_wait3A_472 : memref<32x1024xf32, #tpu.memory_space<vmem>>)
    %add3A_479 = arith.constant 128 : i32
    %add3A_480 = arith.addi %mul3A_2, %add3A_479 : i32
    %dma_start3A_481 = arith.constant 0 : i32
    %dma_start3A_482 = arith.constant 0 : i32
    %dma_start3A_483 = arith.constant 0 : i32
    %dma_start3A_484 = tpu.memref_slice %arg6[%dma_start3A_481, %dma_start3A_482, %dma_start3A_483] : memref<2x32x1024xf32, #tpu.memory_space<vmem>> -> memref<1x32x1024xf32, #tpu.memory_space<vmem>>
    %dma_start3A_485 = tpu.memref_squeeze %dma_start3A_484 : memref<1x32x1024xf32, #tpu.memory_space<vmem>> -> memref<32x1024xf32, #tpu.memory_space<vmem>>
    %dma_start3A_486 = arith.constant 0 : i32
    %dma_start3A_487 = tpu.memref_slice %arg4[%add3A_480, %dma_start3A_486] : memref<8192x1024xf32, #tpu.memory_space<hbm>> -> memref<32x1024xf32, #tpu.memory_space<hbm>>
    %dma_start3A_488 = arith.constant 0 : i32
    %dma_start3A_489 = tpu.memref_slice %arg4[%add3A_480, %dma_start3A_488] : memref<8192x1024xf32, #tpu.memory_space<hbm>> -> memref<32x1024xf32, #tpu.memory_space<hbm>>
    %dma_start3A_490 = arith.constant 0 : i32
    %dma_start3A_491 = arith.constant 0 : i32
    %dma_start3A_492 = tpu.memref_slice %arg6[%dma_start3A_481, %dma_start3A_490, %dma_start3A_491] : memref<2x32x1024xf32, #tpu.memory_space<vmem>> -> memref<1x32x1024xf32, #tpu.memory_space<vmem>>
    %dma_start3A_493 = tpu.memref_squeeze %dma_start3A_492 : memref<1x32x1024xf32, #tpu.memory_space<vmem>> -> memref<32x1024xf32, #tpu.memory_space<vmem>>
    tpu.enqueue_dma source(%dma_start3A_493 : memref<32x1024xf32, #tpu.memory_space<vmem>>) target(%dma_start3A_489 : memref<32x1024xf32, #tpu.memory_space<hbm>>) target_semaphore(%arg9 : memref<!tpu.dma_semaphore, #tpu.memory_space<semaphore_mem>>)
    %dma_wait3A_494 = arith.constant 0 : i32
    %dma_wait3A_495 = arith.constant 0 : i32
    %dma_wait3A_496 = arith.constant 0 : i32
    %dma_wait3A_497 = tpu.memref_slice %arg6[%dma_wait3A_494, %dma_wait3A_495, %dma_wait3A_496] : memref<2x32x1024xf32, #tpu.memory_space<vmem>> -> memref<1x32x1024xf32, #tpu.memory_space<vmem>>
    %dma_wait3A_498 = tpu.memref_squeeze %dma_wait3A_497 : memref<1x32x1024xf32, #tpu.memory_space<vmem>> -> memref<32x1024xf32, #tpu.memory_space<vmem>>
    %dma_wait3A_499 = arith.constant 0 : i32
    %dma_wait3A_500 = tpu.memref_slice %arg4[%add3A_480, %dma_wait3A_499] : memref<8192x1024xf32, #tpu.memory_space<hbm>> -> memref<32x1024xf32, #tpu.memory_space<hbm>>
    %dma_wait3A_501 = arith.constant 0 : i32
    %dma_wait3A_502 = tpu.memref_slice %arg4[%add3A_480, %dma_wait3A_501] : memref<8192x1024xf32, #tpu.memory_space<hbm>> -> memref<32x1024xf32, #tpu.memory_space<hbm>>
    %dma_wait3A_503 = arith.constant 0 : i32
    %dma_wait3A_504 = arith.constant 0 : i32
    %dma_wait3A_505 = tpu.memref_slice %arg6[%dma_wait3A_494, %dma_wait3A_503, %dma_wait3A_504] : memref<2x32x1024xf32, #tpu.memory_space<vmem>> -> memref<1x32x1024xf32, #tpu.memory_space<vmem>>
    %dma_wait3A_506 = tpu.memref_squeeze %dma_wait3A_505 : memref<1x32x1024xf32, #tpu.memory_space<vmem>> -> memref<32x1024xf32, #tpu.memory_space<vmem>>
    tpu.wait_dma2 semaphore(%arg9 : memref<!tpu.dma_semaphore, #tpu.memory_space<semaphore_mem>>) src(%dma_wait3A_506 : memref<32x1024xf32, #tpu.memory_space<vmem>>) dst(%dma_wait3A_502 : memref<32x1024xf32, #tpu.memory_space<hbm>>)
    %dma_start3A_507 = arith.constant 6 : i32
    %dma_start3A_508 = arith.constant 0 : i32
    %dma_start3A_509 = arith.constant 0 : i32
    %dma_start3A_510 = arith.constant 0 : i32
    %dma_start3A_511 = tpu.memref_slice %arg6[%dma_start3A_508, %dma_start3A_509, %dma_start3A_510] : memref<2x32x1024xf32, #tpu.memory_space<vmem>> -> memref<1x32x1024xf32, #tpu.memory_space<vmem>>
    %dma_start3A_512 = tpu.memref_squeeze %dma_start3A_511 : memref<1x32x1024xf32, #tpu.memory_space<vmem>> -> memref<32x1024xf32, #tpu.memory_space<vmem>>
    %dma_start3A_513 = arith.constant 0 : i32
    %dma_start3A_514 = tpu.memref_slice %arg5[%dma_start3A_507, %dma_start3A_513] : memref<8x32xi32, #tpu.memory_space<vmem>> -> memref<1x32xi32, #tpu.memory_space<vmem>>
    %dma_start3A_515 = tpu.memref_squeeze %dma_start3A_514 : memref<1x32xi32, #tpu.memory_space<vmem>> -> memref<32xi32, #tpu.memory_space<vmem>>
    %dma_start3A_516 = arith.constant 0 : i32
    %dma_start3A_517 = arith.constant 0 : i32
    %dma_start3A_518 = tpu.memref_slice %arg2[%dma_start3A_516, %dma_start3A_517] : memref<8192x1024xf32, #tpu.memory_space<hbm>> -> memref<8192x1024xf32, #tpu.memory_space<hbm>>
    tpu.enqueue_indirect_dma source(%dma_start3A_518 : memref<8192x1024xf32, #tpu.memory_space<hbm>>) target(%dma_start3A_512 : memref<32x1024xf32, #tpu.memory_space<vmem>>) offsets(%dma_start3A_515 : memref<32xi32, #tpu.memory_space<vmem>>) semaphore(%arg7 : memref<!tpu.dma_semaphore, #tpu.memory_space<semaphore_mem>>)
    %dma_wait3A_519 = arith.constant 5 : i32
    %dma_wait3A_520 = arith.constant 1 : i32
    %dma_wait3A_521 = arith.constant 0 : i32
    %dma_wait3A_522 = arith.constant 0 : i32
    %dma_wait3A_523 = tpu.memref_slice %arg6[%dma_wait3A_520, %dma_wait3A_521, %dma_wait3A_522] : memref<2x32x1024xf32, #tpu.memory_space<vmem>> -> memref<1x32x1024xf32, #tpu.memory_space<vmem>>
    %dma_wait3A_524 = tpu.memref_squeeze %dma_wait3A_523 : memref<1x32x1024xf32, #tpu.memory_space<vmem>> -> memref<32x1024xf32, #tpu.memory_space<vmem>>
    %dma_wait3A_525 = arith.constant 0 : i32
    %dma_wait3A_526 = tpu.memref_slice %arg5[%dma_wait3A_519, %dma_wait3A_525] : memref<8x32xi32, #tpu.memory_space<vmem>> -> memref<1x32xi32, #tpu.memory_space<vmem>>
    %dma_wait3A_527 = tpu.memref_squeeze %dma_wait3A_526 : memref<1x32xi32, #tpu.memory_space<vmem>> -> memref<32xi32, #tpu.memory_space<vmem>>
    %dma_wait3A_528 = arith.constant 0 : i32
    %dma_wait3A_529 = arith.constant 0 : i32
    %dma_wait3A_530 = tpu.memref_slice %arg2[%dma_wait3A_528, %dma_wait3A_529] : memref<8192x1024xf32, #tpu.memory_space<hbm>> -> memref<8192x1024xf32, #tpu.memory_space<hbm>>
    tpu.wait_indirect_dma semaphore(%arg8 : memref<!tpu.dma_semaphore, #tpu.memory_space<semaphore_mem>>) src(%dma_wait3A_530 : memref<8192x1024xf32, #tpu.memory_space<hbm>>) dst(%dma_wait3A_524 : memref<32x1024xf32, #tpu.memory_space<vmem>>)
    %add3A_531 = arith.constant 160 : i32
    %add3A_532 = arith.addi %mul3A_2, %add3A_531 : i32
    %dma_start3A_533 = arith.constant 1 : i32
    %dma_start3A_534 = arith.constant 0 : i32
    %dma_start3A_535 = arith.constant 0 : i32
    %dma_start3A_536 = tpu.memref_slice %arg6[%dma_start3A_533, %dma_start3A_534, %dma_start3A_535] : memref<2x32x1024xf32, #tpu.memory_space<vmem>> -> memref<1x32x1024xf32, #tpu.memory_space<vmem>>
    %dma_start3A_537 = tpu.memref_squeeze %dma_start3A_536 : memref<1x32x1024xf32, #tpu.memory_space<vmem>> -> memref<32x1024xf32, #tpu.memory_space<vmem>>
    %dma_start3A_538 = arith.constant 0 : i32
    %dma_start3A_539 = tpu.memref_slice %arg4[%add3A_532, %dma_start3A_538] : memref<8192x1024xf32, #tpu.memory_space<hbm>> -> memref<32x1024xf32, #tpu.memory_space<hbm>>
    %dma_start3A_540 = arith.constant 0 : i32
    %dma_start3A_541 = tpu.memref_slice %arg4[%add3A_532, %dma_start3A_540] : memref<8192x1024xf32, #tpu.memory_space<hbm>> -> memref<32x1024xf32, #tpu.memory_space<hbm>>
    %dma_start3A_542 = arith.constant 0 : i32
    %dma_start3A_543 = arith.constant 0 : i32
    %dma_start3A_544 = tpu.memref_slice %arg6[%dma_start3A_533, %dma_start3A_542, %dma_start3A_543] : memref<2x32x1024xf32, #tpu.memory_space<vmem>> -> memref<1x32x1024xf32, #tpu.memory_space<vmem>>
    %dma_start3A_545 = tpu.memref_squeeze %dma_start3A_544 : memref<1x32x1024xf32, #tpu.memory_space<vmem>> -> memref<32x1024xf32, #tpu.memory_space<vmem>>
    tpu.enqueue_dma source(%dma_start3A_545 : memref<32x1024xf32, #tpu.memory_space<vmem>>) target(%dma_start3A_541 : memref<32x1024xf32, #tpu.memory_space<hbm>>) target_semaphore(%arg10 : memref<!tpu.dma_semaphore, #tpu.memory_space<semaphore_mem>>)
    %dma_wait3A_546 = arith.constant 1 : i32
    %dma_wait3A_547 = arith.constant 0 : i32
    %dma_wait3A_548 = arith.constant 0 : i32
    %dma_wait3A_549 = tpu.memref_slice %arg6[%dma_wait3A_546, %dma_wait3A_547, %dma_wait3A_548] : memref<2x32x1024xf32, #tpu.memory_space<vmem>> -> memref<1x32x1024xf32, #tpu.memory_space<vmem>>
    %dma_wait3A_550 = tpu.memref_squeeze %dma_wait3A_549 : memref<1x32x1024xf32, #tpu.memory_space<vmem>> -> memref<32x1024xf32, #tpu.memory_space<vmem>>
    %dma_wait3A_551 = arith.constant 0 : i32
    %dma_wait3A_552 = tpu.memref_slice %arg4[%add3A_532, %dma_wait3A_551] : memref<8192x1024xf32, #tpu.memory_space<hbm>> -> memref<32x1024xf32, #tpu.memory_space<hbm>>
    %dma_wait3A_553 = arith.constant 0 : i32
    %dma_wait3A_554 = tpu.memref_slice %arg4[%add3A_532, %dma_wait3A_553] : memref<8192x1024xf32, #tpu.memory_space<hbm>> -> memref<32x1024xf32, #tpu.memory_space<hbm>>
    %dma_wait3A_555 = arith.constant 0 : i32
    %dma_wait3A_556 = arith.constant 0 : i32
    %dma_wait3A_557 = tpu.memref_slice %arg6[%dma_wait3A_546, %dma_wait3A_555, %dma_wait3A_556] : memref<2x32x1024xf32, #tpu.memory_space<vmem>> -> memref<1x32x1024xf32, #tpu.memory_space<vmem>>
    %dma_wait3A_558 = tpu.memref_squeeze %dma_wait3A_557 : memref<1x32x1024xf32, #tpu.memory_space<vmem>> -> memref<32x1024xf32, #tpu.memory_space<vmem>>
    tpu.wait_dma2 semaphore(%arg10 : memref<!tpu.dma_semaphore, #tpu.memory_space<semaphore_mem>>) src(%dma_wait3A_558 : memref<32x1024xf32, #tpu.memory_space<vmem>>) dst(%dma_wait3A_554 : memref<32x1024xf32, #tpu.memory_space<hbm>>)
    %dma_start3A_559 = arith.constant 7 : i32
    %dma_start3A_560 = arith.constant 1 : i32
    %dma_start3A_561 = arith.constant 0 : i32
    %dma_start3A_562 = arith.constant 0 : i32
    %dma_start3A_563 = tpu.memref_slice %arg6[%dma_start3A_560, %dma_start3A_561, %dma_start3A_562] : memref<2x32x1024xf32, #tpu.memory_space<vmem>> -> memref<1x32x1024xf32, #tpu.memory_space<vmem>>
    %dma_start3A_564 = tpu.memref_squeeze %dma_start3A_563 : memref<1x32x1024xf32, #tpu.memory_space<vmem>> -> memref<32x1024xf32, #tpu.memory_space<vmem>>
    %dma_start3A_565 = arith.constant 0 : i32
    %dma_start3A_566 = tpu.memref_slice %arg5[%dma_start3A_559, %dma_start3A_565] : memref<8x32xi32, #tpu.memory_space<vmem>> -> memref<1x32xi32, #tpu.memory_space<vmem>>
    %dma_start3A_567 = tpu.memref_squeeze %dma_start3A_566 : memref<1x32xi32, #tpu.memory_space<vmem>> -> memref<32xi32, #tpu.memory_space<vmem>>
    %dma_start3A_568 = arith.constant 0 : i32
    %dma_start3A_569 = arith.constant 0 : i32
    %dma_start3A_570 = tpu.memref_slice %arg2[%dma_start3A_568, %dma_start3A_569] : memref<8192x1024xf32, #tpu.memory_space<hbm>> -> memref<8192x1024xf32, #tpu.memory_space<hbm>>
    tpu.enqueue_indirect_dma source(%dma_start3A_570 : memref<8192x1024xf32, #tpu.memory_space<hbm>>) target(%dma_start3A_564 : memref<32x1024xf32, #tpu.memory_space<vmem>>) offsets(%dma_start3A_567 : memref<32xi32, #tpu.memory_space<vmem>>) semaphore(%arg8 : memref<!tpu.dma_semaphore, #tpu.memory_space<semaphore_mem>>)
    %dma_wait3A_571 = arith.constant 6 : i32
    %dma_wait3A_572 = arith.constant 0 : i32
    %dma_wait3A_573 = arith.constant 0 : i32
    %dma_wait3A_574 = arith.constant 0 : i32
    %dma_wait3A_575 = tpu.memref_slice %arg6[%dma_wait3A_572, %dma_wait3A_573, %dma_wait3A_574] : memref<2x32x1024xf32, #tpu.memory_space<vmem>> -> memref<1x32x1024xf32, #tpu.memory_space<vmem>>
    %dma_wait3A_576 = tpu.memref_squeeze %dma_wait3A_575 : memref<1x32x1024xf32, #tpu.memory_space<vmem>> -> memref<32x1024xf32, #tpu.memory_space<vmem>>
    %dma_wait3A_577 = arith.constant 0 : i32
    %dma_wait3A_578 = tpu.memref_slice %arg5[%dma_wait3A_571, %dma_wait3A_577] : memref<8x32xi32, #tpu.memory_space<vmem>> -> memref<1x32xi32, #tpu.memory_space<vmem>>
    %dma_wait3A_579 = tpu.memref_squeeze %dma_wait3A_578 : memref<1x32xi32, #tpu.memory_space<vmem>> -> memref<32xi32, #tpu.memory_space<vmem>>
    %dma_wait3A_580 = arith.constant 0 : i32
    %dma_wait3A_581 = arith.constant 0 : i32
    %dma_wait3A_582 = tpu.memref_slice %arg2[%dma_wait3A_580, %dma_wait3A_581] : memref<8192x1024xf32, #tpu.memory_space<hbm>> -> memref<8192x1024xf32, #tpu.memory_space<hbm>>
    tpu.wait_indirect_dma semaphore(%arg7 : memref<!tpu.dma_semaphore, #tpu.memory_space<semaphore_mem>>) src(%dma_wait3A_582 : memref<8192x1024xf32, #tpu.memory_space<hbm>>) dst(%dma_wait3A_576 : memref<32x1024xf32, #tpu.memory_space<vmem>>)
    %add3A_583 = arith.constant 192 : i32
    %add3A_584 = arith.addi %mul3A_2, %add3A_583 : i32
    %dma_start3A_585 = arith.constant 0 : i32
    %dma_start3A_586 = arith.constant 0 : i32
    %dma_start3A_587 = arith.constant 0 : i32
    %dma_start3A_588 = tpu.memref_slice %arg6[%dma_start3A_585, %dma_start3A_586, %dma_start3A_587] : memref<2x32x1024xf32, #tpu.memory_space<vmem>> -> memref<1x32x1024xf32, #tpu.memory_space<vmem>>
    %dma_start3A_589 = tpu.memref_squeeze %dma_start3A_588 : memref<1x32x1024xf32, #tpu.memory_space<vmem>> -> memref<32x1024xf32, #tpu.memory_space<vmem>>
    %dma_start3A_590 = arith.constant 0 : i32
    %dma_start3A_591 = tpu.memref_slice %arg4[%add3A_584, %dma_start3A_590] : memref<8192x1024xf32, #tpu.memory_space<hbm>> -> memref<32x1024xf32, #tpu.memory_space<hbm>>
    %dma_start3A_592 = arith.constant 0 : i32
    %dma_start3A_593 = tpu.memref_slice %arg4[%add3A_584, %dma_start3A_592] : memref<8192x1024xf32, #tpu.memory_space<hbm>> -> memref<32x1024xf32, #tpu.memory_space<hbm>>
    %dma_start3A_594 = arith.constant 0 : i32
    %dma_start3A_595 = arith.constant 0 : i32
    %dma_start3A_596 = tpu.memref_slice %arg6[%dma_start3A_585, %dma_start3A_594, %dma_start3A_595] : memref<2x32x1024xf32, #tpu.memory_space<vmem>> -> memref<1x32x1024xf32, #tpu.memory_space<vmem>>
    %dma_start3A_597 = tpu.memref_squeeze %dma_start3A_596 : memref<1x32x1024xf32, #tpu.memory_space<vmem>> -> memref<32x1024xf32, #tpu.memory_space<vmem>>
    tpu.enqueue_dma source(%dma_start3A_597 : memref<32x1024xf32, #tpu.memory_space<vmem>>) target(%dma_start3A_593 : memref<32x1024xf32, #tpu.memory_space<hbm>>) target_semaphore(%arg9 : memref<!tpu.dma_semaphore, #tpu.memory_space<semaphore_mem>>)
    %dma_wait3A_598 = arith.constant 7 : i32
    %dma_wait3A_599 = arith.constant 1 : i32
    %dma_wait3A_600 = arith.constant 0 : i32
    %dma_wait3A_601 = arith.constant 0 : i32
    %dma_wait3A_602 = tpu.memref_slice %arg6[%dma_wait3A_599, %dma_wait3A_600, %dma_wait3A_601] : memref<2x32x1024xf32, #tpu.memory_space<vmem>> -> memref<1x32x1024xf32, #tpu.memory_space<vmem>>
    %dma_wait3A_603 = tpu.memref_squeeze %dma_wait3A_602 : memref<1x32x1024xf32, #tpu.memory_space<vmem>> -> memref<32x1024xf32, #tpu.memory_space<vmem>>
    %dma_wait3A_604 = arith.constant 0 : i32
    %dma_wait3A_605 = tpu.memref_slice %arg5[%dma_wait3A_598, %dma_wait3A_604] : memref<8x32xi32, #tpu.memory_space<vmem>> -> memref<1x32xi32, #tpu.memory_space<vmem>>
    %dma_wait3A_606 = tpu.memref_squeeze %dma_wait3A_605 : memref<1x32xi32, #tpu.memory_space<vmem>> -> memref<32xi32, #tpu.memory_space<vmem>>
    %dma_wait3A_607 = arith.constant 0 : i32
    %dma_wait3A_608 = arith.constant 0 : i32
    %dma_wait3A_609 = tpu.memref_slice %arg2[%dma_wait3A_607, %dma_wait3A_608] : memref<8192x1024xf32, #tpu.memory_space<hbm>> -> memref<8192x1024xf32, #tpu.memory_space<hbm>>
    tpu.wait_indirect_dma semaphore(%arg8 : memref<!tpu.dma_semaphore, #tpu.memory_space<semaphore_mem>>) src(%dma_wait3A_609 : memref<8192x1024xf32, #tpu.memory_space<hbm>>) dst(%dma_wait3A_603 : memref<32x1024xf32, #tpu.memory_space<vmem>>)
    %add3A_610 = arith.constant 224 : i32
    %add3A_611 = arith.addi %mul3A_2, %add3A_610 : i32
    %dma_start3A_612 = arith.constant 1 : i32
    %dma_start3A_613 = arith.constant 0 : i32
    %dma_start3A_614 = arith.constant 0 : i32
    %dma_start3A_615 = tpu.memref_slice %arg6[%dma_start3A_612, %dma_start3A_613, %dma_start3A_614] : memref<2x32x1024xf32, #tpu.memory_space<vmem>> -> memref<1x32x1024xf32, #tpu.memory_space<vmem>>
    %dma_start3A_616 = tpu.memref_squeeze %dma_start3A_615 : memref<1x32x1024xf32, #tpu.memory_space<vmem>> -> memref<32x1024xf32, #tpu.memory_space<vmem>>
    %dma_start3A_617 = arith.constant 0 : i32
    %dma_start3A_618 = tpu.memref_slice %arg4[%add3A_611, %dma_start3A_617] : memref<8192x1024xf32, #tpu.memory_space<hbm>> -> memref<32x1024xf32, #tpu.memory_space<hbm>>
    %dma_start3A_619 = arith.constant 0 : i32
    %dma_start3A_620 = tpu.memref_slice %arg4[%add3A_611, %dma_start3A_619] : memref<8192x1024xf32, #tpu.memory_space<hbm>> -> memref<32x1024xf32, #tpu.memory_space<hbm>>
    %dma_start3A_621 = arith.constant 0 : i32
    %dma_start3A_622 = arith.constant 0 : i32
    %dma_start3A_623 = tpu.memref_slice %arg6[%dma_start3A_612, %dma_start3A_621, %dma_start3A_622] : memref<2x32x1024xf32, #tpu.memory_space<vmem>> -> memref<1x32x1024xf32, #tpu.memory_space<vmem>>
    %dma_start3A_624 = tpu.memref_squeeze %dma_start3A_623 : memref<1x32x1024xf32, #tpu.memory_space<vmem>> -> memref<32x1024xf32, #tpu.memory_space<vmem>>
    tpu.enqueue_dma source(%dma_start3A_624 : memref<32x1024xf32, #tpu.memory_space<vmem>>) target(%dma_start3A_620 : memref<32x1024xf32, #tpu.memory_space<hbm>>) target_semaphore(%arg10 : memref<!tpu.dma_semaphore, #tpu.memory_space<semaphore_mem>>)
    %dma_wait3A_625 = arith.constant 0 : i32
    %dma_wait3A_626 = arith.constant 0 : i32
    %dma_wait3A_627 = arith.constant 0 : i32
    %dma_wait3A_628 = tpu.memref_slice %arg6[%dma_wait3A_625, %dma_wait3A_626, %dma_wait3A_627] : memref<2x32x1024xf32, #tpu.memory_space<vmem>> -> memref<1x32x1024xf32, #tpu.memory_space<vmem>>
    %dma_wait3A_629 = tpu.memref_squeeze %dma_wait3A_628 : memref<1x32x1024xf32, #tpu.memory_space<vmem>> -> memref<32x1024xf32, #tpu.memory_space<vmem>>
    %dma_wait3A_630 = arith.constant 0 : i32
    %dma_wait3A_631 = tpu.memref_slice %arg4[%add3A_584, %dma_wait3A_630] : memref<8192x1024xf32, #tpu.memory_space<hbm>> -> memref<32x1024xf32, #tpu.memory_space<hbm>>
    %dma_wait3A_632 = arith.constant 0 : i32
    %dma_wait3A_633 = tpu.memref_slice %arg4[%add3A_584, %dma_wait3A_632] : memref<8192x1024xf32, #tpu.memory_space<hbm>> -> memref<32x1024xf32, #tpu.memory_space<hbm>>
    %dma_wait3A_634 = arith.constant 0 : i32
    %dma_wait3A_635 = arith.constant 0 : i32
    %dma_wait3A_636 = tpu.memref_slice %arg6[%dma_wait3A_625, %dma_wait3A_634, %dma_wait3A_635] : memref<2x32x1024xf32, #tpu.memory_space<vmem>> -> memref<1x32x1024xf32, #tpu.memory_space<vmem>>
    %dma_wait3A_637 = tpu.memref_squeeze %dma_wait3A_636 : memref<1x32x1024xf32, #tpu.memory_space<vmem>> -> memref<32x1024xf32, #tpu.memory_space<vmem>>
    tpu.wait_dma2 semaphore(%arg9 : memref<!tpu.dma_semaphore, #tpu.memory_space<semaphore_mem>>) src(%dma_wait3A_637 : memref<32x1024xf32, #tpu.memory_space<vmem>>) dst(%dma_wait3A_633 : memref<32x1024xf32, #tpu.memory_space<hbm>>)
    %dma_wait3A_638 = arith.constant 1 : i32
    %dma_wait3A_639 = arith.constant 0 : i32
    %dma_wait3A_640 = arith.constant 0 : i32
    %dma_wait3A_641 = tpu.memref_slice %arg6[%dma_wait3A_638, %dma_wait3A_639, %dma_wait3A_640] : memref<2x32x1024xf32, #tpu.memory_space<vmem>> -> memref<1x32x1024xf32, #tpu.memory_space<vmem>>
    %dma_wait3A_642 = tpu.memref_squeeze %dma_wait3A_641 : memref<1x32x1024xf32, #tpu.memory_space<vmem>> -> memref<32x1024xf32, #tpu.memory_space<vmem>>
    %dma_wait3A_643 = arith.constant 0 : i32
    %dma_wait3A_644 = tpu.memref_slice %arg4[%add3A_611, %dma_wait3A_643] : memref<8192x1024xf32, #tpu.memory_space<hbm>> -> memref<32x1024xf32, #tpu.memory_space<hbm>>
    %dma_wait3A_645 = arith.constant 0 : i32
    %dma_wait3A_646 = tpu.memref_slice %arg4[%add3A_611, %dma_wait3A_645] : memref<8192x1024xf32, #tpu.memory_space<hbm>> -> memref<32x1024xf32, #tpu.memory_space<hbm>>
    %dma_wait3A_647 = arith.constant 0 : i32
    %dma_wait3A_648 = arith.constant 0 : i32
    %dma_wait3A_649 = tpu.memref_slice %arg6[%dma_wait3A_638, %dma_wait3A_647, %dma_wait3A_648] : memref<2x32x1024xf32, #tpu.memory_space<vmem>> -> memref<1x32x1024xf32, #tpu.memory_space<vmem>>
    %dma_wait3A_650 = tpu.memref_squeeze %dma_wait3A_649 : memref<1x32x1024xf32, #tpu.memory_space<vmem>> -> memref<32x1024xf32, #tpu.memory_space<vmem>>
    tpu.wait_dma2 semaphore(%arg10 : memref<!tpu.dma_semaphore, #tpu.memory_space<semaphore_mem>>) src(%dma_wait3A_650 : memref<32x1024xf32, #tpu.memory_space<vmem>>) dst(%dma_wait3A_646 : memref<32x1024xf32, #tpu.memory_space<hbm>>)
    return
  }
}

module attributes {stable_mosaic.version = 14 : i64} {
  func.func @_wfuse_body(%arg0: i32, %arg1: memref<256x1024xf32, #tpu.memory_space<vmem>>, %arg2: memref<1024x1024xf32, #tpu.memory_space<vmem>>, %arg3: memref<512x1024xf32, #tpu.memory_space<vmem>>, %arg4: memref<512x1024xf32, #tpu.memory_space<vmem>>, %arg5: memref<1024x1024xf32, #tpu.memory_space<vmem>>, %arg6: memref<256x1024xf32, #tpu.memory_space<vmem>>, %arg7: memref<1x1024xf32, #tpu.memory_space<vmem>>, %arg8: memref<1x1024xf32, #tpu.memory_space<vmem>>, %arg9: memref<1x1024xf32, #tpu.memory_space<vmem>>, %arg10: memref<1x256xf32, #tpu.memory_space<vmem>>, %arg11: memref<1x512xf32, #tpu.memory_space<vmem>>, %arg12: memref<1x512xf32, #tpu.memory_space<vmem>>, %arg13: memref<1x1024xf32, #tpu.memory_space<vmem>>, %arg14: memref<1x256xf32, #tpu.memory_space<vmem>>, %arg15: memref<512x1024xbf16, #tpu.memory_space<vmem>>, %arg16: memref<256x1024xbf16, #tpu.memory_space<vmem>>, %arg17: memref<256x1024xbf16, #tpu.memory_space<vmem>>, %arg18: memref<256x1024xbf16, #tpu.memory_space<vmem>>, %arg19: memref<1x256xf32, #tpu.memory_space<vmem>>, %arg20: memref<1x512xf32, #tpu.memory_space<vmem>>, %arg21: memref<1x256xf32, #tpu.memory_space<vmem>>) attributes {dimension_semantics = [#tpu.dimension_semantics<arbitrary>], iteration_bounds = array<i64: 4>, scalar_prefetch = 0 : i64, scratch_operands = 0 : i64, tpu.core_type = #tpu.core_type<tc>, window_params = [{transform_indices = @transform_0, window_bounds = array<i64: 256, 1024>}, {pipeline_mode = #tpu.pipeline_mode<synchronous>, transform_indices = @transform_1, window_bounds = array<i64: 1024, 1024>}, {transform_indices = @transform_2, window_bounds = array<i64: 512, 1024>}, {transform_indices = @transform_3, window_bounds = array<i64: 512, 1024>}, {pipeline_mode = #tpu.pipeline_mode<synchronous>, transform_indices = @transform_4, window_bounds = array<i64: 1024, 1024>}, {transform_indices = @transform_5, window_bounds = array<i64: 256, 1024>}, {pipeline_mode = #tpu.pipeline_mode<synchronous>, transform_indices = @transform_6, window_bounds = array<i64: 1, 1024>}, {pipeline_mode = #tpu.pipeline_mode<synchronous>, transform_indices = @transform_7, window_bounds = array<i64: 1, 1024>}, {pipeline_mode = #tpu.pipeline_mode<synchronous>, transform_indices = @transform_8, window_bounds = array<i64: 1, 1024>}, {transform_indices = @transform_9, window_bounds = array<i64: 1, 256>}, {transform_indices = @transform_10, window_bounds = array<i64: 1, 512>}, {transform_indices = @transform_11, window_bounds = array<i64: 1, 512>}, {pipeline_mode = #tpu.pipeline_mode<synchronous>, transform_indices = @transform_12, window_bounds = array<i64: 1, 1024>}, {transform_indices = @transform_13, window_bounds = array<i64: 1, 256>}, {transform_indices = @transform_14, window_bounds = array<i64: 512, 1024>}, {transform_indices = @transform_15, window_bounds = array<i64: 256, 1024>}, {transform_indices = @transform_16, window_bounds = array<i64: 256, 1024>}, {transform_indices = @transform_17, window_bounds = array<i64: 256, 1024>}, {transform_indices = @transform_18, window_bounds = array<i64: 1, 256>}, {transform_indices = @transform_19, window_bounds = array<i64: 1, 512>}, {transform_indices = @transform_20, window_bounds = array<i64: 1, 256>}]} {
    %get3A = arith.constant 0 : index
    %get3A_0 = arith.constant 0 : index
    %get3A_1 = vector.load %arg2[%get3A, %get3A_0] : memref<1024x1024xf32, #tpu.memory_space<vmem>>, vector<1024x1024xf32>
    %convert_element_type3A = arith.truncf %get3A_1 : vector<1024x1024xf32> to vector<1024x1024xbf16>
    %get3A_2 = arith.constant 0 : index
    %get3A_3 = arith.constant 0 : index
    %get3A_4 = vector.load %arg5[%get3A_2, %get3A_3] : memref<1024x1024xf32, #tpu.memory_space<vmem>>, vector<1024x1024xf32>
    %convert_element_type3A_5 = arith.truncf %get3A_4 : vector<1024x1024xf32> to vector<1024x1024xbf16>
    %get3A_6 = arith.constant 0 : index
    %get3A_7 = arith.constant 0 : index
    %get3A_8 = vector.load %arg1[%get3A_6, %get3A_7] : memref<256x1024xf32, #tpu.memory_space<vmem>>, vector<256x1024xf32>
    %convert_element_type3A_9 = arith.truncf %get3A_8 : vector<256x1024xf32> to vector<256x1024xbf16>
    %dot_general3A = arith.constant dense<0.000000e+00> : vector<256x1024xf32>
    %dot_general3A_10 = tpu.matmul %convert_element_type3A_9, %convert_element_type3A, %dot_general3A {dimension_numbers = #tpu.dot_dimension_numbers<[1], [0], [0], [1], [0, 0, 1, 1], [], []>, transpose_lhs_hint = false} : vector<256x1024xbf16>, vector<1024x1024xbf16>, vector<256x1024xf32> -> vector<256x1024xf32>
    %convert_element_type3A_11 = arith.truncf %dot_general3A_10 : vector<256x1024xf32> to vector<256x1024xbf16>
    %swap3A = arith.constant 0 : index
    %swap3A_12 = arith.constant 0 : index
    %swap3A_13 = vector.load %arg16[%swap3A, %swap3A_12] : memref<256x1024xbf16, #tpu.memory_space<vmem>>, vector<256x1024xbf16>
    tpu.vector_store %arg16[%swap3A, %swap3A_12], %convert_element_type3A_11 {strides = array<i32>} : memref<256x1024xbf16, #tpu.memory_space<vmem>>, vector<256x1024xbf16>,
    %get3A_14 = arith.constant 0 : index
    %get3A_15 = arith.constant 0 : index
    %get3A_16 = vector.load %arg6[%get3A_14, %get3A_15] : memref<256x1024xf32, #tpu.memory_space<vmem>>, vector<256x1024xf32>
    %convert_element_type3A_17 = arith.truncf %get3A_16 : vector<256x1024xf32> to vector<256x1024xbf16>
    %dot_general3A_18 = arith.constant dense<0.000000e+00> : vector<256x1024xf32>
    %dot_general3A_19 = tpu.matmul %convert_element_type3A_17, %convert_element_type3A_5, %dot_general3A_18 {dimension_numbers = #tpu.dot_dimension_numbers<[1], [0], [0], [1], [0, 0, 1, 1], [], []>, transpose_lhs_hint = false} : vector<256x1024xbf16>, vector<1024x1024xbf16>, vector<256x1024xf32> -> vector<256x1024xf32>
    %convert_element_type3A_20 = arith.truncf %dot_general3A_19 : vector<256x1024xf32> to vector<256x1024xbf16>
    %swap3A_21 = arith.constant 0 : index
    %swap3A_22 = arith.constant 0 : index
    %swap3A_23 = vector.load %arg17[%swap3A_21, %swap3A_22] : memref<256x1024xbf16, #tpu.memory_space<vmem>>, vector<256x1024xbf16>
    tpu.vector_store %arg17[%swap3A_21, %swap3A_22], %convert_element_type3A_20 {strides = array<i32>} : memref<256x1024xbf16, #tpu.memory_space<vmem>>, vector<256x1024xbf16>,
    %swap3A_24 = arith.constant 0 : index
    %swap3A_25 = arith.constant 0 : index
    %swap3A_26 = vector.load %arg18[%swap3A_24, %swap3A_25] : memref<256x1024xbf16, #tpu.memory_space<vmem>>, vector<256x1024xbf16>
    tpu.vector_store %arg18[%swap3A_24, %swap3A_25], %convert_element_type3A_17 {strides = array<i32>} : memref<256x1024xbf16, #tpu.memory_space<vmem>>, vector<256x1024xbf16>,
    %get3A_27 = arith.constant 0 : index
    %get3A_28 = arith.constant 0 : index
    %get3A_29 = vector.load %arg7[%get3A_27, %get3A_28] : memref<1x1024xf32, #tpu.memory_space<vmem>>, vector<1x1024xf32>
    %get3A_30 = arith.constant 0 : index
    %get3A_31 = arith.constant 0 : index
    %get3A_32 = vector.load %arg8[%get3A_30, %get3A_31] : memref<1x1024xf32, #tpu.memory_space<vmem>>, vector<1x1024xf32>
    %broadcast_in_dim3A = vector.shape_cast %get3A_32 : vector<1x1024xf32> to vector<1x1024xf32>
    %broadcast_in_dim3A_33 = vector.broadcast %broadcast_in_dim3A : vector<1x1024xf32> to vector<8x1024xf32>
    %convert_element_type3A_34 = arith.truncf %broadcast_in_dim3A_33 : vector<8x1024xf32> to vector<8x1024xbf16>
    %lt3A = arith.constant 2 : i32
    %lt3A_35 = arith.cmpi slt, %arg0, %lt3A : i32
    %convert_element_type3A_36 = arith.extui %lt3A_35 : i1 to i32
    %cond3A = arith.constant 0 : i32
    %cond3A_37 = arith.cmpi ne, %convert_element_type3A_36, %cond3A : i32
    scf.if %cond3A_37 {
      %get3A_72 = arith.constant 0 : index
      %get3A_73 = arith.constant 0 : index
      %get3A_74 = vector.load %arg3[%get3A_72, %get3A_73] : memref<512x1024xf32, #tpu.memory_space<vmem>>, vector<512x1024xf32>
      %mul3A = vector.broadcast %get3A_29 : vector<1x1024xf32> to vector<512x1024xf32>
      %mul3A_75 = arith.mulf %get3A_74, %mul3A : vector<512x1024xf32>
      %convert_element_type3A_76 = arith.truncf %mul3A_75 : vector<512x1024xf32> to vector<512x1024xbf16>
      %swap3A_77 = arith.constant 0 : index
      %swap3A_78 = arith.constant 0 : index
      %swap3A_79 = vector.load %arg15[%swap3A_77, %swap3A_78] : memref<512x1024xbf16, #tpu.memory_space<vmem>>, vector<512x1024xbf16>
      tpu.vector_store %arg15[%swap3A_77, %swap3A_78], %convert_element_type3A_76 {strides = array<i32>} : memref<512x1024xbf16, #tpu.memory_space<vmem>>, vector<512x1024xbf16>,
      %get3A_80 = arith.constant 0 : index
      %get3A_81 = arith.constant 0 : index
      %get3A_82 = vector.load %arg3[%get3A_80, %get3A_81] : memref<512x1024xf32, #tpu.memory_space<vmem>>, vector<512x1024xf32>
      %convert_element_type3A_83 = arith.truncf %get3A_82 : vector<512x1024xf32> to vector<512x1024xbf16>
      %dot_general3A_84 = arith.constant dense<0.000000e+00> : vector<8x512xf32>
      %dot_general3A_85 = tpu.matmul %convert_element_type3A_34, %convert_element_type3A_83, %dot_general3A_84 {dimension_numbers = #tpu.dot_dimension_numbers<[1], [1], [0], [0], [0, 0, 1, 0], [], []>, transpose_lhs_hint = false} : vector<8x1024xbf16>, vector<512x1024xbf16>, vector<8x512xf32> -> vector<8x512xf32>
      %slice3A_86 = vector.extract_strided_slice %dot_general3A_85 {offsets = [0, 0], sizes = [1, 512], strides = [1, 1]} : vector<8x512xf32> to vector<1x512xf32>
      %get3A_87 = arith.constant 0 : index
      %get3A_88 = arith.constant 0 : index
      %get3A_89 = vector.load %arg11[%get3A_87, %get3A_88] : memref<1x512xf32, #tpu.memory_space<vmem>>, vector<1x512xf32>
      %add3A_90 = arith.addf %slice3A_86, %get3A_89 : vector<1x512xf32>
      %swap3A_91 = arith.constant 0 : index
      %swap3A_92 = arith.constant 0 : index
      %swap3A_93 = vector.load %arg20[%swap3A_91, %swap3A_92] : memref<1x512xf32, #tpu.memory_space<vmem>>, vector<1x512xf32>
      tpu.vector_store %arg20[%swap3A_91, %swap3A_92], %add3A_90 {strides = array<i32>} : memref<1x512xf32, #tpu.memory_space<vmem>>, vector<1x512xf32>,
    } else {
    }
    %ge3A = arith.constant 2 : i32
    %ge3A_38 = arith.cmpi sge, %arg0, %ge3A : i32
    %convert_element_type3A_39 = arith.extui %ge3A_38 : i1 to i32
    %cond3A_40 = arith.constant 0 : i32
    %cond3A_41 = arith.cmpi ne, %convert_element_type3A_39, %cond3A_40 : i32
    scf.if %cond3A_41 {
      %get3A_72 = arith.constant 0 : index
      %get3A_73 = arith.constant 0 : index
      %get3A_74 = vector.load %arg4[%get3A_72, %get3A_73] : memref<512x1024xf32, #tpu.memory_space<vmem>>, vector<512x1024xf32>
      %mul3A = vector.broadcast %get3A_29 : vector<1x1024xf32> to vector<512x1024xf32>
      %mul3A_75 = arith.mulf %get3A_74, %mul3A : vector<512x1024xf32>
      %convert_element_type3A_76 = arith.truncf %mul3A_75 : vector<512x1024xf32> to vector<512x1024xbf16>
      %swap3A_77 = arith.constant 0 : index
      %swap3A_78 = arith.constant 0 : index
      %swap3A_79 = vector.load %arg15[%swap3A_77, %swap3A_78] : memref<512x1024xbf16, #tpu.memory_space<vmem>>, vector<512x1024xbf16>
      tpu.vector_store %arg15[%swap3A_77, %swap3A_78], %convert_element_type3A_76 {strides = array<i32>} : memref<512x1024xbf16, #tpu.memory_space<vmem>>, vector<512x1024xbf16>,
      %get3A_80 = arith.constant 0 : index
      %get3A_81 = arith.constant 0 : index
      %get3A_82 = vector.load %arg4[%get3A_80, %get3A_81] : memref<512x1024xf32, #tpu.memory_space<vmem>>, vector<512x1024xf32>
      %convert_element_type3A_83 = arith.truncf %get3A_82 : vector<512x1024xf32> to vector<512x1024xbf16>
      %dot_general3A_84 = arith.constant dense<0.000000e+00> : vector<8x512xf32>
      %dot_general3A_85 = tpu.matmul %convert_element_type3A_34, %convert_element_type3A_83, %dot_general3A_84 {dimension_numbers = #tpu.dot_dimension_numbers<[1], [1], [0], [0], [0, 0, 1, 0], [], []>, transpose_lhs_hint = false} : vector<8x1024xbf16>, vector<512x1024xbf16>, vector<8x512xf32> -> vector<8x512xf32>
      %slice3A_86 = vector.extract_strided_slice %dot_general3A_85 {offsets = [0, 0], sizes = [1, 512], strides = [1, 1]} : vector<8x512xf32> to vector<1x512xf32>
      %get3A_87 = arith.constant 0 : index
      %get3A_88 = arith.constant 0 : index
      %get3A_89 = vector.load %arg12[%get3A_87, %get3A_88] : memref<1x512xf32, #tpu.memory_space<vmem>>, vector<1x512xf32>
      %add3A_90 = arith.addf %slice3A_86, %get3A_89 : vector<1x512xf32>
      %swap3A_91 = arith.constant 0 : index
      %swap3A_92 = arith.constant 0 : index
      %swap3A_93 = vector.load %arg20[%swap3A_91, %swap3A_92] : memref<1x512xf32, #tpu.memory_space<vmem>>, vector<1x512xf32>
      tpu.vector_store %arg20[%swap3A_91, %swap3A_92], %add3A_90 {strides = array<i32>} : memref<1x512xf32, #tpu.memory_space<vmem>>, vector<1x512xf32>,
    } else {
    }
    %get3A_42 = arith.constant 0 : index
    %get3A_43 = arith.constant 0 : index
    %get3A_44 = vector.load %arg9[%get3A_42, %get3A_43] : memref<1x1024xf32, #tpu.memory_space<vmem>>, vector<1x1024xf32>
    %broadcast_in_dim3A_45 = vector.shape_cast %get3A_44 : vector<1x1024xf32> to vector<1x1024xf32>
    %broadcast_in_dim3A_46 = vector.broadcast %broadcast_in_dim3A_45 : vector<1x1024xf32> to vector<8x1024xf32>
    %convert_element_type3A_47 = arith.truncf %broadcast_in_dim3A_46 : vector<8x1024xf32> to vector<8x1024xbf16>
    %dot_general3A_48 = arith.constant dense<0.000000e+00> : vector<8x256xf32>
    %dot_general3A_49 = tpu.matmul %convert_element_type3A_47, %convert_element_type3A_9, %dot_general3A_48 {dimension_numbers = #tpu.dot_dimension_numbers<[1], [1], [0], [0], [0, 0, 1, 0], [], []>, transpose_lhs_hint = false} : vector<8x1024xbf16>, vector<256x1024xbf16>, vector<8x256xf32> -> vector<8x256xf32>
    %slice3A = vector.extract_strided_slice %dot_general3A_49 {offsets = [0, 0], sizes = [1, 256], strides = [1, 1]} : vector<8x256xf32> to vector<1x256xf32>
    %get3A_50 = arith.constant 0 : index
    %get3A_51 = arith.constant 0 : index
    %get3A_52 = vector.load %arg10[%get3A_50, %get3A_51] : memref<1x256xf32, #tpu.memory_space<vmem>>, vector<1x256xf32>
    %add3A = arith.addf %slice3A, %get3A_52 : vector<1x256xf32>
    %swap3A_53 = arith.constant 0 : index
    %swap3A_54 = arith.constant 0 : index
    %swap3A_55 = vector.load %arg19[%swap3A_53, %swap3A_54] : memref<1x256xf32, #tpu.memory_space<vmem>>, vector<1x256xf32>
    tpu.vector_store %arg19[%swap3A_53, %swap3A_54], %add3A {strides = array<i32>} : memref<1x256xf32, #tpu.memory_space<vmem>>, vector<1x256xf32>,
    %get3A_56 = arith.constant 0 : index
    %get3A_57 = arith.constant 0 : index
    %get3A_58 = vector.load %arg13[%get3A_56, %get3A_57] : memref<1x1024xf32, #tpu.memory_space<vmem>>, vector<1x1024xf32>
    %broadcast_in_dim3A_59 = vector.shape_cast %get3A_58 : vector<1x1024xf32> to vector<1x1024xf32>
    %broadcast_in_dim3A_60 = vector.broadcast %broadcast_in_dim3A_59 : vector<1x1024xf32> to vector<8x1024xf32>
    %convert_element_type3A_61 = arith.truncf %broadcast_in_dim3A_60 : vector<8x1024xf32> to vector<8x1024xbf16>
    %dot_general3A_62 = arith.constant dense<0.000000e+00> : vector<8x256xf32>
    %dot_general3A_63 = tpu.matmul %convert_element_type3A_61, %convert_element_type3A_17, %dot_general3A_62 {dimension_numbers = #tpu.dot_dimension_numbers<[1], [1], [0], [0], [0, 0, 1, 0], [], []>, transpose_lhs_hint = false} : vector<8x1024xbf16>, vector<256x1024xbf16>, vector<8x256xf32> -> vector<8x256xf32>
    %slice3A_64 = vector.extract_strided_slice %dot_general3A_63 {offsets = [0, 0], sizes = [1, 256], strides = [1, 1]} : vector<8x256xf32> to vector<1x256xf32>
    %get3A_65 = arith.constant 0 : index
    %get3A_66 = arith.constant 0 : index
    %get3A_67 = vector.load %arg14[%get3A_65, %get3A_66] : memref<1x256xf32, #tpu.memory_space<vmem>>, vector<1x256xf32>
    %add3A_68 = arith.addf %slice3A_64, %get3A_67 : vector<1x256xf32>
    %swap3A_69 = arith.constant 0 : index
    %swap3A_70 = arith.constant 0 : index
    %swap3A_71 = vector.load %arg21[%swap3A_69, %swap3A_70] : memref<1x256xf32, #tpu.memory_space<vmem>>, vector<1x256xf32>
    tpu.vector_store %arg21[%swap3A_69, %swap3A_70], %add3A_68 {strides = array<i32>} : memref<1x256xf32, #tpu.memory_space<vmem>>, vector<1x256xf32>,
    return
  }
  func.func @transform_0(%arg0: i32) -> (i32, i32) {
    %c0_i32 = arith.constant 0 : i32
    %c0_i32_0 = arith.constant 0 : i32
    return %arg0, %c0_i32 : i32, i32
  }
  func.func @transform_1(%arg0: i32) -> (i32, i32) {
    %c0_i32 = arith.constant 0 : i32
    %c0_i32_0 = arith.constant 0 : i32
    %c0_i32_1 = arith.constant 0 : i32
    return %c0_i32, %c0_i32_0 : i32, i32
  }
  func.func @transform_2(%arg0: i32) -> (i32, i32) {
    %min3A = arith.constant 1 : i32
    %min3A_0 = arith.minsi %arg0, %min3A : i32
    %c0_i32 = arith.constant 0 : i32
    %c0_i32_1 = arith.constant 0 : i32
    return %min3A_0, %c0_i32 : i32, i32
  }
  func.func @transform_3(%arg0: i32) -> (i32, i32) {
    %sub3A = arith.constant 2 : i32
    %sub3A_0 = arith.subi %arg0, %sub3A : i32
    %max3A = arith.constant 0 : i32
    %max3A_1 = arith.maxsi %sub3A_0, %max3A : i32
    %c0_i32 = arith.constant 0 : i32
    %c0_i32_2 = arith.constant 0 : i32
    return %max3A_1, %c0_i32 : i32, i32
  }
  func.func @transform_4(%arg0: i32) -> (i32, i32) {
    %c0_i32 = arith.constant 0 : i32
    %c0_i32_0 = arith.constant 0 : i32
    %c0_i32_1 = arith.constant 0 : i32
    return %c0_i32, %c0_i32_0 : i32, i32
  }
  func.func @transform_5(%arg0: i32) -> (i32, i32) {
    %c0_i32 = arith.constant 0 : i32
    %c0_i32_0 = arith.constant 0 : i32
    return %arg0, %c0_i32 : i32, i32
  }
  func.func @transform_6(%arg0: i32) -> (i32, i32) {
    %c0_i32 = arith.constant 0 : i32
    %c0_i32_0 = arith.constant 0 : i32
    %c0_i32_1 = arith.constant 0 : i32
    return %c0_i32, %c0_i32_0 : i32, i32
  }
  func.func @transform_7(%arg0: i32) -> (i32, i32) {
    %c0_i32 = arith.constant 0 : i32
    %c0_i32_0 = arith.constant 0 : i32
    %c0_i32_1 = arith.constant 0 : i32
    return %c0_i32, %c0_i32_0 : i32, i32
  }
  func.func @transform_8(%arg0: i32) -> (i32, i32) {
    %c0_i32 = arith.constant 0 : i32
    %c0_i32_0 = arith.constant 0 : i32
    %c0_i32_1 = arith.constant 0 : i32
    return %c0_i32, %c0_i32_0 : i32, i32
  }
  func.func @transform_9(%arg0: i32) -> (i32, i32) {
    %c0_i32 = arith.constant 0 : i32
    %c0_i32_0 = arith.constant 0 : i32
    return %c0_i32, %arg0 : i32, i32
  }
  func.func @transform_10(%arg0: i32) -> (i32, i32) {
    %min3A = arith.constant 1 : i32
    %min3A_0 = arith.minsi %arg0, %min3A : i32
    %c0_i32 = arith.constant 0 : i32
    %c0_i32_1 = arith.constant 0 : i32
    return %c0_i32, %min3A_0 : i32, i32
  }
  func.func @transform_11(%arg0: i32) -> (i32, i32) {
    %sub3A = arith.constant 2 : i32
    %sub3A_0 = arith.subi %arg0, %sub3A : i32
    %max3A = arith.constant 0 : i32
    %max3A_1 = arith.maxsi %sub3A_0, %max3A : i32
    %c0_i32 = arith.constant 0 : i32
    %c0_i32_2 = arith.constant 0 : i32
    return %c0_i32, %max3A_1 : i32, i32
  }
  func.func @transform_12(%arg0: i32) -> (i32, i32) {
    %c0_i32 = arith.constant 0 : i32
    %c0_i32_0 = arith.constant 0 : i32
    %c0_i32_1 = arith.constant 0 : i32
    return %c0_i32, %c0_i32_0 : i32, i32
  }
  func.func @transform_13(%arg0: i32) -> (i32, i32) {
    %c0_i32 = arith.constant 0 : i32
    %c0_i32_0 = arith.constant 0 : i32
    return %c0_i32, %arg0 : i32, i32
  }
  func.func @transform_14(%arg0: i32) -> (i32, i32) {
    %c0_i32 = arith.constant 0 : i32
    %c0_i32_0 = arith.constant 0 : i32
    return %arg0, %c0_i32 : i32, i32
  }
  func.func @transform_15(%arg0: i32) -> (i32, i32) {
    %c0_i32 = arith.constant 0 : i32
    %c0_i32_0 = arith.constant 0 : i32
    return %arg0, %c0_i32 : i32, i32
  }
  func.func @transform_16(%arg0: i32) -> (i32, i32) {
    %c0_i32 = arith.constant 0 : i32
    %c0_i32_0 = arith.constant 0 : i32
    return %arg0, %c0_i32 : i32, i32
  }
  func.func @transform_17(%arg0: i32) -> (i32, i32) {
    %c0_i32 = arith.constant 0 : i32
    %c0_i32_0 = arith.constant 0 : i32
    return %arg0, %c0_i32 : i32, i32
  }
  func.func @transform_18(%arg0: i32) -> (i32, i32) {
    %c0_i32 = arith.constant 0 : i32
    %c0_i32_0 = arith.constant 0 : i32
    return %c0_i32, %arg0 : i32, i32
  }
  func.func @transform_19(%arg0: i32) -> (i32, i32) {
    %c0_i32 = arith.constant 0 : i32
    %c0_i32_0 = arith.constant 0 : i32
    return %c0_i32, %arg0 : i32, i32
  }
  func.func @transform_20(%arg0: i32) -> (i32, i32) {
    %c0_i32 = arith.constant 0 : i32
    %c0_i32_0 = arith.constant 0 : i32
    return %c0_i32, %arg0 : i32, i32
  }
}

module attributes {stable_mosaic.version = 14 : i64} {
  func.func @_main_body(%arg0: i32, %arg1: memref<512x1024xf32, #tpu.memory_space<vmem>>, %arg2: memref<512x1024xf32, #tpu.memory_space<vmem>>, %arg3: memref<2048x1024xbf16, #tpu.memory_space<vmem>>, %arg4: memref<1x2048xf32, #tpu.memory_space<vmem>>, %arg5: memref<1024x1024xbf16, #tpu.memory_space<vmem>>, %arg6: memref<1x1024xf32, #tpu.memory_space<vmem>>, %arg7: memref<1024x1024xbf16, #tpu.memory_space<vmem>>, %arg8: memref<1024x1024xbf16, #tpu.memory_space<vmem>>, %arg9: memref<1x1024xf32, #tpu.memory_space<vmem>>, %arg10: memref<512x1024xf32, #tpu.memory_space<vmem>>) attributes {dimension_semantics = [#tpu.dimension_semantics<parallel>], iteration_bounds = array<i64: 16>, scalar_prefetch = 0 : i64, scratch_operands = 0 : i64, tpu.core_type = #tpu.core_type<tc>, window_params = [{transform_indices = @transform_0, window_bounds = array<i64: 512, 1024>}, {transform_indices = @transform_1, window_bounds = array<i64: 512, 1024>}, {pipeline_mode = #tpu.pipeline_mode<synchronous>, transform_indices = @transform_2, window_bounds = array<i64: 2048, 1024>}, {pipeline_mode = #tpu.pipeline_mode<synchronous>, transform_indices = @transform_3, window_bounds = array<i64: 1, 2048>}, {pipeline_mode = #tpu.pipeline_mode<synchronous>, transform_indices = @transform_4, window_bounds = array<i64: 1024, 1024>}, {pipeline_mode = #tpu.pipeline_mode<synchronous>, transform_indices = @transform_5, window_bounds = array<i64: 1, 1024>}, {pipeline_mode = #tpu.pipeline_mode<synchronous>, transform_indices = @transform_6, window_bounds = array<i64: 1024, 1024>}, {pipeline_mode = #tpu.pipeline_mode<synchronous>, transform_indices = @transform_7, window_bounds = array<i64: 1024, 1024>}, {pipeline_mode = #tpu.pipeline_mode<synchronous>, transform_indices = @transform_8, window_bounds = array<i64: 1, 1024>}, {transform_indices = @transform_9, window_bounds = array<i64: 512, 1024>}]} {
    %get3A = arith.constant 0 : index
    %get3A_0 = arith.constant 0 : index
    %get3A_1 = vector.load %arg1[%get3A, %get3A_0] : memref<512x1024xf32, #tpu.memory_space<vmem>>, vector<256x1024xf32>
    %convert_element_type3A = arith.truncf %get3A_1 : vector<256x1024xf32> to vector<256x1024xbf16>
    %get3A_2 = arith.constant 0 : index
    %get3A_3 = arith.constant 0 : index
    %get3A_4 = vector.load %arg8[%get3A_2, %get3A_3] : memref<1024x1024xbf16, #tpu.memory_space<vmem>>, vector<1024x1024xbf16>
    %dot_general3A = arith.constant dense<0.000000e+00> : vector<256x1024xf32>
    %dot_general3A_5 = tpu.matmul %convert_element_type3A, %get3A_4, %dot_general3A {dimension_numbers = #tpu.dot_dimension_numbers<[1], [1], [0], [0], [0, 0, 1, 0], [], []>, transpose_lhs_hint = false} : vector<256x1024xbf16>, vector<1024x1024xbf16>, vector<256x1024xf32> -> vector<256x1024xf32>
    %reduce_sum3A = arith.constant dense<0.000000e+00> : vector<256xf32>
    %reduce_sum3A_6 = vector.multi_reduction <add>, %get3A_1, %reduce_sum3A [1] : vector<256x1024xf32> to vector<256xf32>
    %broadcast_in_dim3A = vector.shape_cast %reduce_sum3A_6 : vector<256xf32> to vector<256x1xf32>
    %div3A = arith.constant 1.024000e+03 : f32
    %div3A_7 = vector.broadcast %div3A : f32 to vector<256x1xf32>
    %div3A_8 = arith.divf %broadcast_in_dim3A, %div3A_7 : vector<256x1xf32>
    %sub3A = vector.broadcast %div3A_8 : vector<256x1xf32> to vector<256x1024xf32>
    %sub3A_9 = arith.subf %get3A_1, %sub3A : vector<256x1024xf32>
    %mul3A = arith.mulf %sub3A_9, %sub3A_9 : vector<256x1024xf32>
    %reduce_sum3A_10 = arith.constant dense<0.000000e+00> : vector<256xf32>
    %reduce_sum3A_11 = vector.multi_reduction <add>, %mul3A, %reduce_sum3A_10 [1] : vector<256x1024xf32> to vector<256xf32>
    %broadcast_in_dim3A_12 = vector.shape_cast %reduce_sum3A_11 : vector<256xf32> to vector<256x1xf32>
    %div3A_13 = arith.constant 1.024000e+03 : f32
    %div3A_14 = vector.broadcast %div3A_13 : f32 to vector<256x1xf32>
    %div3A_15 = arith.divf %broadcast_in_dim3A_12, %div3A_14 : vector<256x1xf32>
    %add3A = arith.constant 9.99999997E-7 : f32
    %add3A_16 = vector.broadcast %add3A : f32 to vector<256x1xf32>
    %add3A_17 = arith.addf %div3A_15, %add3A_16 : vector<256x1xf32>
    %rsqrt3A = math.rsqrt %add3A_17 : vector<256x1xf32>
    %mul3A_18 = vector.broadcast %rsqrt3A : vector<256x1xf32> to vector<256x1024xf32>
    %mul3A_19 = arith.mulf %sub3A_9, %mul3A_18 : vector<256x1024xf32>
    %convert_element_type3A_20 = arith.truncf %mul3A_19 : vector<256x1024xf32> to vector<256x1024xbf16>
    %get3A_21 = arith.constant 0 : index
    %get3A_22 = arith.constant 0 : index
    %get3A_23 = vector.load %arg3[%get3A_21, %get3A_22] : memref<2048x1024xbf16, #tpu.memory_space<vmem>>, vector<2048x1024xbf16>
    %dot_general3A_24 = arith.constant dense<0.000000e+00> : vector<256x2048xf32>
    %dot_general3A_25 = tpu.matmul %convert_element_type3A_20, %get3A_23, %dot_general3A_24 {dimension_numbers = #tpu.dot_dimension_numbers<[1], [1], [0], [0], [0, 0, 1, 0], [], []>, transpose_lhs_hint = false} : vector<256x1024xbf16>, vector<2048x1024xbf16>, vector<256x2048xf32> -> vector<256x2048xf32>
    %slice3A = vector.extract_strided_slice %dot_general3A_25 {offsets = [0, 0], sizes = [256, 1024], strides = [1, 1]} : vector<256x2048xf32> to vector<256x1024xf32>
    %get3A_26 = arith.constant 0 : index
    %get3A_27 = arith.constant 0 : index
    %get3A_28 = vector.load %arg4[%get3A_26, %get3A_27] : memref<1x2048xf32, #tpu.memory_space<vmem>>, vector<1x1024xf32>
    %add3A_29 = vector.broadcast %get3A_28 : vector<1x1024xf32> to vector<256x1024xf32>
    %add3A_30 = arith.addf %slice3A, %add3A_29 : vector<256x1024xf32>
    %slice3A_31 = vector.extract_strided_slice %dot_general3A_25 {offsets = [0, 1024], sizes = [256, 1024], strides = [1, 1]} : vector<256x2048xf32> to vector<256x1024xf32>
    %get3A_32 = arith.constant 0 : index
    %get3A_33 = arith.constant 1024 : index
    %get3A_34 = vector.load %arg4[%get3A_32, %get3A_33] : memref<1x2048xf32, #tpu.memory_space<vmem>>, vector<1x1024xf32>
    %add3A_35 = vector.broadcast %get3A_34 : vector<1x1024xf32> to vector<256x1024xf32>
    %add3A_36 = arith.addf %slice3A_31, %add3A_35 : vector<256x1024xf32>
    %get3A_37 = arith.constant 0 : index
    %get3A_38 = arith.constant 0 : index
    %get3A_39 = vector.load %arg2[%get3A_37, %get3A_38] : memref<512x1024xf32, #tpu.memory_space<vmem>>, vector<256x1024xf32>
    %convert_element_type3A_40 = arith.truncf %get3A_39 : vector<256x1024xf32> to vector<256x1024xbf16>
    %get3A_41 = arith.constant 0 : index
    %get3A_42 = arith.constant 0 : index
    %get3A_43 = vector.load %arg5[%get3A_41, %get3A_42] : memref<1024x1024xbf16, #tpu.memory_space<vmem>>, vector<1024x1024xbf16>
    %dot_general3A_44 = arith.constant dense<0.000000e+00> : vector<256x1024xf32>
    %dot_general3A_45 = tpu.matmul %convert_element_type3A_40, %get3A_43, %dot_general3A_44 {dimension_numbers = #tpu.dot_dimension_numbers<[1], [1], [0], [0], [0, 0, 1, 0], [], []>, transpose_lhs_hint = false} : vector<256x1024xbf16>, vector<1024x1024xbf16>, vector<256x1024xf32> -> vector<256x1024xf32>
    %get3A_46 = arith.constant 0 : index
    %get3A_47 = arith.constant 0 : index
    %get3A_48 = vector.load %arg6[%get3A_46, %get3A_47] : memref<1x1024xf32, #tpu.memory_space<vmem>>, vector<1x1024xf32>
    %add3A_49 = vector.broadcast %get3A_48 : vector<1x1024xf32> to vector<256x1024xf32>
    %add3A_50 = arith.addf %dot_general3A_45, %add3A_49 : vector<256x1024xf32>
    %sub3A_51 = arith.subf %add3A_36, %add3A_50 : vector<256x1024xf32>
    %mul3A_52 = arith.mulf %add3A_30, %sub3A_51 : vector<256x1024xf32>
    %slice3A_53 = vector.extract_strided_slice %mul3A_52 {offsets = [0, 0], sizes = [256, 128], strides = [1, 1]} : vector<256x1024xf32> to vector<256x128xf32>
    %reduce_sum3A_54 = arith.constant dense<0.000000e+00> : vector<256xf32>
    %reduce_sum3A_55 = vector.multi_reduction <add>, %slice3A_53, %reduce_sum3A_54 [1] : vector<256x128xf32> to vector<256xf32>
    %broadcast_in_dim3A_56 = vector.shape_cast %reduce_sum3A_55 : vector<256xf32> to vector<256x1xf32>
    %mul3A_57 = arith.constant 0.0883883461 : f32
    %mul3A_58 = vector.broadcast %mul3A_57 : f32 to vector<256x1xf32>
    %mul3A_59 = arith.mulf %broadcast_in_dim3A_56, %mul3A_58 : vector<256x1xf32>
    %abs3A = math.absf %mul3A_59 : vector<256x1xf32>
    %neg3A = arith.constant 0.000000e+00 : f32
    %neg3A_60 = vector.broadcast %neg3A : f32 to vector<256x1xf32>
    %neg3A_61 = arith.subf %neg3A_60, %abs3A : vector<256x1xf32>
    %exp3A = math.exp %neg3A_61 : vector<256x1xf32>
    %ge3A = arith.constant 0.000000e+00 : f32
    %ge3A_62 = vector.broadcast %ge3A : f32 to vector<256x1xf32>
    %ge3A_63 = arith.cmpf oge, %mul3A_59, %ge3A_62 : vector<256x1xf32>
    %add3A_64 = arith.constant 1.000000e+00 : f32
    %add3A_65 = vector.broadcast %add3A_64 : f32 to vector<256x1xf32>
    %add3A_66 = arith.addf %add3A_65, %exp3A : vector<256x1xf32>
    %div3A_67 = arith.constant 1.000000e+00 : f32
    %div3A_68 = vector.broadcast %div3A_67 : f32 to vector<256x1xf32>
    %div3A_69 = arith.divf %div3A_68, %add3A_66 : vector<256x1xf32>
    %add3A_70 = arith.constant 1.000000e+00 : f32
    %add3A_71 = vector.broadcast %add3A_70 : f32 to vector<256x1xf32>
    %add3A_72 = arith.addf %add3A_71, %exp3A : vector<256x1xf32>
    %div3A_73 = arith.divf %exp3A, %add3A_72 : vector<256x1xf32>
    %select_n3A = arith.select %ge3A_63, %div3A_69, %div3A_73 : vector<256x1xi1>, vector<256x1xf32>
    %slice3A_74 = vector.extract_strided_slice %add3A_50 {offsets = [0, 0], sizes = [256, 128], strides = [1, 1]} : vector<256x1024xf32> to vector<256x128xf32>
    %slice3A_75 = vector.extract_strided_slice %sub3A_51 {offsets = [0, 0], sizes = [256, 128], strides = [1, 1]} : vector<256x1024xf32> to vector<256x128xf32>
    %mul3A_76 = vector.broadcast %select_n3A : vector<256x1xf32> to vector<256x128xf32>
    %mul3A_77 = arith.mulf %mul3A_76, %slice3A_75 : vector<256x128xf32>
    %add3A_78 = arith.addf %slice3A_74, %mul3A_77 : vector<256x128xf32>
    %slice3A_79 = vector.extract_strided_slice %mul3A_52 {offsets = [0, 128], sizes = [256, 128], strides = [1, 1]} : vector<256x1024xf32> to vector<256x128xf32>
    %reduce_sum3A_80 = arith.constant dense<0.000000e+00> : vector<256xf32>
    %reduce_sum3A_81 = vector.multi_reduction <add>, %slice3A_79, %reduce_sum3A_80 [1] : vector<256x128xf32> to vector<256xf32>
    %broadcast_in_dim3A_82 = vector.shape_cast %reduce_sum3A_81 : vector<256xf32> to vector<256x1xf32>
    %mul3A_83 = arith.constant 0.0883883461 : f32
    %mul3A_84 = vector.broadcast %mul3A_83 : f32 to vector<256x1xf32>
    %mul3A_85 = arith.mulf %broadcast_in_dim3A_82, %mul3A_84 : vector<256x1xf32>
    %abs3A_86 = math.absf %mul3A_85 : vector<256x1xf32>
    %neg3A_87 = arith.constant 0.000000e+00 : f32
    %neg3A_88 = vector.broadcast %neg3A_87 : f32 to vector<256x1xf32>
    %neg3A_89 = arith.subf %neg3A_88, %abs3A_86 : vector<256x1xf32>
    %exp3A_90 = math.exp %neg3A_89 : vector<256x1xf32>
    %ge3A_91 = arith.constant 0.000000e+00 : f32
    %ge3A_92 = vector.broadcast %ge3A_91 : f32 to vector<256x1xf32>
    %ge3A_93 = arith.cmpf oge, %mul3A_85, %ge3A_92 : vector<256x1xf32>
    %add3A_94 = arith.constant 1.000000e+00 : f32
    %add3A_95 = vector.broadcast %add3A_94 : f32 to vector<256x1xf32>
    %add3A_96 = arith.addf %add3A_95, %exp3A_90 : vector<256x1xf32>
    %div3A_97 = arith.constant 1.000000e+00 : f32
    %div3A_98 = vector.broadcast %div3A_97 : f32 to vector<256x1xf32>
    %div3A_99 = arith.divf %div3A_98, %add3A_96 : vector<256x1xf32>
    %add3A_100 = arith.constant 1.000000e+00 : f32
    %add3A_101 = vector.broadcast %add3A_100 : f32 to vector<256x1xf32>
    %add3A_102 = arith.addf %add3A_101, %exp3A_90 : vector<256x1xf32>
    %div3A_103 = arith.divf %exp3A_90, %add3A_102 : vector<256x1xf32>
    %select_n3A_104 = arith.select %ge3A_93, %div3A_99, %div3A_103 : vector<256x1xi1>, vector<256x1xf32>
    %slice3A_105 = vector.extract_strided_slice %add3A_50 {offsets = [0, 128], sizes = [256, 128], strides = [1, 1]} : vector<256x1024xf32> to vector<256x128xf32>
    %slice3A_106 = vector.extract_strided_slice %sub3A_51 {offsets = [0, 128], sizes = [256, 128], strides = [1, 1]} : vector<256x1024xf32> to vector<256x128xf32>
    %mul3A_107 = vector.broadcast %select_n3A_104 : vector<256x1xf32> to vector<256x128xf32>
    %mul3A_108 = arith.mulf %mul3A_107, %slice3A_106 : vector<256x128xf32>
    %add3A_109 = arith.addf %slice3A_105, %mul3A_108 : vector<256x128xf32>
    %slice3A_110 = vector.extract_strided_slice %mul3A_52 {offsets = [0, 256], sizes = [256, 128], strides = [1, 1]} : vector<256x1024xf32> to vector<256x128xf32>
    %reduce_sum3A_111 = arith.constant dense<0.000000e+00> : vector<256xf32>
    %reduce_sum3A_112 = vector.multi_reduction <add>, %slice3A_110, %reduce_sum3A_111 [1] : vector<256x128xf32> to vector<256xf32>
    %broadcast_in_dim3A_113 = vector.shape_cast %reduce_sum3A_112 : vector<256xf32> to vector<256x1xf32>
    %mul3A_114 = arith.constant 0.0883883461 : f32
    %mul3A_115 = vector.broadcast %mul3A_114 : f32 to vector<256x1xf32>
    %mul3A_116 = arith.mulf %broadcast_in_dim3A_113, %mul3A_115 : vector<256x1xf32>
    %abs3A_117 = math.absf %mul3A_116 : vector<256x1xf32>
    %neg3A_118 = arith.constant 0.000000e+00 : f32
    %neg3A_119 = vector.broadcast %neg3A_118 : f32 to vector<256x1xf32>
    %neg3A_120 = arith.subf %neg3A_119, %abs3A_117 : vector<256x1xf32>
    %exp3A_121 = math.exp %neg3A_120 : vector<256x1xf32>
    %ge3A_122 = arith.constant 0.000000e+00 : f32
    %ge3A_123 = vector.broadcast %ge3A_122 : f32 to vector<256x1xf32>
    %ge3A_124 = arith.cmpf oge, %mul3A_116, %ge3A_123 : vector<256x1xf32>
    %add3A_125 = arith.constant 1.000000e+00 : f32
    %add3A_126 = vector.broadcast %add3A_125 : f32 to vector<256x1xf32>
    %add3A_127 = arith.addf %add3A_126, %exp3A_121 : vector<256x1xf32>
    %div3A_128 = arith.constant 1.000000e+00 : f32
    %div3A_129 = vector.broadcast %div3A_128 : f32 to vector<256x1xf32>
    %div3A_130 = arith.divf %div3A_129, %add3A_127 : vector<256x1xf32>
    %add3A_131 = arith.constant 1.000000e+00 : f32
    %add3A_132 = vector.broadcast %add3A_131 : f32 to vector<256x1xf32>
    %add3A_133 = arith.addf %add3A_132, %exp3A_121 : vector<256x1xf32>
    %div3A_134 = arith.divf %exp3A_121, %add3A_133 : vector<256x1xf32>
    %select_n3A_135 = arith.select %ge3A_124, %div3A_130, %div3A_134 : vector<256x1xi1>, vector<256x1xf32>
    %slice3A_136 = vector.extract_strided_slice %add3A_50 {offsets = [0, 256], sizes = [256, 128], strides = [1, 1]} : vector<256x1024xf32> to vector<256x128xf32>
    %slice3A_137 = vector.extract_strided_slice %sub3A_51 {offsets = [0, 256], sizes = [256, 128], strides = [1, 1]} : vector<256x1024xf32> to vector<256x128xf32>
    %mul3A_138 = vector.broadcast %select_n3A_135 : vector<256x1xf32> to vector<256x128xf32>
    %mul3A_139 = arith.mulf %mul3A_138, %slice3A_137 : vector<256x128xf32>
    %add3A_140 = arith.addf %slice3A_136, %mul3A_139 : vector<256x128xf32>
    %slice3A_141 = vector.extract_strided_slice %mul3A_52 {offsets = [0, 384], sizes = [256, 128], strides = [1, 1]} : vector<256x1024xf32> to vector<256x128xf32>
    %reduce_sum3A_142 = arith.constant dense<0.000000e+00> : vector<256xf32>
    %reduce_sum3A_143 = vector.multi_reduction <add>, %slice3A_141, %reduce_sum3A_142 [1] : vector<256x128xf32> to vector<256xf32>
    %broadcast_in_dim3A_144 = vector.shape_cast %reduce_sum3A_143 : vector<256xf32> to vector<256x1xf32>
    %mul3A_145 = arith.constant 0.0883883461 : f32
    %mul3A_146 = vector.broadcast %mul3A_145 : f32 to vector<256x1xf32>
    %mul3A_147 = arith.mulf %broadcast_in_dim3A_144, %mul3A_146 : vector<256x1xf32>
    %abs3A_148 = math.absf %mul3A_147 : vector<256x1xf32>
    %neg3A_149 = arith.constant 0.000000e+00 : f32
    %neg3A_150 = vector.broadcast %neg3A_149 : f32 to vector<256x1xf32>
    %neg3A_151 = arith.subf %neg3A_150, %abs3A_148 : vector<256x1xf32>
    %exp3A_152 = math.exp %neg3A_151 : vector<256x1xf32>
    %ge3A_153 = arith.constant 0.000000e+00 : f32
    %ge3A_154 = vector.broadcast %ge3A_153 : f32 to vector<256x1xf32>
    %ge3A_155 = arith.cmpf oge, %mul3A_147, %ge3A_154 : vector<256x1xf32>
    %add3A_156 = arith.constant 1.000000e+00 : f32
    %add3A_157 = vector.broadcast %add3A_156 : f32 to vector<256x1xf32>
    %add3A_158 = arith.addf %add3A_157, %exp3A_152 : vector<256x1xf32>
    %div3A_159 = arith.constant 1.000000e+00 : f32
    %div3A_160 = vector.broadcast %div3A_159 : f32 to vector<256x1xf32>
    %div3A_161 = arith.divf %div3A_160, %add3A_158 : vector<256x1xf32>
    %add3A_162 = arith.constant 1.000000e+00 : f32
    %add3A_163 = vector.broadcast %add3A_162 : f32 to vector<256x1xf32>
    %add3A_164 = arith.addf %add3A_163, %exp3A_152 : vector<256x1xf32>
    %div3A_165 = arith.divf %exp3A_152, %add3A_164 : vector<256x1xf32>
    %select_n3A_166 = arith.select %ge3A_155, %div3A_161, %div3A_165 : vector<256x1xi1>, vector<256x1xf32>
    %slice3A_167 = vector.extract_strided_slice %add3A_50 {offsets = [0, 384], sizes = [256, 128], strides = [1, 1]} : vector<256x1024xf32> to vector<256x128xf32>
    %slice3A_168 = vector.extract_strided_slice %sub3A_51 {offsets = [0, 384], sizes = [256, 128], strides = [1, 1]} : vector<256x1024xf32> to vector<256x128xf32>
    %mul3A_169 = vector.broadcast %select_n3A_166 : vector<256x1xf32> to vector<256x128xf32>
    %mul3A_170 = arith.mulf %mul3A_169, %slice3A_168 : vector<256x128xf32>
    %add3A_171 = arith.addf %slice3A_167, %mul3A_170 : vector<256x128xf32>
    %slice3A_172 = vector.extract_strided_slice %mul3A_52 {offsets = [0, 512], sizes = [256, 128], strides = [1, 1]} : vector<256x1024xf32> to vector<256x128xf32>
    %reduce_sum3A_173 = arith.constant dense<0.000000e+00> : vector<256xf32>
    %reduce_sum3A_174 = vector.multi_reduction <add>, %slice3A_172, %reduce_sum3A_173 [1] : vector<256x128xf32> to vector<256xf32>
    %broadcast_in_dim3A_175 = vector.shape_cast %reduce_sum3A_174 : vector<256xf32> to vector<256x1xf32>
    %mul3A_176 = arith.constant 0.0883883461 : f32
    %mul3A_177 = vector.broadcast %mul3A_176 : f32 to vector<256x1xf32>
    %mul3A_178 = arith.mulf %broadcast_in_dim3A_175, %mul3A_177 : vector<256x1xf32>
    %abs3A_179 = math.absf %mul3A_178 : vector<256x1xf32>
    %neg3A_180 = arith.constant 0.000000e+00 : f32
    %neg3A_181 = vector.broadcast %neg3A_180 : f32 to vector<256x1xf32>
    %neg3A_182 = arith.subf %neg3A_181, %abs3A_179 : vector<256x1xf32>
    %exp3A_183 = math.exp %neg3A_182 : vector<256x1xf32>
    %ge3A_184 = arith.constant 0.000000e+00 : f32
    %ge3A_185 = vector.broadcast %ge3A_184 : f32 to vector<256x1xf32>
    %ge3A_186 = arith.cmpf oge, %mul3A_178, %ge3A_185 : vector<256x1xf32>
    %add3A_187 = arith.constant 1.000000e+00 : f32
    %add3A_188 = vector.broadcast %add3A_187 : f32 to vector<256x1xf32>
    %add3A_189 = arith.addf %add3A_188, %exp3A_183 : vector<256x1xf32>
    %div3A_190 = arith.constant 1.000000e+00 : f32
    %div3A_191 = vector.broadcast %div3A_190 : f32 to vector<256x1xf32>
    %div3A_192 = arith.divf %div3A_191, %add3A_189 : vector<256x1xf32>
    %add3A_193 = arith.constant 1.000000e+00 : f32
    %add3A_194 = vector.broadcast %add3A_193 : f32 to vector<256x1xf32>
    %add3A_195 = arith.addf %add3A_194, %exp3A_183 : vector<256x1xf32>
    %div3A_196 = arith.divf %exp3A_183, %add3A_195 : vector<256x1xf32>
    %select_n3A_197 = arith.select %ge3A_186, %div3A_192, %div3A_196 : vector<256x1xi1>, vector<256x1xf32>
    %slice3A_198 = vector.extract_strided_slice %add3A_50 {offsets = [0, 512], sizes = [256, 128], strides = [1, 1]} : vector<256x1024xf32> to vector<256x128xf32>
    %slice3A_199 = vector.extract_strided_slice %sub3A_51 {offsets = [0, 512], sizes = [256, 128], strides = [1, 1]} : vector<256x1024xf32> to vector<256x128xf32>
    %mul3A_200 = vector.broadcast %select_n3A_197 : vector<256x1xf32> to vector<256x128xf32>
    %mul3A_201 = arith.mulf %mul3A_200, %slice3A_199 : vector<256x128xf32>
    %add3A_202 = arith.addf %slice3A_198, %mul3A_201 : vector<256x128xf32>
    %slice3A_203 = vector.extract_strided_slice %mul3A_52 {offsets = [0, 640], sizes = [256, 128], strides = [1, 1]} : vector<256x1024xf32> to vector<256x128xf32>
    %reduce_sum3A_204 = arith.constant dense<0.000000e+00> : vector<256xf32>
    %reduce_sum3A_205 = vector.multi_reduction <add>, %slice3A_203, %reduce_sum3A_204 [1] : vector<256x128xf32> to vector<256xf32>
    %broadcast_in_dim3A_206 = vector.shape_cast %reduce_sum3A_205 : vector<256xf32> to vector<256x1xf32>
    %mul3A_207 = arith.constant 0.0883883461 : f32
    %mul3A_208 = vector.broadcast %mul3A_207 : f32 to vector<256x1xf32>
    %mul3A_209 = arith.mulf %broadcast_in_dim3A_206, %mul3A_208 : vector<256x1xf32>
    %abs3A_210 = math.absf %mul3A_209 : vector<256x1xf32>
    %neg3A_211 = arith.constant 0.000000e+00 : f32
    %neg3A_212 = vector.broadcast %neg3A_211 : f32 to vector<256x1xf32>
    %neg3A_213 = arith.subf %neg3A_212, %abs3A_210 : vector<256x1xf32>
    %exp3A_214 = math.exp %neg3A_213 : vector<256x1xf32>
    %ge3A_215 = arith.constant 0.000000e+00 : f32
    %ge3A_216 = vector.broadcast %ge3A_215 : f32 to vector<256x1xf32>
    %ge3A_217 = arith.cmpf oge, %mul3A_209, %ge3A_216 : vector<256x1xf32>
    %add3A_218 = arith.constant 1.000000e+00 : f32
    %add3A_219 = vector.broadcast %add3A_218 : f32 to vector<256x1xf32>
    %add3A_220 = arith.addf %add3A_219, %exp3A_214 : vector<256x1xf32>
    %div3A_221 = arith.constant 1.000000e+00 : f32
    %div3A_222 = vector.broadcast %div3A_221 : f32 to vector<256x1xf32>
    %div3A_223 = arith.divf %div3A_222, %add3A_220 : vector<256x1xf32>
    %add3A_224 = arith.constant 1.000000e+00 : f32
    %add3A_225 = vector.broadcast %add3A_224 : f32 to vector<256x1xf32>
    %add3A_226 = arith.addf %add3A_225, %exp3A_214 : vector<256x1xf32>
    %div3A_227 = arith.divf %exp3A_214, %add3A_226 : vector<256x1xf32>
    %select_n3A_228 = arith.select %ge3A_217, %div3A_223, %div3A_227 : vector<256x1xi1>, vector<256x1xf32>
    %slice3A_229 = vector.extract_strided_slice %add3A_50 {offsets = [0, 640], sizes = [256, 128], strides = [1, 1]} : vector<256x1024xf32> to vector<256x128xf32>
    %slice3A_230 = vector.extract_strided_slice %sub3A_51 {offsets = [0, 640], sizes = [256, 128], strides = [1, 1]} : vector<256x1024xf32> to vector<256x128xf32>
    %mul3A_231 = vector.broadcast %select_n3A_228 : vector<256x1xf32> to vector<256x128xf32>
    %mul3A_232 = arith.mulf %mul3A_231, %slice3A_230 : vector<256x128xf32>
    %add3A_233 = arith.addf %slice3A_229, %mul3A_232 : vector<256x128xf32>
    %slice3A_234 = vector.extract_strided_slice %mul3A_52 {offsets = [0, 768], sizes = [256, 128], strides = [1, 1]} : vector<256x1024xf32> to vector<256x128xf32>
    %reduce_sum3A_235 = arith.constant dense<0.000000e+00> : vector<256xf32>
    %reduce_sum3A_236 = vector.multi_reduction <add>, %slice3A_234, %reduce_sum3A_235 [1] : vector<256x128xf32> to vector<256xf32>
    %broadcast_in_dim3A_237 = vector.shape_cast %reduce_sum3A_236 : vector<256xf32> to vector<256x1xf32>
    %mul3A_238 = arith.constant 0.0883883461 : f32
    %mul3A_239 = vector.broadcast %mul3A_238 : f32 to vector<256x1xf32>
    %mul3A_240 = arith.mulf %broadcast_in_dim3A_237, %mul3A_239 : vector<256x1xf32>
    %abs3A_241 = math.absf %mul3A_240 : vector<256x1xf32>
    %neg3A_242 = arith.constant 0.000000e+00 : f32
    %neg3A_243 = vector.broadcast %neg3A_242 : f32 to vector<256x1xf32>
    %neg3A_244 = arith.subf %neg3A_243, %abs3A_241 : vector<256x1xf32>
    %exp3A_245 = math.exp %neg3A_244 : vector<256x1xf32>
    %ge3A_246 = arith.constant 0.000000e+00 : f32
    %ge3A_247 = vector.broadcast %ge3A_246 : f32 to vector<256x1xf32>
    %ge3A_248 = arith.cmpf oge, %mul3A_240, %ge3A_247 : vector<256x1xf32>
    %add3A_249 = arith.constant 1.000000e+00 : f32
    %add3A_250 = vector.broadcast %add3A_249 : f32 to vector<256x1xf32>
    %add3A_251 = arith.addf %add3A_250, %exp3A_245 : vector<256x1xf32>
    %div3A_252 = arith.constant 1.000000e+00 : f32
    %div3A_253 = vector.broadcast %div3A_252 : f32 to vector<256x1xf32>
    %div3A_254 = arith.divf %div3A_253, %add3A_251 : vector<256x1xf32>
    %add3A_255 = arith.constant 1.000000e+00 : f32
    %add3A_256 = vector.broadcast %add3A_255 : f32 to vector<256x1xf32>
    %add3A_257 = arith.addf %add3A_256, %exp3A_245 : vector<256x1xf32>
    %div3A_258 = arith.divf %exp3A_245, %add3A_257 : vector<256x1xf32>
    %select_n3A_259 = arith.select %ge3A_248, %div3A_254, %div3A_258 : vector<256x1xi1>, vector<256x1xf32>
    %slice3A_260 = vector.extract_strided_slice %add3A_50 {offsets = [0, 768], sizes = [256, 128], strides = [1, 1]} : vector<256x1024xf32> to vector<256x128xf32>
    %slice3A_261 = vector.extract_strided_slice %sub3A_51 {offsets = [0, 768], sizes = [256, 128], strides = [1, 1]} : vector<256x1024xf32> to vector<256x128xf32>
    %mul3A_262 = vector.broadcast %select_n3A_259 : vector<256x1xf32> to vector<256x128xf32>
    %mul3A_263 = arith.mulf %mul3A_262, %slice3A_261 : vector<256x128xf32>
    %add3A_264 = arith.addf %slice3A_260, %mul3A_263 : vector<256x128xf32>
    %slice3A_265 = vector.extract_strided_slice %mul3A_52 {offsets = [0, 896], sizes = [256, 128], strides = [1, 1]} : vector<256x1024xf32> to vector<256x128xf32>
    %reduce_sum3A_266 = arith.constant dense<0.000000e+00> : vector<256xf32>
    %reduce_sum3A_267 = vector.multi_reduction <add>, %slice3A_265, %reduce_sum3A_266 [1] : vector<256x128xf32> to vector<256xf32>
    %broadcast_in_dim3A_268 = vector.shape_cast %reduce_sum3A_267 : vector<256xf32> to vector<256x1xf32>
    %mul3A_269 = arith.constant 0.0883883461 : f32
    %mul3A_270 = vector.broadcast %mul3A_269 : f32 to vector<256x1xf32>
    %mul3A_271 = arith.mulf %broadcast_in_dim3A_268, %mul3A_270 : vector<256x1xf32>
    %abs3A_272 = math.absf %mul3A_271 : vector<256x1xf32>
    %neg3A_273 = arith.constant 0.000000e+00 : f32
    %neg3A_274 = vector.broadcast %neg3A_273 : f32 to vector<256x1xf32>
    %neg3A_275 = arith.subf %neg3A_274, %abs3A_272 : vector<256x1xf32>
    %exp3A_276 = math.exp %neg3A_275 : vector<256x1xf32>
    %ge3A_277 = arith.constant 0.000000e+00 : f32
    %ge3A_278 = vector.broadcast %ge3A_277 : f32 to vector<256x1xf32>
    %ge3A_279 = arith.cmpf oge, %mul3A_271, %ge3A_278 : vector<256x1xf32>
    %add3A_280 = arith.constant 1.000000e+00 : f32
    %add3A_281 = vector.broadcast %add3A_280 : f32 to vector<256x1xf32>
    %add3A_282 = arith.addf %add3A_281, %exp3A_276 : vector<256x1xf32>
    %div3A_283 = arith.constant 1.000000e+00 : f32
    %div3A_284 = vector.broadcast %div3A_283 : f32 to vector<256x1xf32>
    %div3A_285 = arith.divf %div3A_284, %add3A_282 : vector<256x1xf32>
    %add3A_286 = arith.constant 1.000000e+00 : f32
    %add3A_287 = vector.broadcast %add3A_286 : f32 to vector<256x1xf32>
    %add3A_288 = arith.addf %add3A_287, %exp3A_276 : vector<256x1xf32>
    %div3A_289 = arith.divf %exp3A_276, %add3A_288 : vector<256x1xf32>
    %select_n3A_290 = arith.select %ge3A_279, %div3A_285, %div3A_289 : vector<256x1xi1>, vector<256x1xf32>
    %slice3A_291 = vector.extract_strided_slice %add3A_50 {offsets = [0, 896], sizes = [256, 128], strides = [1, 1]} : vector<256x1024xf32> to vector<256x128xf32>
    %slice3A_292 = vector.extract_strided_slice %sub3A_51 {offsets = [0, 896], sizes = [256, 128], strides = [1, 1]} : vector<256x1024xf32> to vector<256x128xf32>
    %mul3A_293 = vector.broadcast %select_n3A_290 : vector<256x1xf32> to vector<256x128xf32>
    %mul3A_294 = arith.mulf %mul3A_293, %slice3A_292 : vector<256x128xf32>
    %add3A_295 = arith.addf %slice3A_291, %mul3A_294 : vector<256x128xf32>
    %concatenate3A = tpu.concatenate %add3A_78, %add3A_109, %add3A_140, %add3A_171, %add3A_202, %add3A_233, %add3A_264, %add3A_295 in 1 : vector<256x128xf32>, vector<256x128xf32>, vector<256x128xf32>, vector<256x128xf32>, vector<256x128xf32>, vector<256x128xf32>, vector<256x128xf32>, vector<256x128xf32> -> vector<256x1024xf32>
    %get3A_296 = arith.constant 0 : index
    %get3A_297 = arith.constant 0 : index
    %get3A_298 = vector.load %arg9[%get3A_296, %get3A_297] : memref<1x1024xf32, #tpu.memory_space<vmem>>, vector<1x1024xf32>
    %add3A_299 = vector.broadcast %get3A_298 : vector<1x1024xf32> to vector<256x1024xf32>
    %add3A_300 = arith.addf %dot_general3A_5, %add3A_299 : vector<256x1024xf32>
    %convert_element_type3A_301 = arith.truncf %concatenate3A : vector<256x1024xf32> to vector<256x1024xbf16>
    %get3A_302 = arith.constant 0 : index
    %get3A_303 = arith.constant 0 : index
    %get3A_304 = vector.load %arg7[%get3A_302, %get3A_303] : memref<1024x1024xbf16, #tpu.memory_space<vmem>>, vector<1024x1024xbf16>
    %dot_general3A_305 = arith.constant dense<0.000000e+00> : vector<256x1024xf32>
    %dot_general3A_306 = tpu.matmul %convert_element_type3A_301, %get3A_304, %dot_general3A_305 {dimension_numbers = #tpu.dot_dimension_numbers<[1], [1], [0], [0], [0, 0, 1, 0], [], []>, transpose_lhs_hint = false} : vector<256x1024xbf16>, vector<1024x1024xbf16>, vector<256x1024xf32> -> vector<256x1024xf32>
    %add3A_307 = arith.addf %add3A_300, %dot_general3A_306 : vector<256x1024xf32>
    %swap3A = arith.constant 0 : index
    %swap3A_308 = arith.constant 0 : index
    %swap3A_309 = vector.load %arg10[%swap3A, %swap3A_308] : memref<512x1024xf32, #tpu.memory_space<vmem>>, vector<256x1024xf32>
    tpu.vector_store %arg10[%swap3A, %swap3A_308], %add3A_307 {strides = array<i32>} : memref<512x1024xf32, #tpu.memory_space<vmem>>, vector<256x1024xf32>,
    %get3A_310 = arith.constant 256 : index
    %get3A_311 = arith.constant 0 : index
    %get3A_312 = vector.load %arg1[%get3A_310, %get3A_311] : memref<512x1024xf32, #tpu.memory_space<vmem>>, vector<256x1024xf32>
    %convert_element_type3A_313 = arith.truncf %get3A_312 : vector<256x1024xf32> to vector<256x1024xbf16>
    %get3A_314 = arith.constant 0 : index
    %get3A_315 = arith.constant 0 : index
    %get3A_316 = vector.load %arg8[%get3A_314, %get3A_315] : memref<1024x1024xbf16, #tpu.memory_space<vmem>>, vector<1024x1024xbf16>
    %dot_general3A_317 = arith.constant dense<0.000000e+00> : vector<256x1024xf32>
    %dot_general3A_318 = tpu.matmul %convert_element_type3A_313, %get3A_316, %dot_general3A_317 {dimension_numbers = #tpu.dot_dimension_numbers<[1], [1], [0], [0], [0, 0, 1, 0], [], []>, transpose_lhs_hint = false} : vector<256x1024xbf16>, vector<1024x1024xbf16>, vector<256x1024xf32> -> vector<256x1024xf32>
    %reduce_sum3A_319 = arith.constant dense<0.000000e+00> : vector<256xf32>
    %reduce_sum3A_320 = vector.multi_reduction <add>, %get3A_312, %reduce_sum3A_319 [1] : vector<256x1024xf32> to vector<256xf32>
    %broadcast_in_dim3A_321 = vector.shape_cast %reduce_sum3A_320 : vector<256xf32> to vector<256x1xf32>
    %div3A_322 = arith.constant 1.024000e+03 : f32
    %div3A_323 = vector.broadcast %div3A_322 : f32 to vector<256x1xf32>
    %div3A_324 = arith.divf %broadcast_in_dim3A_321, %div3A_323 : vector<256x1xf32>
    %sub3A_325 = vector.broadcast %div3A_324 : vector<256x1xf32> to vector<256x1024xf32>
    %sub3A_326 = arith.subf %get3A_312, %sub3A_325 : vector<256x1024xf32>
    %mul3A_327 = arith.mulf %sub3A_326, %sub3A_326 : vector<256x1024xf32>
    %reduce_sum3A_328 = arith.constant dense<0.000000e+00> : vector<256xf32>
    %reduce_sum3A_329 = vector.multi_reduction <add>, %mul3A_327, %reduce_sum3A_328 [1] : vector<256x1024xf32> to vector<256xf32>
    %broadcast_in_dim3A_330 = vector.shape_cast %reduce_sum3A_329 : vector<256xf32> to vector<256x1xf32>
    %div3A_331 = arith.constant 1.024000e+03 : f32
    %div3A_332 = vector.broadcast %div3A_331 : f32 to vector<256x1xf32>
    %div3A_333 = arith.divf %broadcast_in_dim3A_330, %div3A_332 : vector<256x1xf32>
    %add3A_334 = arith.constant 9.99999997E-7 : f32
    %add3A_335 = vector.broadcast %add3A_334 : f32 to vector<256x1xf32>
    %add3A_336 = arith.addf %div3A_333, %add3A_335 : vector<256x1xf32>
    %rsqrt3A_337 = math.rsqrt %add3A_336 : vector<256x1xf32>
    %mul3A_338 = vector.broadcast %rsqrt3A_337 : vector<256x1xf32> to vector<256x1024xf32>
    %mul3A_339 = arith.mulf %sub3A_326, %mul3A_338 : vector<256x1024xf32>
    %convert_element_type3A_340 = arith.truncf %mul3A_339 : vector<256x1024xf32> to vector<256x1024xbf16>
    %get3A_341 = arith.constant 0 : index
    %get3A_342 = arith.constant 0 : index
    %get3A_343 = vector.load %arg3[%get3A_341, %get3A_342] : memref<2048x1024xbf16, #tpu.memory_space<vmem>>, vector<2048x1024xbf16>
    %dot_general3A_344 = arith.constant dense<0.000000e+00> : vector<256x2048xf32>
    %dot_general3A_345 = tpu.matmul %convert_element_type3A_340, %get3A_343, %dot_general3A_344 {dimension_numbers = #tpu.dot_dimension_numbers<[1], [1], [0], [0], [0, 0, 1, 0], [], []>, transpose_lhs_hint = false} : vector<256x1024xbf16>, vector<2048x1024xbf16>, vector<256x2048xf32> -> vector<256x2048xf32>
    %slice3A_346 = vector.extract_strided_slice %dot_general3A_345 {offsets = [0, 0], sizes = [256, 1024], strides = [1, 1]} : vector<256x2048xf32> to vector<256x1024xf32>
    %get3A_347 = arith.constant 0 : index
    %get3A_348 = arith.constant 0 : index
    %get3A_349 = vector.load %arg4[%get3A_347, %get3A_348] : memref<1x2048xf32, #tpu.memory_space<vmem>>, vector<1x1024xf32>
    %add3A_350 = vector.broadcast %get3A_349 : vector<1x1024xf32> to vector<256x1024xf32>
    %add3A_351 = arith.addf %slice3A_346, %add3A_350 : vector<256x1024xf32>
    %slice3A_352 = vector.extract_strided_slice %dot_general3A_345 {offsets = [0, 1024], sizes = [256, 1024], strides = [1, 1]} : vector<256x2048xf32> to vector<256x1024xf32>
    %get3A_353 = arith.constant 0 : index
    %get3A_354 = arith.constant 1024 : index
    %get3A_355 = vector.load %arg4[%get3A_353, %get3A_354] : memref<1x2048xf32, #tpu.memory_space<vmem>>, vector<1x1024xf32>
    %add3A_356 = vector.broadcast %get3A_355 : vector<1x1024xf32> to vector<256x1024xf32>
    %add3A_357 = arith.addf %slice3A_352, %add3A_356 : vector<256x1024xf32>
    %get3A_358 = arith.constant 256 : index
    %get3A_359 = arith.constant 0 : index
    %get3A_360 = vector.load %arg2[%get3A_358, %get3A_359] : memref<512x1024xf32, #tpu.memory_space<vmem>>, vector<256x1024xf32>
    %convert_element_type3A_361 = arith.truncf %get3A_360 : vector<256x1024xf32> to vector<256x1024xbf16>
    %get3A_362 = arith.constant 0 : index
    %get3A_363 = arith.constant 0 : index
    %get3A_364 = vector.load %arg5[%get3A_362, %get3A_363] : memref<1024x1024xbf16, #tpu.memory_space<vmem>>, vector<1024x1024xbf16>
    %dot_general3A_365 = arith.constant dense<0.000000e+00> : vector<256x1024xf32>
    %dot_general3A_366 = tpu.matmul %convert_element_type3A_361, %get3A_364, %dot_general3A_365 {dimension_numbers = #tpu.dot_dimension_numbers<[1], [1], [0], [0], [0, 0, 1, 0], [], []>, transpose_lhs_hint = false} : vector<256x1024xbf16>, vector<1024x1024xbf16>, vector<256x1024xf32> -> vector<256x1024xf32>
    %get3A_367 = arith.constant 0 : index
    %get3A_368 = arith.constant 0 : index
    %get3A_369 = vector.load %arg6[%get3A_367, %get3A_368] : memref<1x1024xf32, #tpu.memory_space<vmem>>, vector<1x1024xf32>
    %add3A_370 = vector.broadcast %get3A_369 : vector<1x1024xf32> to vector<256x1024xf32>
    %add3A_371 = arith.addf %dot_general3A_366, %add3A_370 : vector<256x1024xf32>
    %sub3A_372 = arith.subf %add3A_357, %add3A_371 : vector<256x1024xf32>
    %mul3A_373 = arith.mulf %add3A_351, %sub3A_372 : vector<256x1024xf32>
    %slice3A_374 = vector.extract_strided_slice %mul3A_373 {offsets = [0, 0], sizes = [256, 128], strides = [1, 1]} : vector<256x1024xf32> to vector<256x128xf32>
    %reduce_sum3A_375 = arith.constant dense<0.000000e+00> : vector<256xf32>
    %reduce_sum3A_376 = vector.multi_reduction <add>, %slice3A_374, %reduce_sum3A_375 [1] : vector<256x128xf32> to vector<256xf32>
    %broadcast_in_dim3A_377 = vector.shape_cast %reduce_sum3A_376 : vector<256xf32> to vector<256x1xf32>
    %mul3A_378 = arith.constant 0.0883883461 : f32
    %mul3A_379 = vector.broadcast %mul3A_378 : f32 to vector<256x1xf32>
    %mul3A_380 = arith.mulf %broadcast_in_dim3A_377, %mul3A_379 : vector<256x1xf32>
    %abs3A_381 = math.absf %mul3A_380 : vector<256x1xf32>
    %neg3A_382 = arith.constant 0.000000e+00 : f32
    %neg3A_383 = vector.broadcast %neg3A_382 : f32 to vector<256x1xf32>
    %neg3A_384 = arith.subf %neg3A_383, %abs3A_381 : vector<256x1xf32>
    %exp3A_385 = math.exp %neg3A_384 : vector<256x1xf32>
    %ge3A_386 = arith.constant 0.000000e+00 : f32
    %ge3A_387 = vector.broadcast %ge3A_386 : f32 to vector<256x1xf32>
    %ge3A_388 = arith.cmpf oge, %mul3A_380, %ge3A_387 : vector<256x1xf32>
    %add3A_389 = arith.constant 1.000000e+00 : f32
    %add3A_390 = vector.broadcast %add3A_389 : f32 to vector<256x1xf32>
    %add3A_391 = arith.addf %add3A_390, %exp3A_385 : vector<256x1xf32>
    %div3A_392 = arith.constant 1.000000e+00 : f32
    %div3A_393 = vector.broadcast %div3A_392 : f32 to vector<256x1xf32>
    %div3A_394 = arith.divf %div3A_393, %add3A_391 : vector<256x1xf32>
    %add3A_395 = arith.constant 1.000000e+00 : f32
    %add3A_396 = vector.broadcast %add3A_395 : f32 to vector<256x1xf32>
    %add3A_397 = arith.addf %add3A_396, %exp3A_385 : vector<256x1xf32>
    %div3A_398 = arith.divf %exp3A_385, %add3A_397 : vector<256x1xf32>
    %select_n3A_399 = arith.select %ge3A_388, %div3A_394, %div3A_398 : vector<256x1xi1>, vector<256x1xf32>
    %slice3A_400 = vector.extract_strided_slice %add3A_371 {offsets = [0, 0], sizes = [256, 128], strides = [1, 1]} : vector<256x1024xf32> to vector<256x128xf32>
    %slice3A_401 = vector.extract_strided_slice %sub3A_372 {offsets = [0, 0], sizes = [256, 128], strides = [1, 1]} : vector<256x1024xf32> to vector<256x128xf32>
    %mul3A_402 = vector.broadcast %select_n3A_399 : vector<256x1xf32> to vector<256x128xf32>
    %mul3A_403 = arith.mulf %mul3A_402, %slice3A_401 : vector<256x128xf32>
    %add3A_404 = arith.addf %slice3A_400, %mul3A_403 : vector<256x128xf32>
    %slice3A_405 = vector.extract_strided_slice %mul3A_373 {offsets = [0, 128], sizes = [256, 128], strides = [1, 1]} : vector<256x1024xf32> to vector<256x128xf32>
    %reduce_sum3A_406 = arith.constant dense<0.000000e+00> : vector<256xf32>
    %reduce_sum3A_407 = vector.multi_reduction <add>, %slice3A_405, %reduce_sum3A_406 [1] : vector<256x128xf32> to vector<256xf32>
    %broadcast_in_dim3A_408 = vector.shape_cast %reduce_sum3A_407 : vector<256xf32> to vector<256x1xf32>
    %mul3A_409 = arith.constant 0.0883883461 : f32
    %mul3A_410 = vector.broadcast %mul3A_409 : f32 to vector<256x1xf32>
    %mul3A_411 = arith.mulf %broadcast_in_dim3A_408, %mul3A_410 : vector<256x1xf32>
    %abs3A_412 = math.absf %mul3A_411 : vector<256x1xf32>
    %neg3A_413 = arith.constant 0.000000e+00 : f32
    %neg3A_414 = vector.broadcast %neg3A_413 : f32 to vector<256x1xf32>
    %neg3A_415 = arith.subf %neg3A_414, %abs3A_412 : vector<256x1xf32>
    %exp3A_416 = math.exp %neg3A_415 : vector<256x1xf32>
    %ge3A_417 = arith.constant 0.000000e+00 : f32
    %ge3A_418 = vector.broadcast %ge3A_417 : f32 to vector<256x1xf32>
    %ge3A_419 = arith.cmpf oge, %mul3A_411, %ge3A_418 : vector<256x1xf32>
    %add3A_420 = arith.constant 1.000000e+00 : f32
    %add3A_421 = vector.broadcast %add3A_420 : f32 to vector<256x1xf32>
    %add3A_422 = arith.addf %add3A_421, %exp3A_416 : vector<256x1xf32>
    %div3A_423 = arith.constant 1.000000e+00 : f32
    %div3A_424 = vector.broadcast %div3A_423 : f32 to vector<256x1xf32>
    %div3A_425 = arith.divf %div3A_424, %add3A_422 : vector<256x1xf32>
    %add3A_426 = arith.constant 1.000000e+00 : f32
    %add3A_427 = vector.broadcast %add3A_426 : f32 to vector<256x1xf32>
    %add3A_428 = arith.addf %add3A_427, %exp3A_416 : vector<256x1xf32>
    %div3A_429 = arith.divf %exp3A_416, %add3A_428 : vector<256x1xf32>
    %select_n3A_430 = arith.select %ge3A_419, %div3A_425, %div3A_429 : vector<256x1xi1>, vector<256x1xf32>
    %slice3A_431 = vector.extract_strided_slice %add3A_371 {offsets = [0, 128], sizes = [256, 128], strides = [1, 1]} : vector<256x1024xf32> to vector<256x128xf32>
    %slice3A_432 = vector.extract_strided_slice %sub3A_372 {offsets = [0, 128], sizes = [256, 128], strides = [1, 1]} : vector<256x1024xf32> to vector<256x128xf32>
    %mul3A_433 = vector.broadcast %select_n3A_430 : vector<256x1xf32> to vector<256x128xf32>
    %mul3A_434 = arith.mulf %mul3A_433, %slice3A_432 : vector<256x128xf32>
    %add3A_435 = arith.addf %slice3A_431, %mul3A_434 : vector<256x128xf32>
    %slice3A_436 = vector.extract_strided_slice %mul3A_373 {offsets = [0, 256], sizes = [256, 128], strides = [1, 1]} : vector<256x1024xf32> to vector<256x128xf32>
    %reduce_sum3A_437 = arith.constant dense<0.000000e+00> : vector<256xf32>
    %reduce_sum3A_438 = vector.multi_reduction <add>, %slice3A_436, %reduce_sum3A_437 [1] : vector<256x128xf32> to vector<256xf32>
    %broadcast_in_dim3A_439 = vector.shape_cast %reduce_sum3A_438 : vector<256xf32> to vector<256x1xf32>
    %mul3A_440 = arith.constant 0.0883883461 : f32
    %mul3A_441 = vector.broadcast %mul3A_440 : f32 to vector<256x1xf32>
    %mul3A_442 = arith.mulf %broadcast_in_dim3A_439, %mul3A_441 : vector<256x1xf32>
    %abs3A_443 = math.absf %mul3A_442 : vector<256x1xf32>
    %neg3A_444 = arith.constant 0.000000e+00 : f32
    %neg3A_445 = vector.broadcast %neg3A_444 : f32 to vector<256x1xf32>
    %neg3A_446 = arith.subf %neg3A_445, %abs3A_443 : vector<256x1xf32>
    %exp3A_447 = math.exp %neg3A_446 : vector<256x1xf32>
    %ge3A_448 = arith.constant 0.000000e+00 : f32
    %ge3A_449 = vector.broadcast %ge3A_448 : f32 to vector<256x1xf32>
    %ge3A_450 = arith.cmpf oge, %mul3A_442, %ge3A_449 : vector<256x1xf32>
    %add3A_451 = arith.constant 1.000000e+00 : f32
    %add3A_452 = vector.broadcast %add3A_451 : f32 to vector<256x1xf32>
    %add3A_453 = arith.addf %add3A_452, %exp3A_447 : vector<256x1xf32>
    %div3A_454 = arith.constant 1.000000e+00 : f32
    %div3A_455 = vector.broadcast %div3A_454 : f32 to vector<256x1xf32>
    %div3A_456 = arith.divf %div3A_455, %add3A_453 : vector<256x1xf32>
    %add3A_457 = arith.constant 1.000000e+00 : f32
    %add3A_458 = vector.broadcast %add3A_457 : f32 to vector<256x1xf32>
    %add3A_459 = arith.addf %add3A_458, %exp3A_447 : vector<256x1xf32>
    %div3A_460 = arith.divf %exp3A_447, %add3A_459 : vector<256x1xf32>
    %select_n3A_461 = arith.select %ge3A_450, %div3A_456, %div3A_460 : vector<256x1xi1>, vector<256x1xf32>
    %slice3A_462 = vector.extract_strided_slice %add3A_371 {offsets = [0, 256], sizes = [256, 128], strides = [1, 1]} : vector<256x1024xf32> to vector<256x128xf32>
    %slice3A_463 = vector.extract_strided_slice %sub3A_372 {offsets = [0, 256], sizes = [256, 128], strides = [1, 1]} : vector<256x1024xf32> to vector<256x128xf32>
    %mul3A_464 = vector.broadcast %select_n3A_461 : vector<256x1xf32> to vector<256x128xf32>
    %mul3A_465 = arith.mulf %mul3A_464, %slice3A_463 : vector<256x128xf32>
    %add3A_466 = arith.addf %slice3A_462, %mul3A_465 : vector<256x128xf32>
    %slice3A_467 = vector.extract_strided_slice %mul3A_373 {offsets = [0, 384], sizes = [256, 128], strides = [1, 1]} : vector<256x1024xf32> to vector<256x128xf32>
    %reduce_sum3A_468 = arith.constant dense<0.000000e+00> : vector<256xf32>
    %reduce_sum3A_469 = vector.multi_reduction <add>, %slice3A_467, %reduce_sum3A_468 [1] : vector<256x128xf32> to vector<256xf32>
    %broadcast_in_dim3A_470 = vector.shape_cast %reduce_sum3A_469 : vector<256xf32> to vector<256x1xf32>
    %mul3A_471 = arith.constant 0.0883883461 : f32
    %mul3A_472 = vector.broadcast %mul3A_471 : f32 to vector<256x1xf32>
    %mul3A_473 = arith.mulf %broadcast_in_dim3A_470, %mul3A_472 : vector<256x1xf32>
    %abs3A_474 = math.absf %mul3A_473 : vector<256x1xf32>
    %neg3A_475 = arith.constant 0.000000e+00 : f32
    %neg3A_476 = vector.broadcast %neg3A_475 : f32 to vector<256x1xf32>
    %neg3A_477 = arith.subf %neg3A_476, %abs3A_474 : vector<256x1xf32>
    %exp3A_478 = math.exp %neg3A_477 : vector<256x1xf32>
    %ge3A_479 = arith.constant 0.000000e+00 : f32
    %ge3A_480 = vector.broadcast %ge3A_479 : f32 to vector<256x1xf32>
    %ge3A_481 = arith.cmpf oge, %mul3A_473, %ge3A_480 : vector<256x1xf32>
    %add3A_482 = arith.constant 1.000000e+00 : f32
    %add3A_483 = vector.broadcast %add3A_482 : f32 to vector<256x1xf32>
    %add3A_484 = arith.addf %add3A_483, %exp3A_478 : vector<256x1xf32>
    %div3A_485 = arith.constant 1.000000e+00 : f32
    %div3A_486 = vector.broadcast %div3A_485 : f32 to vector<256x1xf32>
    %div3A_487 = arith.divf %div3A_486, %add3A_484 : vector<256x1xf32>
    %add3A_488 = arith.constant 1.000000e+00 : f32
    %add3A_489 = vector.broadcast %add3A_488 : f32 to vector<256x1xf32>
    %add3A_490 = arith.addf %add3A_489, %exp3A_478 : vector<256x1xf32>
    %div3A_491 = arith.divf %exp3A_478, %add3A_490 : vector<256x1xf32>
    %select_n3A_492 = arith.select %ge3A_481, %div3A_487, %div3A_491 : vector<256x1xi1>, vector<256x1xf32>
    %slice3A_493 = vector.extract_strided_slice %add3A_371 {offsets = [0, 384], sizes = [256, 128], strides = [1, 1]} : vector<256x1024xf32> to vector<256x128xf32>
    %slice3A_494 = vector.extract_strided_slice %sub3A_372 {offsets = [0, 384], sizes = [256, 128], strides = [1, 1]} : vector<256x1024xf32> to vector<256x128xf32>
    %mul3A_495 = vector.broadcast %select_n3A_492 : vector<256x1xf32> to vector<256x128xf32>
    %mul3A_496 = arith.mulf %mul3A_495, %slice3A_494 : vector<256x128xf32>
    %add3A_497 = arith.addf %slice3A_493, %mul3A_496 : vector<256x128xf32>
    %slice3A_498 = vector.extract_strided_slice %mul3A_373 {offsets = [0, 512], sizes = [256, 128], strides = [1, 1]} : vector<256x1024xf32> to vector<256x128xf32>
    %reduce_sum3A_499 = arith.constant dense<0.000000e+00> : vector<256xf32>
    %reduce_sum3A_500 = vector.multi_reduction <add>, %slice3A_498, %reduce_sum3A_499 [1] : vector<256x128xf32> to vector<256xf32>
    %broadcast_in_dim3A_501 = vector.shape_cast %reduce_sum3A_500 : vector<256xf32> to vector<256x1xf32>
    %mul3A_502 = arith.constant 0.0883883461 : f32
    %mul3A_503 = vector.broadcast %mul3A_502 : f32 to vector<256x1xf32>
    %mul3A_504 = arith.mulf %broadcast_in_dim3A_501, %mul3A_503 : vector<256x1xf32>
    %abs3A_505 = math.absf %mul3A_504 : vector<256x1xf32>
    %neg3A_506 = arith.constant 0.000000e+00 : f32
    %neg3A_507 = vector.broadcast %neg3A_506 : f32 to vector<256x1xf32>
    %neg3A_508 = arith.subf %neg3A_507, %abs3A_505 : vector<256x1xf32>
    %exp3A_509 = math.exp %neg3A_508 : vector<256x1xf32>
    %ge3A_510 = arith.constant 0.000000e+00 : f32
    %ge3A_511 = vector.broadcast %ge3A_510 : f32 to vector<256x1xf32>
    %ge3A_512 = arith.cmpf oge, %mul3A_504, %ge3A_511 : vector<256x1xf32>
    %add3A_513 = arith.constant 1.000000e+00 : f32
    %add3A_514 = vector.broadcast %add3A_513 : f32 to vector<256x1xf32>
    %add3A_515 = arith.addf %add3A_514, %exp3A_509 : vector<256x1xf32>
    %div3A_516 = arith.constant 1.000000e+00 : f32
    %div3A_517 = vector.broadcast %div3A_516 : f32 to vector<256x1xf32>
    %div3A_518 = arith.divf %div3A_517, %add3A_515 : vector<256x1xf32>
    %add3A_519 = arith.constant 1.000000e+00 : f32
    %add3A_520 = vector.broadcast %add3A_519 : f32 to vector<256x1xf32>
    %add3A_521 = arith.addf %add3A_520, %exp3A_509 : vector<256x1xf32>
    %div3A_522 = arith.divf %exp3A_509, %add3A_521 : vector<256x1xf32>
    %select_n3A_523 = arith.select %ge3A_512, %div3A_518, %div3A_522 : vector<256x1xi1>, vector<256x1xf32>
    %slice3A_524 = vector.extract_strided_slice %add3A_371 {offsets = [0, 512], sizes = [256, 128], strides = [1, 1]} : vector<256x1024xf32> to vector<256x128xf32>
    %slice3A_525 = vector.extract_strided_slice %sub3A_372 {offsets = [0, 512], sizes = [256, 128], strides = [1, 1]} : vector<256x1024xf32> to vector<256x128xf32>
    %mul3A_526 = vector.broadcast %select_n3A_523 : vector<256x1xf32> to vector<256x128xf32>
    %mul3A_527 = arith.mulf %mul3A_526, %slice3A_525 : vector<256x128xf32>
    %add3A_528 = arith.addf %slice3A_524, %mul3A_527 : vector<256x128xf32>
    %slice3A_529 = vector.extract_strided_slice %mul3A_373 {offsets = [0, 640], sizes = [256, 128], strides = [1, 1]} : vector<256x1024xf32> to vector<256x128xf32>
    %reduce_sum3A_530 = arith.constant dense<0.000000e+00> : vector<256xf32>
    %reduce_sum3A_531 = vector.multi_reduction <add>, %slice3A_529, %reduce_sum3A_530 [1] : vector<256x128xf32> to vector<256xf32>
    %broadcast_in_dim3A_532 = vector.shape_cast %reduce_sum3A_531 : vector<256xf32> to vector<256x1xf32>
    %mul3A_533 = arith.constant 0.0883883461 : f32
    %mul3A_534 = vector.broadcast %mul3A_533 : f32 to vector<256x1xf32>
    %mul3A_535 = arith.mulf %broadcast_in_dim3A_532, %mul3A_534 : vector<256x1xf32>
    %abs3A_536 = math.absf %mul3A_535 : vector<256x1xf32>
    %neg3A_537 = arith.constant 0.000000e+00 : f32
    %neg3A_538 = vector.broadcast %neg3A_537 : f32 to vector<256x1xf32>
    %neg3A_539 = arith.subf %neg3A_538, %abs3A_536 : vector<256x1xf32>
    %exp3A_540 = math.exp %neg3A_539 : vector<256x1xf32>
    %ge3A_541 = arith.constant 0.000000e+00 : f32
    %ge3A_542 = vector.broadcast %ge3A_541 : f32 to vector<256x1xf32>
    %ge3A_543 = arith.cmpf oge, %mul3A_535, %ge3A_542 : vector<256x1xf32>
    %add3A_544 = arith.constant 1.000000e+00 : f32
    %add3A_545 = vector.broadcast %add3A_544 : f32 to vector<256x1xf32>
    %add3A_546 = arith.addf %add3A_545, %exp3A_540 : vector<256x1xf32>
    %div3A_547 = arith.constant 1.000000e+00 : f32
    %div3A_548 = vector.broadcast %div3A_547 : f32 to vector<256x1xf32>
    %div3A_549 = arith.divf %div3A_548, %add3A_546 : vector<256x1xf32>
    %add3A_550 = arith.constant 1.000000e+00 : f32
    %add3A_551 = vector.broadcast %add3A_550 : f32 to vector<256x1xf32>
    %add3A_552 = arith.addf %add3A_551, %exp3A_540 : vector<256x1xf32>
    %div3A_553 = arith.divf %exp3A_540, %add3A_552 : vector<256x1xf32>
    %select_n3A_554 = arith.select %ge3A_543, %div3A_549, %div3A_553 : vector<256x1xi1>, vector<256x1xf32>
    %slice3A_555 = vector.extract_strided_slice %add3A_371 {offsets = [0, 640], sizes = [256, 128], strides = [1, 1]} : vector<256x1024xf32> to vector<256x128xf32>
    %slice3A_556 = vector.extract_strided_slice %sub3A_372 {offsets = [0, 640], sizes = [256, 128], strides = [1, 1]} : vector<256x1024xf32> to vector<256x128xf32>
    %mul3A_557 = vector.broadcast %select_n3A_554 : vector<256x1xf32> to vector<256x128xf32>
    %mul3A_558 = arith.mulf %mul3A_557, %slice3A_556 : vector<256x128xf32>
    %add3A_559 = arith.addf %slice3A_555, %mul3A_558 : vector<256x128xf32>
    %slice3A_560 = vector.extract_strided_slice %mul3A_373 {offsets = [0, 768], sizes = [256, 128], strides = [1, 1]} : vector<256x1024xf32> to vector<256x128xf32>
    %reduce_sum3A_561 = arith.constant dense<0.000000e+00> : vector<256xf32>
    %reduce_sum3A_562 = vector.multi_reduction <add>, %slice3A_560, %reduce_sum3A_561 [1] : vector<256x128xf32> to vector<256xf32>
    %broadcast_in_dim3A_563 = vector.shape_cast %reduce_sum3A_562 : vector<256xf32> to vector<256x1xf32>
    %mul3A_564 = arith.constant 0.0883883461 : f32
    %mul3A_565 = vector.broadcast %mul3A_564 : f32 to vector<256x1xf32>
    %mul3A_566 = arith.mulf %broadcast_in_dim3A_563, %mul3A_565 : vector<256x1xf32>
    %abs3A_567 = math.absf %mul3A_566 : vector<256x1xf32>
    %neg3A_568 = arith.constant 0.000000e+00 : f32
    %neg3A_569 = vector.broadcast %neg3A_568 : f32 to vector<256x1xf32>
    %neg3A_570 = arith.subf %neg3A_569, %abs3A_567 : vector<256x1xf32>
    %exp3A_571 = math.exp %neg3A_570 : vector<256x1xf32>
    %ge3A_572 = arith.constant 0.000000e+00 : f32
    %ge3A_573 = vector.broadcast %ge3A_572 : f32 to vector<256x1xf32>
    %ge3A_574 = arith.cmpf oge, %mul3A_566, %ge3A_573 : vector<256x1xf32>
    %add3A_575 = arith.constant 1.000000e+00 : f32
    %add3A_576 = vector.broadcast %add3A_575 : f32 to vector<256x1xf32>
    %add3A_577 = arith.addf %add3A_576, %exp3A_571 : vector<256x1xf32>
    %div3A_578 = arith.constant 1.000000e+00 : f32
    %div3A_579 = vector.broadcast %div3A_578 : f32 to vector<256x1xf32>
    %div3A_580 = arith.divf %div3A_579, %add3A_577 : vector<256x1xf32>
    %add3A_581 = arith.constant 1.000000e+00 : f32
    %add3A_582 = vector.broadcast %add3A_581 : f32 to vector<256x1xf32>
    %add3A_583 = arith.addf %add3A_582, %exp3A_571 : vector<256x1xf32>
    %div3A_584 = arith.divf %exp3A_571, %add3A_583 : vector<256x1xf32>
    %select_n3A_585 = arith.select %ge3A_574, %div3A_580, %div3A_584 : vector<256x1xi1>, vector<256x1xf32>
    %slice3A_586 = vector.extract_strided_slice %add3A_371 {offsets = [0, 768], sizes = [256, 128], strides = [1, 1]} : vector<256x1024xf32> to vector<256x128xf32>
    %slice3A_587 = vector.extract_strided_slice %sub3A_372 {offsets = [0, 768], sizes = [256, 128], strides = [1, 1]} : vector<256x1024xf32> to vector<256x128xf32>
    %mul3A_588 = vector.broadcast %select_n3A_585 : vector<256x1xf32> to vector<256x128xf32>
    %mul3A_589 = arith.mulf %mul3A_588, %slice3A_587 : vector<256x128xf32>
    %add3A_590 = arith.addf %slice3A_586, %mul3A_589 : vector<256x128xf32>
    %slice3A_591 = vector.extract_strided_slice %mul3A_373 {offsets = [0, 896], sizes = [256, 128], strides = [1, 1]} : vector<256x1024xf32> to vector<256x128xf32>
    %reduce_sum3A_592 = arith.constant dense<0.000000e+00> : vector<256xf32>
    %reduce_sum3A_593 = vector.multi_reduction <add>, %slice3A_591, %reduce_sum3A_592 [1] : vector<256x128xf32> to vector<256xf32>
    %broadcast_in_dim3A_594 = vector.shape_cast %reduce_sum3A_593 : vector<256xf32> to vector<256x1xf32>
    %mul3A_595 = arith.constant 0.0883883461 : f32
    %mul3A_596 = vector.broadcast %mul3A_595 : f32 to vector<256x1xf32>
    %mul3A_597 = arith.mulf %broadcast_in_dim3A_594, %mul3A_596 : vector<256x1xf32>
    %abs3A_598 = math.absf %mul3A_597 : vector<256x1xf32>
    %neg3A_599 = arith.constant 0.000000e+00 : f32
    %neg3A_600 = vector.broadcast %neg3A_599 : f32 to vector<256x1xf32>
    %neg3A_601 = arith.subf %neg3A_600, %abs3A_598 : vector<256x1xf32>
    %exp3A_602 = math.exp %neg3A_601 : vector<256x1xf32>
    %ge3A_603 = arith.constant 0.000000e+00 : f32
    %ge3A_604 = vector.broadcast %ge3A_603 : f32 to vector<256x1xf32>
    %ge3A_605 = arith.cmpf oge, %mul3A_597, %ge3A_604 : vector<256x1xf32>
    %add3A_606 = arith.constant 1.000000e+00 : f32
    %add3A_607 = vector.broadcast %add3A_606 : f32 to vector<256x1xf32>
    %add3A_608 = arith.addf %add3A_607, %exp3A_602 : vector<256x1xf32>
    %div3A_609 = arith.constant 1.000000e+00 : f32
    %div3A_610 = vector.broadcast %div3A_609 : f32 to vector<256x1xf32>
    %div3A_611 = arith.divf %div3A_610, %add3A_608 : vector<256x1xf32>
    %add3A_612 = arith.constant 1.000000e+00 : f32
    %add3A_613 = vector.broadcast %add3A_612 : f32 to vector<256x1xf32>
    %add3A_614 = arith.addf %add3A_613, %exp3A_602 : vector<256x1xf32>
    %div3A_615 = arith.divf %exp3A_602, %add3A_614 : vector<256x1xf32>
    %select_n3A_616 = arith.select %ge3A_605, %div3A_611, %div3A_615 : vector<256x1xi1>, vector<256x1xf32>
    %slice3A_617 = vector.extract_strided_slice %add3A_371 {offsets = [0, 896], sizes = [256, 128], strides = [1, 1]} : vector<256x1024xf32> to vector<256x128xf32>
    %slice3A_618 = vector.extract_strided_slice %sub3A_372 {offsets = [0, 896], sizes = [256, 128], strides = [1, 1]} : vector<256x1024xf32> to vector<256x128xf32>
    %mul3A_619 = vector.broadcast %select_n3A_616 : vector<256x1xf32> to vector<256x128xf32>
    %mul3A_620 = arith.mulf %mul3A_619, %slice3A_618 : vector<256x128xf32>
    %add3A_621 = arith.addf %slice3A_617, %mul3A_620 : vector<256x128xf32>
    %concatenate3A_622 = tpu.concatenate %add3A_404, %add3A_435, %add3A_466, %add3A_497, %add3A_528, %add3A_559, %add3A_590, %add3A_621 in 1 : vector<256x128xf32>, vector<256x128xf32>, vector<256x128xf32>, vector<256x128xf32>, vector<256x128xf32>, vector<256x128xf32>, vector<256x128xf32>, vector<256x128xf32> -> vector<256x1024xf32>
    %get3A_623 = arith.constant 0 : index
    %get3A_624 = arith.constant 0 : index
    %get3A_625 = vector.load %arg9[%get3A_623, %get3A_624] : memref<1x1024xf32, #tpu.memory_space<vmem>>, vector<1x1024xf32>
    %add3A_626 = vector.broadcast %get3A_625 : vector<1x1024xf32> to vector<256x1024xf32>
    %add3A_627 = arith.addf %dot_general3A_318, %add3A_626 : vector<256x1024xf32>
    %convert_element_type3A_628 = arith.truncf %concatenate3A_622 : vector<256x1024xf32> to vector<256x1024xbf16>
    %get3A_629 = arith.constant 0 : index
    %get3A_630 = arith.constant 0 : index
    %get3A_631 = vector.load %arg7[%get3A_629, %get3A_630] : memref<1024x1024xbf16, #tpu.memory_space<vmem>>, vector<1024x1024xbf16>
    %dot_general3A_632 = arith.constant dense<0.000000e+00> : vector<256x1024xf32>
    %dot_general3A_633 = tpu.matmul %convert_element_type3A_628, %get3A_631, %dot_general3A_632 {dimension_numbers = #tpu.dot_dimension_numbers<[1], [1], [0], [0], [0, 0, 1, 0], [], []>, transpose_lhs_hint = false} : vector<256x1024xbf16>, vector<1024x1024xbf16>, vector<256x1024xf32> -> vector<256x1024xf32>
    %add3A_634 = arith.addf %add3A_627, %dot_general3A_633 : vector<256x1024xf32>
    %swap3A_635 = arith.constant 256 : index
    %swap3A_636 = arith.constant 0 : index
    %swap3A_637 = vector.load %arg10[%swap3A_635, %swap3A_636] : memref<512x1024xf32, #tpu.memory_space<vmem>>, vector<256x1024xf32>
    tpu.vector_store %arg10[%swap3A_635, %swap3A_636], %add3A_634 {strides = array<i32>} : memref<512x1024xf32, #tpu.memory_space<vmem>>, vector<256x1024xf32>,
    return
  }
  func.func @transform_0(%arg0: i32) -> (i32, i32) {
    %c0_i32 = arith.constant 0 : i32
    %c0_i32_0 = arith.constant 0 : i32
    return %arg0, %c0_i32 : i32, i32
  }
  func.func @transform_1(%arg0: i32) -> (i32, i32) {
    %c0_i32 = arith.constant 0 : i32
    %c0_i32_0 = arith.constant 0 : i32
    return %arg0, %c0_i32 : i32, i32
  }
  func.func @transform_2(%arg0: i32) -> (i32, i32) {
    %c0_i32 = arith.constant 0 : i32
    %c0_i32_0 = arith.constant 0 : i32
    %c0_i32_1 = arith.constant 0 : i32
    return %c0_i32, %c0_i32_0 : i32, i32
  }
  func.func @transform_3(%arg0: i32) -> (i32, i32) {
    %c0_i32 = arith.constant 0 : i32
    %c0_i32_0 = arith.constant 0 : i32
    %c0_i32_1 = arith.constant 0 : i32
    return %c0_i32, %c0_i32_0 : i32, i32
  }
  func.func @transform_4(%arg0: i32) -> (i32, i32) {
    %c0_i32 = arith.constant 0 : i32
    %c0_i32_0 = arith.constant 0 : i32
    %c0_i32_1 = arith.constant 0 : i32
    return %c0_i32, %c0_i32_0 : i32, i32
  }
  func.func @transform_5(%arg0: i32) -> (i32, i32) {
    %c0_i32 = arith.constant 0 : i32
    %c0_i32_0 = arith.constant 0 : i32
    %c0_i32_1 = arith.constant 0 : i32
    return %c0_i32, %c0_i32_0 : i32, i32
  }
  func.func @transform_6(%arg0: i32) -> (i32, i32) {
    %c0_i32 = arith.constant 0 : i32
    %c0_i32_0 = arith.constant 0 : i32
    %c0_i32_1 = arith.constant 0 : i32
    return %c0_i32, %c0_i32_0 : i32, i32
  }
  func.func @transform_7(%arg0: i32) -> (i32, i32) {
    %c0_i32 = arith.constant 0 : i32
    %c0_i32_0 = arith.constant 0 : i32
    %c0_i32_1 = arith.constant 0 : i32
    return %c0_i32, %c0_i32_0 : i32, i32
  }
  func.func @transform_8(%arg0: i32) -> (i32, i32) {
    %c0_i32 = arith.constant 0 : i32
    %c0_i32_0 = arith.constant 0 : i32
    %c0_i32_1 = arith.constant 0 : i32
    return %c0_i32, %c0_i32_0 : i32, i32
  }
  func.func @transform_9(%arg0: i32) -> (i32, i32) {
    %c0_i32 = arith.constant 0 : i32
    %c0_i32_0 = arith.constant 0 : i32
    return %arg0, %c0_i32 : i32, i32
  }
}

</mosaic_0001>

<sc_bundles>
// kernel: kernel.5.cloned.1.call-start
scs
__scs_entry_jumppad:
0x0: {  	(pc) =	sbr.rel $0x88, $3  }
0x1: {  	(tag) =	ssettag $0x0;
	lr =	simm.s32 $0x1  }
0x2: {  	[smem:$0x3F90] =	sst lr;
	_ =	strace $0xD0000000  }
0x3: {  	_ = 	snop  }
0x4: {  	_ = 	snop  }
0x5: {  	_ = 	snop  }
0x6: {  	_ = 	snop  }
0x7: {  	_ = 	snop  }
__scs_overlays_trampoline_lowered:
0x8: {  	[smem:$0x3F9F] =	sst s0  }
0x9: {  	[smem:$0x3FA0] =	sst s1  }
0xa: {  	[smem:$0x3FA1] =	sst s2  }
0xb: {  	[smem:$0x3FA2] =	sst s3  }
0xc: {  	[smem:$0x3FA3] =	sst s4  }
0xd: {  	[smem:$0x3FA4] =	sst s5  }
0xe: {  	[smem:$0x3FA5] =	sst s6  }
0xf: {  	[smem:$0x3FA6] =	sst s7  }
0x10: {  	[smem:$0x3FA7] =	sst s8  }
0x11: {  	[smem:$0x3FA8] =	sst s9;
	s0 =	simm.s32 @!p0 $0x0  }
0x12: {  	s1 =	sld [smem:$0x3F8E];
	s0 =	simm.s32 @p0 $0x1  }
0x13: {  	[smem:$0x3FA9] =	sst s0;
	s0 =	simm.s32 @!p1 $0x0  }
0x14: {  	s2 =	sld [smem:$0x3F8D];
	s0 =	simm.s32 @p1 $0x1  }
0x15: {  	[smem:$0x3FAA] =	sst s0;
	s0 =	simm.s32 @!p2 $0x0  }
0x16: {  	s3 =	sld [smem:$0x3FDB];
	s0 =	simm.s32 @p2 $0x1  }
0x17: {  	s4 =	simm.s32 $0x1BF5;
	[smem:$0x3FAC] =	sst s0  }
0x18: {  	s0 =	sld [smem:$0x3F8F];
	_ =	swait.ge [sflag:s4], $0x0  }
0x19: {  	s7 =	sld [smem:$0x3F90]  }
0x1a: {  	s8 =	sadd.s32 $0xFFFFE003, lr  }
0x1b: {  	s9 =	sadd.s32 $0xFFFFFEF7, lr;
	s5 =	simm.s32 $0xFFFFFFFF;
	p2 =	slt.u32 s8, $0xFFFFF086  }
0x1c: {  	p1 =	slt.u32 s9, $0xF7A;
	s5 =	simm.s32 @!p2 $0x0  }
0x1d: {  	s5 =	simm.s32 @p1 $0x1;
	p0 =	seq.s32 s7, s2  }
0x1e: {  	s7 =	smul.u32 @!p0 $0xF7A, s2;
	p2 =	seq.s32 @!p0 s5, $0x0  }
0x1f: {  	s9 =	smul.u32 $0xF7A, s1;
	s8 =	simm.s32 @!p0 $0x1BF5;
	p2 =	por !p2, p0  }
0x20: {  	[sflag:s8] =	ssyncset.s32 @!p0 $0xFFFFF086;
	s6 =	sadd.s32 @!p0 s3, s7;
	s7 =	simm.s32 @!p0 $0x108  }
0x21: {  	s3 =	sadd.s32 s3, s9;
	s6 =	sadd.s32 @!p0 $0x88, s6;
	s7 =	simm.s32 @p2 $0x1082  }
0x22: {  	[simem:s7], [sflag:s8] =	dma.local @!p0 [hbm:s6], $0xF7A  }
0x23: {  	s9 =	sor.u32 $0xD0000000, s2;
	s6 =	simm.s32 $0x108;
	_ =	swait.ge @!p0 [sflag:s8], $0x0  }
0x24: {  	s3 =	sadd.s32 $0x88, s3;
	s6 =	simm.s32 @!p1 $0x1082;
	[sflag:s4] =	ssyncset.s32 $0xFFFFF086  }
0x25: {  	[simem:s6], [sflag:s4] =	dma.local [hbm:s3], $0xF7A  }
0x26: {  	[smem:$0x3F90] =	sst s1;
	(tag) =	ssettag s2;
	_ =	strace s9  }
0x27: {  	s1 =	sld [smem:$0x3FA0]  }
0x28: {  	s2 =	sld [smem:$0x3FA1]  }
0x29: {  	s4 =	sld [smem:$0x3FA3]  }
0x2a: {  	p0 =	seq.s32 s5, $0x0;
	s5 =	sld [smem:$0x3FA4]  }
0x2b: {  	s6 =	sld [smem:$0x3FA5]  }
0x2c: {  	s7 =	sld [smem:$0x3FA6]  }
0x2d: {  	s3 =	simm.s32 $0x108;
	s8 =	sld [smem:$0x3FA7]  }
0x2e: {  	s3 =	simm.s32 @!p0 $0x1082;
	s9 =	sld [smem:$0x3FA8]  }
0x2f: {  	lr =	sadd.s32 s0, s3;
	s0 =	sld [smem:$0x3F9F]  }
0x30: {  	s3 =	sld [smem:$0x3FA2]  }
0x31: {  	[smem:$0x3FAB] =	sst s10  }
0x32: {  	s10 =	sld [smem:$0x3FA9];
	_ =	sdelay $0x3  }
0x33: {  	p0 =	seq.s32 s10, $0x1;
	s10 =	sld [smem:$0x3FAB];
	_ =	sdelay $0x3  }
0x34: {  	[smem:$0x3FAB] =	sst s10  }
0x35: {  	s10 =	sld [smem:$0x3FAA];
	_ =	sdelay $0x3  }
0x36: {  	p1 =	seq.s32 s10, $0x1;
	s10 =	sld [smem:$0x3FAB];
	_ =	sdelay $0x3  }
0x37: {  	[smem:$0x3FAB] =	sst s10  }
0x38: {  	s10 =	sld [smem:$0x3FAC]  }
0x39: {  	_ = 	snop;
	(pc) =	sbr.ind lr, $3  }
0x3a: {  	_ = 	snop  }
0x3b: {  	_ = 	snop  }
0x3c: {  	p2 =	seq.s32 s10, $0x1;
	s10 =	sld [smem:$0x3FAB]  }
0x3d: {  	_ =	shalt  }
0x3e: {  	_ =	shalt  }
0x3f: {  	_ =	shalt  }
0x40: {  	_ =	shalt  }
0x41: {  	_ =	shalt  }
0x42: {  	_ =	shalt  }
0x43: {  	_ =	shalt  }
0x44: {  	_ =	shalt  }
0x45: {  	_ =	shalt  }
0x46: {  	_ =	shalt  }
0x47: {  	_ =	shalt  }
0x48: {  	_ =	shalt  }
0x49: {  	_ =	shalt  }
0x4a: {  	_ =	shalt  }
0x4b: {  	_ =	shalt  }
0x4c: {  	_ =	shalt  }
0x4d: {  	_ =	shalt  }
0x4e: {  	_ =	shalt  }
0x4f: {  	_ =	shalt  }
0x50: {  	_ =	shalt  }
0x51: {  	_ =	shalt  }
0x52: {  	_ =	shalt  }
0x53: {  	_ =	shalt  }
0x54: {  	_ =	shalt  }
0x55: {  	_ =	shalt  }
0x56: {  	_ =	shalt  }
0x57: {  	_ =	shalt  }
0x58: {  	_ =	shalt  }
0x59: {  	_ =	shalt  }
0x5a: {  	_ =	shalt  }
0x5b: {  	_ =	shalt  }
0x5c: {  	_ =	shalt  }
0x5d: {  	_ =	shalt  }
0x5e: {  	_ =	shalt  }
0x5f: {  	_ =	shalt  }
0x60: {  	_ =	shalt  }
0x61: {  	_ =	shalt  }
0x62: {  	_ =	shalt  }
0x63: {  	_ =	shalt  }
0x64: {  	_ =	shalt  }
0x65: {  	_ =	shalt  }
0x66: {  	_ =	shalt  }
0x67: {  	_ =	shalt  }
0x68: {  	_ =	shalt  }
0x69: {  	_ =	shalt  }
0x6a: {  	_ =	shalt  }
0x6b: {  	_ =	shalt  }
0x6c: {  	_ =	shalt  }
0x6d: {  	_ =	shalt  }
0x6e: {  	_ =	shalt  }
0x6f: {  	_ =	shalt  }
0x70: {  	_ =	shalt  }
0x71: {  	_ =	shalt  }
0x72: {  	_ =	shalt  }
0x73: {  	_ =	shalt  }
0x74: {  	_ =	shalt  }
0x75: {  	_ =	shalt  }
0x76: {  	_ =	shalt  }
0x77: {  	_ =	shalt  }
0x78: {  	_ =	shalt  }
0x79: {  	_ =	shalt  }
0x7a: {  	_ =	shalt  }
0x7b: {  	_ =	shalt  }
0x7c: {  	_ =	shalt  }
0x7d: {  	_ =	shalt  }
0x7e: {  	_ =	shalt  }
0x7f: {  	_ =	shalt  }
0x80: {  	_ =	shalt  }
0x81: {  	_ =	shalt  }
0x82: {  	_ =	shalt  }
0x83: {  	_ =	shalt  }
0x84: {  	_ =	shalt  }
0x85: {  	_ =	shalt  }
0x86: {  	_ =	shalt  }
0x87: {  	_ =	shalt  }
.Lfunc_end0:
.L_simem_size_0:
called_computation_lowered:
.L_overlay_start_0:
0x88: {  	s2 =	sld [smem:$0x3FD9]  }
0x89: {  	s3 =	sld [smem:$0x3FFE];
	_ =	sdelay $0x1  }
0x8a: {  	s1 =	srdreg.scid  }
0x8b: {  	s0 =	sand.u32 $0x1, s1  }
0x8c: {  	s17 =	sshll.u32 s0, $0xA;
	s2 =	sadd.s32 s3, s2  }
0x8d: {  	s2 =	sadd.s32 s2, s17  }
0x8e: {  	[smem:$0x3FB7] =	sst s2  }
0x8f: {  	_ = 	snop  }
0x90: {  	s2 =	sld [smem:$0x3FC8]  }
0x91: {  	s18 =	sld [smem:$0x3FD0];
	(tm) =	ssettm $0x1  }
0x92: {  	s4 =	sld [smem:$0x3FFB];
	_ =	sdelay $0x3  }
0x93: {  	_ =	strace s4  }
0x94: {  	s4 =	sld [smem:$0x3FFC];
	_ =	sdelay $0x3  }
0x95: {  	_ =	strace s4  }
0x96: {  	s4 =	sld [smem:$0x3FFD];
	_ =	sdelay $0x3  }
0x97: {  	_ =	strace s4  }
0x98: {  	_ =	strace $0x8FFFFFFF  }
0x99: {  	s19 =	sld [smem:$0x3FDB];
	_ =	sdelay $0x1  }
0x9a: {  	s5 =	simm.s32 $_scs_section_size  }
0x9b: {  	s6 =	simm.s32 $_size__tile_overlayer_lowered;
	s7 =	simm.s32 $_tile_overlayer_lowered  }
0x9c: {  	s22 =	simm.s32 $0x1BFF;
	s21 =	sshll.u32 s7, $0x1;
	s4 =	sadd.s32 s5, s19  }
0x9d: {  	s8 =	simm.s32 $0x0;
	s20 =	sshll.u32 s6, $0x1;
	s6 =	sadd.s32 s21, s4  }
0x9e: {  	[timem:s8], [sflag:s22] =	dma.local [hbm:s6], s20  }
0x9f: {  	_ =	swait.ge [sflag:s22], s20  }
0xa0: {  	s5 =	ssub.s32 $0x0, s20;
	[sflag:s22] =	ssyncset.done $0x0  }
0xa1: {  	[sflag:s22] =	ssyncadd.s32 s5;
	_ =	sdelay $0x1  }
0xa2: {  	s23 =	simm.s32 $0x1B8B  }
0xa3: {  	_ =	swait.ge [sflag:s23], $0x1  }
0xa4: {  	[sflag:s23] =	ssyncset.done $0x0  }
0xa5: {  	s25 =	simm.s32 $0x1B8E;
	s24 =	sld [smem:$0x3FFE];
	[sflag:s23] =	ssyncadd.s32 $0xFFFFFFFF  }
0xa6: {  	s26 =	simm.s32 $execute0_lowered;
	[smem:$0x3FD2] =	sst s25  }
0xa7: {  	s6 =	sshll.u32 s26, $0x1;
	_ =	strace $0x80000046;
	[dreg:$0x1] =	wrdreg $0xFFFFFFFF  }
0xa8: {  	s28 =	simm.s32 $_size_execute0_lowered;
	s4 =	sadd.s32 s4, s6;
	[dreg:$0x0] =	wrdreg $0x0  }
0xa9: {  	s6 =	sshll.u32 s28, $0x1;
	[dreg:$0x2] =	wrdreg s4  }
0xaa: {  	[dreg:$0x3] =	wrdreg s6  }
0xab: {  	[dreg:$0x4] =	wrdreg $0xC0  }
0xac: {  	_ =	task [dreg:s8], $0x5FFFF  }
0xad: {  	[dreg:$0x1] =	wrdreg $0xFFFFFFFF  }
0xae: {  	[dreg:$0x0] =	wrdreg $0x60  }
0xaf: {  	[dreg:$0x2] =	wrdreg s2  }
0xb0: {  	[dreg:$0x3] =	wrdreg s18  }
0xb1: {  	[dreg:$0x4] =	wrdreg s24  }
0xb2: {  	[dreg:$0x5] =	wrdreg $0x9  }
0xb3: {  	_ =	task.clear_ibuf [dreg:s8], $0x6FFFF;
	_ =	strace $0x90000046  }
0xb4: {  	s29 =	simm.s32 $0x9;
	_ =	strace $0x80000048  }
0xb5: {  	_ =	swait.ge [sflag:s29], $0x1  }
0xb6: {  	[sflag:s29] =	ssyncadd.s32 $0xFFFFFFFF  }
0xb7: {  	_ =	strace $0x90000048  }
0xb8: {  	_ =	sfence  }
0xb9: {  	s30 =	sld [smem:$0x0];
	_ =	sdelay $0x2  }
0xba: {  	s31 =	sshll.u32 s1, $0xD;
	s1 =	sshrl.u32 s1, $0x2  }
0xbb: {  	s3 =	sand.u32 $0x4000, s31;
	s1 =	sadd.s32 s1, s30  }
0xbc: {  	s0 =	sor.u32 s3, s0;
	s1 =	sshll.u32 s1, $0x11  }
0xbd: {  	s0 =	sor.u32 s1, s0  }
0xbe: {  	s0 =	sadd.s32 $0x8F2B, s0  }
0xbf: {  	[sflag:s0] =	ssyncadd.remote.s32 $0x1  }
0xc0: {  	_ =	sfence.sel $0xFFFF  }
0xc1: {  	[dreg:$0x0] =	wrdreg $0xFFFFFFFF;
	(pc) =	sbr.abs _section_cstart, $3  }
0xc2: {  	[dreg:$0x1] =	wrdreg $0xFFFFFFFF  }
0xc3: {  	_ =	task.clear_ibuf [dreg:s8], $0x2FFFF;
	_ =	strace $0x9FFFFFFF  }
0xc4: {  	(tm) =	ssettm $0x7FFFFFFF  }
0xc5: {  	_ =	shalt  }
tec
execute0_lowered:
.L_overlay_start_1:
0x0: {  	(tag) =	ssettag $0x1  }
0x1: {  	s1 =	rddreg [dreg:$0x0]  }
0x2: {  	s2 =	rddreg [dreg:$0x1]  }
0x3: {  	s4 =	rddreg [dreg:$0x2]  }
0x4: {  	s0 =	srdreg.scid;
	s6 =	stileid.u32;
	s3 =	simm.s32 $0x0  }
0x5: {  	s28 =	simm.s32 $0x2400;
	s29 =	simm.s32 $0x2C00;
	s5 =	sand.u32 $0x1, s0  }
0x6: {  	s30 =	simm.s32 $0x3400;
	s0 =	sshll.u32 s6, $0x9;
	s24 =	sshll.u32 s5, $0x8  }
0x7: {  	s31 =	simm.s32 $0x3C00;
	[smem:$0x7FF] =	sst s3;
	s6 =	sor.u32 s24, s0  }
0x8: {  	s4 =	sadd.s32 $0x1A00, s4;
	_ =	strace $0x80000047;
	s7 =	sshrl.u32 s6, $0x3  }
0x9: {  	s8 =	sor.u32 $0x20, s6;
	s26 =	sor.u32 $0x40, s6;
	s10 =	sor.u32 $0x60, s6  }
0xa: {  	s12 =	sor.u32 $0x80, s6;
	s19 =	sor.u32 $0xA0, s6;
	s13 =	sor.u32 $0xC0, s6  }
0xb: {  	s7 =	sadd.s32 s2, s7;
	s9 =	sshrl.u32 s8, $0x3;
	s15 =	sshrl.u32 s26, $0x3  }
0xc: {  	s11 =	sshrl.u32 s10, $0x3;
	s17 =	sshrl.u32 s12, $0x3;
	s20 =	sshrl.u32 s19, $0x3  }
0xd: {  	s14 =	sshrl.u32 s13, $0x3;
	s24 =	sshll.u32 s8, $0x7;
	s26 =	sshll.u32 s26, $0x7  }
0xe: {  	s13 =	sshll.u32 s13, $0x7;
	[dreg:$0x4] =	wrdreg s7;
	s25 =	sadd.s32 s2, s9  }
0xf: {  	s7 =	sadd.s32 s2, s15;
	s16 =	sadd.s32 s2, s11;
	s18 =	sadd.s32 s2, s17  }
0x10: {  	s15 =	sor.u32 $0xE0, s6;
	s21 =	sadd.s32 s2, s14;
	[dreg:$0x5] =	wrdreg s25  }
0x11: {  	s6 =	sshll.u32 s6, $0x7;
	s9 =	sshll.u32 s12, $0x7;
	[dreg:$0x6] =	wrdreg s7  }
0x12: {  	s11 =	sshll.u32 s19, $0x7;
	s14 =	sadd.s32 s4, s13;
	[dreg:$0x7] =	wrdreg s16  }
0x13: {  	s19 =	simm.s32 $0x80;
	s13 =	simm.s32 $0x6C00;
	[dreg:$0x8] =	wrdreg s18  }
0x14: {  	s7 =	sadd.s32 s2, s20;
	s22 =	sshrl.u32 s15, $0x3;
	[dreg:$0xa] =	wrdreg s21  }
0x15: {  	s23 =	sadd.s32 s4, s6;
	s25 =	sadd.s32 s4, s24;
	s6 =	sadd.s32 s4, s26  }
0x16: {  	s12 =	sadd.s32 s4, s11;
	s16 =	sshll.u32 s15, $0x7;
	[dreg:$0x12] =	wrdreg s14  }
0x17: {  	s18 =	ssub.s32 $0x2, s5;
	[dreg:$0x14] =	wrdreg s19;
	s20 =	simm.s32 $0x100  }
0x18: {  	s24 =	simm.s32 $0x280;
	s26 =	simm.s32 $0x380;
	[dreg:$0x9] =	wrdreg s7  }
0x19: {  	s19 =	simm.s32 $0x3;
	s11 =	simm.s32 $0x5C00;
	[dreg:$0xc] =	wrdreg s23  }
0x1a: {  	s14 =	simm.s32 $0x7400;
	s15 =	simm.s32 $0x7C00;
	[dreg:$0xd] =	wrdreg s25  }
0x1b: {  	s2 =	sadd.s32 s2, s22;
	s7 =	sshll.u32 s10, $0x7;
	[dreg:$0xe] =	wrdreg s6  }
0x1c: {  	s10 =	sadd.s32 s4, s9;
	[dreg:$0x11] =	wrdreg s12;
	s17 =	sadd.s32 s4, s16  }
0x1d: {  	s5 =	sshrl.u32 s18, $0x1;
	[dreg:$0x15] =	wrdreg s20;
	s22 =	simm.s32 $0x180  }
0x1e: {  	s16 =	sand.u32 $0x1800, s0;
	s23 =	simm.s32 $0x200;
	[dreg:$0x18] =	wrdreg s24  }
0x1f: {  	s25 =	simm.s32 $0x300;
	s6 =	sadd.s32 $0x300, s1;
	[dreg:$0x1a] =	wrdreg s26  }
0x20: {  	s20 =	simm.s32 $0x2;
	s24 =	simm.s32 $0x1400;
	[dreg:$0xb] =	wrdreg s2  }
0x21: {  	s26 =	simm.s32 $0x1C00;
	s9 =	simm.s32 $0x4400;
	[dreg:$0x10] =	wrdreg s10  }
0x22: {  	s12 =	simm.s32 $0x6400;
	s0 =	simm.s32 $0x8400;
	[dreg:$0x13] =	wrdreg s17  }
0x23: {  	s8 =	sadd.s32 s4, s7;
	s21 =	ssub.s32 s18, s5;
	[dreg:$0x16] =	wrdreg s22  }
0x24: {  	s4 =	sadd.s32 $0x100, s1;
	[dreg:$0x17] =	wrdreg s23;
	s5 =	sadd.s32 $0x200, s1  }
0x25: {  	v3 =	vlaneseq.u32;
	[dreg:$0x19] =	wrdreg s25;
	s18 =	simm.s32 $0x1;
	s25 =	simm.s32 $0x400  }
0x26: {  	vm0 =	vmmov $0xffff;
	v1 =	vand.u32 $0x7, v3;
	v2 =	vshrl.u32 v3, $0x3;
	s17 =	simm.s32 $0x4C00;
	s10 =	simm.s32 $0x5400;
	[dreg:$0xf] =	wrdreg s8  }
0x27: {  	v3 =	vor.u32 $0x8, v3;
	v2 =	vmul.u32 $0x8, v2;
	v0 =	vmov s16;
	s7 =	smax.u32 s21, $0x1;
	s8 =	simm.s32 $0x5;
	s21 =	simm.s32 $0x4  }
.LBB2_1:
0x28: {  	s22 =	rddreg [dreg:$0x4]  }
0x29: {  	[tilespmem:s3], [sflag:$0x5] =	stream.linear.gather [hbm4b:s22+s3], $0x20, $0x38;
	[tilespmem:$0x10400] =	vst v63  }
0x2a: {  	_ =	swait.ge [sflag:s8], $0x20  }
0x2b: {  	[sflag:s8] =	ssyncset.done $0x0  }
0x2c: {  	[sflag:s8] =	ssyncadd.s32 $0xFFFFFFE0  }
0x2d: {  	v4 =	vld [tilespmem:$0x0]  }
0x2e: {  	v5 =	vld [tilespmem:$0x10];
	_ =	sdelay $0x3  }
0x2f: {  	v4 =	vadd.s32 v0, v4  }
0x30: {  	s16 =	rddreg [dreg:$0x5];
	[tilespmem:$0x0] =	vst v4;
	v4 =	vadd.s32 v0, v5  }
0x31: {  	s23 =	rddreg [dreg:$0x14];
	[tilespmem:$0x10] =	vst v4  }
0x32: {  	[tilespmem:s23], [sflag:$0x5] =	stream.linear.gather [hbm4b:s16+s3], $0x20, $0x38;
	[tilespmem:$0x10400] =	vst v63  }
0x33: {  	_ =	swait.ge [sflag:s8], $0x20  }
0x34: {  	[sflag:s8] =	ssyncset.done $0x0  }
0x35: {  	[sflag:s8] =	ssyncadd.s32 $0xFFFFFFE0  }
0x36: {  	v4 =	vld [tilespmem:$0x80]  }
0x37: {  	v5 =	vld [tilespmem:$0x90];
	_ =	sdelay $0x3  }
0x38: {  	v4 =	vadd.s32 v0, v4  }
0x39: {  	s2 =	rddreg [dreg:$0x6];
	[tilespmem:$0x80] =	vst v4;
	v4 =	vadd.s32 v0, v5  }
0x3a: {  	s16 =	rddreg [dreg:$0x15];
	[tilespmem:$0x90] =	vst v4  }
0x3b: {  	[tilespmem:s16], [sflag:$0x5] =	stream.linear.gather [hbm4b:s2+s3], $0x20, $0x38;
	[tilespmem:$0x10400] =	vst v63  }
0x3c: {  	_ =	swait.ge [sflag:s8], $0x20  }
0x3d: {  	[sflag:s8] =	ssyncset.done $0x0  }
0x3e: {  	[sflag:s8] =	ssyncadd.s32 $0xFFFFFFE0  }
0x3f: {  	v4 =	vld [tilespmem:$0x100]  }
0x40: {  	v5 =	vld [tilespmem:$0x110];
	_ =	sdelay $0x3  }
0x41: {  	v4 =	vadd.s32 v0, v4  }
0x42: {  	s2 =	rddreg [dreg:$0x7];
	[tilespmem:$0x100] =	vst v4;
	v4 =	vadd.s32 v0, v5  }
0x43: {  	s16 =	rddreg [dreg:$0x16];
	[tilespmem:$0x110] =	vst v4  }
0x44: {  	[tilespmem:s16], [sflag:$0x5] =	stream.linear.gather [hbm4b:s2+s3], $0x20, $0x38;
	[tilespmem:$0x10400] =	vst v63  }
0x45: {  	_ =	swait.ge [sflag:s8], $0x20  }
0x46: {  	[sflag:s8] =	ssyncset.done $0x0  }
0x47: {  	[sflag:s8] =	ssyncadd.s32 $0xFFFFFFE0  }
0x48: {  	v4 =	vld [tilespmem:$0x180]  }
0x49: {  	v5 =	vld [tilespmem:$0x190];
	_ =	sdelay $0x3  }
0x4a: {  	v4 =	vadd.s32 v0, v4  }
0x4b: {  	s2 =	rddreg [dreg:$0x8];
	[tilespmem:$0x180] =	vst v4;
	v4 =	vadd.s32 v0, v5  }
0x4c: {  	s16 =	rddreg [dreg:$0x17];
	[tilespmem:$0x190] =	vst v4  }
0x4d: {  	[tilespmem:s16], [sflag:$0x5] =	stream.linear.gather [hbm4b:s2+s3], $0x20, $0x38;
	[tilespmem:$0x10400] =	vst v63  }
0x4e: {  	_ =	swait.ge [sflag:s8], $0x20  }
0x4f: {  	[sflag:s8] =	ssyncset.done $0x0  }
0x50: {  	[sflag:s8] =	ssyncadd.s32 $0xFFFFFFE0  }
0x51: {  	v4 =	vld [tilespmem:$0x200]  }
0x52: {  	v5 =	vld [tilespmem:$0x210];
	_ =	sdelay $0x3  }
0x53: {  	v4 =	vadd.s32 v0, v4  }
0x54: {  	s2 =	rddreg [dreg:$0x9];
	[tilespmem:$0x200] =	vst v4;
	v4 =	vadd.s32 v0, v5  }
0x55: {  	s16 =	rddreg [dreg:$0x18];
	[tilespmem:$0x210] =	vst v4  }
0x56: {  	[tilespmem:s16], [sflag:$0x5] =	stream.linear.gather [hbm4b:s2+s3], $0x20, $0x38;
	[tilespmem:$0x10400] =	vst v63  }
0x57: {  	_ =	swait.ge [sflag:s8], $0x20  }
0x58: {  	[sflag:s8] =	ssyncset.done $0x0  }
0x59: {  	[sflag:s8] =	ssyncadd.s32 $0xFFFFFFE0  }
0x5a: {  	v4 =	vld [tilespmem:$0x280]  }
0x5b: {  	v5 =	vld [tilespmem:$0x290];
	_ =	sdelay $0x3  }
0x5c: {  	v4 =	vadd.s32 v0, v4  }
0x5d: {  	s2 =	rddreg [dreg:$0xa];
	[tilespmem:$0x280] =	vst v4;
	v4 =	vadd.s32 v0, v5  }
0x5e: {  	s16 =	rddreg [dreg:$0x19];
	[tilespmem:$0x290] =	vst v4  }
0x5f: {  	[tilespmem:s16], [sflag:$0x5] =	stream.linear.gather [hbm4b:s2+s3], $0x20, $0x38;
	[tilespmem:$0x10400] =	vst v63  }
0x60: {  	_ =	swait.ge [sflag:s8], $0x20  }
0x61: {  	[sflag:s8] =	ssyncset.done $0x0  }
0x62: {  	[sflag:s8] =	ssyncadd.s32 $0xFFFFFFE0  }
0x63: {  	v4 =	vld [tilespmem:$0x300]  }
0x64: {  	v5 =	vld [tilespmem:$0x310];
	_ =	sdelay $0x3  }
0x65: {  	v4 =	vadd.s32 v0, v4  }
0x66: {  	s2 =	rddreg [dreg:$0xb];
	[tilespmem:$0x300] =	vst v4;
	v4 =	vadd.s32 v0, v5  }
0x67: {  	s16 =	rddreg [dreg:$0x1a];
	[tilespmem:$0x310] =	vst v4  }
0x68: {  	[tilespmem:s16], [sflag:$0x5] =	stream.linear.gather [hbm4b:s2+s3], $0x20, $0x38;
	[tilespmem:$0x10400] =	vst v63  }
0x69: {  	_ =	swait.ge [sflag:s8], $0x20  }
0x6a: {  	[sflag:s8] =	ssyncset.done $0x0  }
0x6b: {  	[sflag:s8] =	ssyncadd.s32 $0xFFFFFFE0  }
0x6c: {  	v4 =	vld [tilespmem:$0x0];
	_ =	sdelay $0x4  }
0x6d: {  	v5 =	vshll.u32 v4, $0x3  }
0x6e: {  	v4 =	vand.u32 $0x7, v4;
	v5 =	vand.u32 $0xFFFFFFC0, v5  }
0x6f: {  	v6 =	vld [tilespmem:$0x380];
	v4 =	vor.u32 v4, v5  }
0x70: {  	v5 =	vld [tilespmem:$0x390];
	v7 =	vperm.xlane v4, v1;
	_ =	sdelay $0x1  }
0x71: {  	v7 =	vadd.s32 v2, v7;
	_ =	sdelay $0x1  }
0x72: {  	v6 =	vadd.s32 v0, v6  }
0x73: {  	[tilespmem:$0x380] =	vst v6;
	v5 =	vadd.s32 v0, v5  }
0x74: {  	[tilespmem:$0x390] =	vst v5  }
0x75: {  	[tilespmem:s25], [sflag:$0x1] =	stream.indirect_vreg.gather [hbm4b:s1+s3], $0x80, v7, vm0, $0xb8;
	[tilespmem:$0x10400] =	vst v63  }
0x76: {  	s23 =	simm.s32 $0xC00;
	v4 =	vperm.xlane v4, v3  }
0x77: {  	[tilespmem:s23], [sflag:$0x1] =	stream.indirect_vreg.gather [hbm4b:s4+s3], $0x80, v7, vm0, $0xb8;
	[tilespmem:$0x10400] =	vst v63  }
0x78: {  	v4 =	vadd.s32 v2, v4  }
0x79: {  	[tilespmem:s24], [sflag:$0x1] =	stream.indirect_vreg.gather [hbm4b:s5+s3], $0x80, v7, vm0, $0xb8;
	[tilespmem:$0x10400] =	vst v63  }
0x7a: {  	_ = 	snop  }
0x7b: {  	[tilespmem:s26], [sflag:$0x1] =	stream.indirect_vreg.gather [hbm4b:s6+s3], $0x80, v7, vm0, $0xb8;
	[tilespmem:$0x10400] =	vst v63  }
0x7c: {  	_ = 	snop  }
0x7d: {  	[tilespmem:s28], [sflag:$0x1] =	stream.indirect_vreg.gather [hbm4b:s1+s3], $0x80, v4, vm0, $0xb8;
	[tilespmem:$0x10400] =	vst v63  }
0x7e: {  	_ = 	snop  }
0x7f: {  	[tilespmem:s29], [sflag:$0x1] =	stream.indirect_vreg.gather [hbm4b:s4+s3], $0x80, v4, vm0, $0xb8;
	[tilespmem:$0x10400] =	vst v63  }
0x80: {  	_ = 	snop  }
0x81: {  	[tilespmem:s30], [sflag:$0x1] =	stream.indirect_vreg.gather [hbm4b:s5+s3], $0x80, v4, vm0, $0xb8;
	[tilespmem:$0x10400] =	vst v63  }
0x82: {  	_ = 	snop  }
0x83: {  	[tilespmem:s31], [sflag:$0x1] =	stream.indirect_vreg.gather [hbm4b:s6+s3], $0x80, v4, vm0, $0xb8;
	[tilespmem:$0x10400] =	vst v63  }
0x84: {  	v4 =	vld [tilespmem:$0x10];
	_ =	sdelay $0x4  }
0x85: {  	v5 =	vshll.u32 v4, $0x3  }
0x86: {  	v4 =	vand.u32 $0x7, v4;
	v5 =	vand.u32 $0xFFFFFFC0, v5  }
0x87: {  	v4 =	vor.u32 v4, v5  }
0x88: {  	v5 =	vperm.xlane v4, v1;
	_ =	sdelay $0x1  }
0x89: {  	v5 =	vadd.s32 v2, v5;
	_ =	sdelay $0x4  }
0x8a: {  	[tilespmem:s9], [sflag:$0x1] =	stream.indirect_vreg.gather [hbm4b:s1+s3], $0x80, v5, vm0, $0xb8;
	[tilespmem:$0x10400] =	vst v63  }
0x8b: {  	v4 =	vperm.xlane v4, v3  }
0x8c: {  	[tilespmem:s17], [sflag:$0x1] =	stream.indirect_vreg.gather [hbm4b:s4+s3], $0x80, v5, vm0, $0xb8;
	[tilespmem:$0x10400] =	vst v63  }
0x8d: {  	v4 =	vadd.s32 v2, v4  }
0x8e: {  	[tilespmem:s10], [sflag:$0x1] =	stream.indirect_vreg.gather [hbm4b:s5+s3], $0x80, v5, vm0, $0xb8;
	[tilespmem:$0x10400] =	vst v63  }
0x8f: {  	_ = 	snop  }
0x90: {  	[tilespmem:s11], [sflag:$0x1] =	stream.indirect_vreg.gather [hbm4b:s6+s3], $0x80, v5, vm0, $0xb8;
	[tilespmem:$0x10400] =	vst v63  }
0x91: {  	_ = 	snop  }
0x92: {  	[tilespmem:s12], [sflag:$0x1] =	stream.indirect_vreg.gather [hbm4b:s1+s3], $0x80, v4, vm0, $0xb8;
	[tilespmem:$0x10400] =	vst v63  }
0x93: {  	_ = 	snop  }
0x94: {  	[tilespmem:s13], [sflag:$0x1] =	stream.indirect_vreg.gather [hbm4b:s4+s3], $0x80, v4, vm0, $0xb8;
	[tilespmem:$0x10400] =	vst v63  }
0x95: {  	_ = 	snop  }
0x96: {  	[tilespmem:s14], [sflag:$0x1] =	stream.indirect_vreg.gather [hbm4b:s5+s3], $0x80, v4, vm0, $0xb8;
	[tilespmem:$0x10400] =	vst v63  }
0x97: {  	_ = 	snop  }
0x98: {  	[tilespmem:s15], [sflag:$0x1] =	stream.indirect_vreg.gather [hbm4b:s6+s3], $0x80, v4, vm0, $0xb8;
	[tilespmem:$0x10400] =	vst v63  }
0x99: {  	v4 =	vld [tilespmem:$0x80];
	_ =	sdelay $0x4  }
0x9a: {  	v5 =	vshll.u32 v4, $0x3  }
0x9b: {  	v4 =	vand.u32 $0x7, v4;
	v5 =	vand.u32 $0xFFFFFFC0, v5  }
0x9c: {  	v4 =	vor.u32 v4, v5  }
0x9d: {  	v5 =	vperm.xlane v4, v1;
	_ =	sdelay $0x1  }
0x9e: {  	v5 =	vadd.s32 v2, v5;
	_ =	sdelay $0x4  }
0x9f: {  	[tilespmem:s0], [sflag:$0x2] =	stream.indirect_vreg.gather [hbm4b:s1+s3], $0x80, v5, vm0, $0xb8;
	[tilespmem:$0x10400] =	vst v63  }
0xa0: {  	s16 =	simm.s32 $0x8C00;
	v4 =	vperm.xlane v4, v3  }
0xa1: {  	[tilespmem:s16], [sflag:$0x2] =	stream.indirect_vreg.gather [hbm4b:s4+s3], $0x80, v5, vm0, $0xb8;
	[tilespmem:$0x10400] =	vst v63  }
0xa2: {  	s2 =	simm.s32 $0x9400;
	v4 =	vadd.s32 v2, v4  }
0xa3: {  	[tilespmem:s2], [sflag:$0x2] =	stream.indirect_vreg.gather [hbm4b:s5+s3], $0x80, v5, vm0, $0xb8;
	[tilespmem:$0x10400] =	vst v63  }
0xa4: {  	s16 =	simm.s32 $0x9C00  }
0xa5: {  	[tilespmem:s16], [sflag:$0x2] =	stream.indirect_vreg.gather [hbm4b:s6+s3], $0x80, v5, vm0, $0xb8;
	[tilespmem:$0x10400] =	vst v63  }
0xa6: {  	s2 =	simm.s32 $0xA400  }
0xa7: {  	[tilespmem:s2], [sflag:$0x2] =	stream.indirect_vreg.gather [hbm4b:s1+s3], $0x80, v4, vm0, $0xb8;
	[tilespmem:$0x10400] =	vst v63  }
0xa8: {  	s16 =	simm.s32 $0xAC00  }
0xa9: {  	[tilespmem:s16], [sflag:$0x2] =	stream.indirect_vreg.gather [hbm4b:s4+s3], $0x80, v4, vm0, $0xb8;
	[tilespmem:$0x10400] =	vst v63  }
0xaa: {  	s2 =	simm.s32 $0xB400  }
0xab: {  	[tilespmem:s2], [sflag:$0x2] =	stream.indirect_vreg.gather [hbm4b:s5+s3], $0x80, v4, vm0, $0xb8;
	[tilespmem:$0x10400] =	vst v63  }
0xac: {  	s16 =	simm.s32 $0xBC00  }
0xad: {  	[tilespmem:s16], [sflag:$0x2] =	stream.indirect_vreg.gather [hbm4b:s6+s3], $0x80, v4, vm0, $0xb8;
	[tilespmem:$0x10400] =	vst v63  }
0xae: {  	v4 =	vld [tilespmem:$0x90];
	_ =	sdelay $0x4  }
0xaf: {  	v5 =	vshll.u32 v4, $0x3  }
0xb0: {  	v4 =	vand.u32 $0x7, v4;
	v5 =	vand.u32 $0xFFFFFFC0, v5  }
0xb1: {  	v4 =	vor.u32 v4, v5  }
0xb2: {  	v5 =	vperm.xlane v4, v1;
	_ =	sdelay $0x1  }
0xb3: {  	v5 =	vadd.s32 v2, v5;
	_ =	sdelay $0x3  }
0xb4: {  	s2 =	simm.s32 $0xC400  }
0xb5: {  	[tilespmem:s2], [sflag:$0x2] =	stream.indirect_vreg.gather [hbm4b:s1+s3], $0x80, v5, vm0, $0xb8;
	[tilespmem:$0x10400] =	vst v63  }
0xb6: {  	v4 =	vperm.xlane v4, v3;
	s2 =	simm.s32 $0xCC00  }
0xb7: {  	[tilespmem:s2], [sflag:$0x2] =	stream.indirect_vreg.gather [hbm4b:s4+s3], $0x80, v5, vm0, $0xb8;
	[tilespmem:$0x10400] =	vst v63  }
0xb8: {  	v4 =	vadd.s32 v2, v4;
	s2 =	simm.s32 $0xD400  }
0xb9: {  	[tilespmem:s2], [sflag:$0x2] =	stream.indirect_vreg.gather [hbm4b:s5+s3], $0x80, v5, vm0, $0xb8;
	[tilespmem:$0x10400] =	vst v63  }
0xba: {  	s2 =	simm.s32 $0xDC00  }
0xbb: {  	[tilespmem:s2], [sflag:$0x2] =	stream.indirect_vreg.gather [hbm4b:s6+s3], $0x80, v5, vm0, $0xb8;
	[tilespmem:$0x10400] =	vst v63  }
0xbc: {  	s2 =	simm.s32 $0xE400  }
0xbd: {  	[tilespmem:s2], [sflag:$0x2] =	stream.indirect_vreg.gather [hbm4b:s1+s3], $0x80, v4, vm0, $0xb8;
	[tilespmem:$0x10400] =	vst v63  }
0xbe: {  	s2 =	simm.s32 $0xEC00  }
0xbf: {  	[tilespmem:s2], [sflag:$0x2] =	stream.indirect_vreg.gather [hbm4b:s4+s3], $0x80, v4, vm0, $0xb8;
	[tilespmem:$0x10400] =	vst v63  }
0xc0: {  	s2 =	simm.s32 $0xF400  }
0xc1: {  	[tilespmem:s2], [sflag:$0x2] =	stream.indirect_vreg.gather [hbm4b:s5+s3], $0x80, v4, vm0, $0xb8;
	[tilespmem:$0x10400] =	vst v63  }
0xc2: {  	s2 =	simm.s32 $0xFC00  }
0xc3: {  	[tilespmem:s2], [sflag:$0x2] =	stream.indirect_vreg.gather [hbm4b:s6+s3], $0x80, v4, vm0, $0xb8;
	[tilespmem:$0x10400] =	vst v63  }
0xc4: {  	_ =	swait.ge [sflag:s18], $0x8000  }
0xc5: {  	[sflag:s18] =	ssyncset.done $0x0  }
0xc6: {  	s2 =	rddreg [dreg:$0xc];
	[sflag:s18] =	ssyncadd.s32 $0xFFFF8000  }
0xc7: {  	[hbm4b:s2+s3] =	stream.linear.scatter [tilespmem:s25], [sflag:$0x3], $0x8000, $0x38;
	[tilespmem:$0x10400] =	vst v63  }
0xc8: {  	_ =	swait.ge [sflag:s19], $0x8000  }
0xc9: {  	[sflag:s19] =	ssyncset.done $0x0  }
0xca: {  	[sflag:s19] =	ssyncadd.s32 $0xFFFF8000  }
0xcb: {  	v4 =	vld [tilespmem:$0x100];
	_ =	sdelay $0x4  }
0xcc: {  	v5 =	vshll.u32 v4, $0x3  }
0xcd: {  	v4 =	vand.u32 $0x7, v4;
	v5 =	vand.u32 $0xFFFFFFC0, v5  }
0xce: {  	v4 =	vor.u32 v4, v5  }
0xcf: {  	v5 =	vperm.xlane v4, v1;
	_ =	sdelay $0x1  }
0xd0: {  	v5 =	vadd.s32 v2, v5;
	_ =	sdelay $0x4  }
0xd1: {  	[tilespmem:s25], [sflag:$0x1] =	stream.indirect_vreg.gather [hbm4b:s1+s3], $0x80, v5, vm0, $0xb8;
	[tilespmem:$0x10400] =	vst v63  }
0xd2: {  	v4 =	vperm.xlane v4, v3  }
0xd3: {  	[tilespmem:s23], [sflag:$0x1] =	stream.indirect_vreg.gather [hbm4b:s4+s3], $0x80, v5, vm0, $0xb8;
	[tilespmem:$0x10400] =	vst v63  }
0xd4: {  	v4 =	vadd.s32 v2, v4  }
0xd5: {  	[tilespmem:s24], [sflag:$0x1] =	stream.indirect_vreg.gather [hbm4b:s5+s3], $0x80, v5, vm0, $0xb8;
	[tilespmem:$0x10400] =	vst v63  }
0xd6: {  	_ = 	snop  }
0xd7: {  	[tilespmem:s26], [sflag:$0x1] =	stream.indirect_vreg.gather [hbm4b:s6+s3], $0x80, v5, vm0, $0xb8;
	[tilespmem:$0x10400] =	vst v63  }
0xd8: {  	_ = 	snop  }
0xd9: {  	[tilespmem:s28], [sflag:$0x1] =	stream.indirect_vreg.gather [hbm4b:s1+s3], $0x80, v4, vm0, $0xb8;
	[tilespmem:$0x10400] =	vst v63  }
0xda: {  	_ = 	snop  }
0xdb: {  	[tilespmem:s29], [sflag:$0x1] =	stream.indirect_vreg.gather [hbm4b:s4+s3], $0x80, v4, vm0, $0xb8;
	[tilespmem:$0x10400] =	vst v63  }
0xdc: {  	_ = 	snop  }
0xdd: {  	[tilespmem:s30], [sflag:$0x1] =	stream.indirect_vreg.gather [hbm4b:s5+s3], $0x80, v4, vm0, $0xb8;
	[tilespmem:$0x10400] =	vst v63  }
0xde: {  	_ = 	snop  }
0xdf: {  	[tilespmem:s31], [sflag:$0x1] =	stream.indirect_vreg.gather [hbm4b:s6+s3], $0x80, v4, vm0, $0xb8;
	[tilespmem:$0x10400] =	vst v63  }
0xe0: {  	v4 =	vld [tilespmem:$0x110];
	_ =	sdelay $0x4  }
0xe1: {  	v5 =	vshll.u32 v4, $0x3  }
0xe2: {  	v4 =	vand.u32 $0x7, v4;
	v5 =	vand.u32 $0xFFFFFFC0, v5  }
0xe3: {  	v4 =	vor.u32 v4, v5  }
0xe4: {  	v5 =	vperm.xlane v4, v1;
	_ =	sdelay $0x1  }
0xe5: {  	v5 =	vadd.s32 v2, v5;
	_ =	sdelay $0x4  }
0xe6: {  	[tilespmem:s9], [sflag:$0x1] =	stream.indirect_vreg.gather [hbm4b:s1+s3], $0x80, v5, vm0, $0xb8;
	[tilespmem:$0x10400] =	vst v63  }
0xe7: {  	v4 =	vperm.xlane v4, v3  }
0xe8: {  	[tilespmem:s17], [sflag:$0x1] =	stream.indirect_vreg.gather [hbm4b:s4+s3], $0x80, v5, vm0, $0xb8;
	[tilespmem:$0x10400] =	vst v63  }
0xe9: {  	v4 =	vadd.s32 v2, v4  }
0xea: {  	[tilespmem:s10], [sflag:$0x1] =	stream.indirect_vreg.gather [hbm4b:s5+s3], $0x80, v5, vm0, $0xb8;
	[tilespmem:$0x10400] =	vst v63  }
0xeb: {  	_ = 	snop  }
0xec: {  	[tilespmem:s11], [sflag:$0x1] =	stream.indirect_vreg.gather [hbm4b:s6+s3], $0x80, v5, vm0, $0xb8;
	[tilespmem:$0x10400] =	vst v63  }
0xed: {  	_ = 	snop  }
0xee: {  	[tilespmem:s12], [sflag:$0x1] =	stream.indirect_vreg.gather [hbm4b:s1+s3], $0x80, v4, vm0, $0xb8;
	[tilespmem:$0x10400] =	vst v63  }
0xef: {  	_ = 	snop  }
0xf0: {  	[tilespmem:s13], [sflag:$0x1] =	stream.indirect_vreg.gather [hbm4b:s4+s3], $0x80, v4, vm0, $0xb8;
	[tilespmem:$0x10400] =	vst v63  }
0xf1: {  	_ = 	snop  }
0xf2: {  	[tilespmem:s14], [sflag:$0x1] =	stream.indirect_vreg.gather [hbm4b:s5+s3], $0x80, v4, vm0, $0xb8;
	[tilespmem:$0x10400] =	vst v63  }
0xf3: {  	_ = 	snop  }
0xf4: {  	[tilespmem:s15], [sflag:$0x1] =	stream.indirect_vreg.gather [hbm4b:s6+s3], $0x80, v4, vm0, $0xb8;
	[tilespmem:$0x10400] =	vst v63  }
0xf5: {  	_ =	swait.ge [sflag:s20], $0x8000  }
0xf6: {  	[sflag:s20] =	ssyncset.done $0x0  }
0xf7: {  	s2 =	rddreg [dreg:$0xd];
	[sflag:s20] =	ssyncadd.s32 $0xFFFF8000  }
0xf8: {  	[hbm4b:s2+s3] =	stream.linear.scatter [tilespmem:s0], [sflag:$0x4], $0x8000, $0x38;
	[tilespmem:$0x10400] =	vst v63  }
0xf9: {  	_ =	swait.ge [sflag:s21], $0x8000  }
0xfa: {  	[sflag:s21] =	ssyncset.done $0x0  }
0xfb: {  	[sflag:s21] =	ssyncadd.s32 $0xFFFF8000  }
0xfc: {  	v4 =	vld [tilespmem:$0x180];
	_ =	sdelay $0x4  }
0xfd: {  	v5 =	vshll.u32 v4, $0x3  }
0xfe: {  	v4 =	vand.u32 $0x7, v4;
	v5 =	vand.u32 $0xFFFFFFC0, v5  }
0xff: {  	v4 =	vor.u32 v4, v5  }
0x100: {  	v5 =	vperm.xlane v4, v1;
	_ =	sdelay $0x1  }
0x101: {  	v5 =	vadd.s32 v2, v5;
	_ =	sdelay $0x4  }
0x102: {  	[tilespmem:s0], [sflag:$0x2] =	stream.indirect_vreg.gather [hbm4b:s1+s3], $0x80, v5, vm0, $0xb8;
	[tilespmem:$0x10400] =	vst v63  }
0x103: {  	s2 =	simm.s32 $0x8C00;
	v4 =	vperm.xlane v4, v3  }
0x104: {  	[tilespmem:s2], [sflag:$0x2] =	stream.indirect_vreg.gather [hbm4b:s4+s3], $0x80, v5, vm0, $0xb8;
	[tilespmem:$0x10400] =	vst v63  }
0x105: {  	s22 =	simm.s32 $0x9400;
	v4 =	vadd.s32 v2, v4  }
0x106: {  	[tilespmem:s22], [sflag:$0x2] =	stream.indirect_vreg.gather [hbm4b:s5+s3], $0x80, v5, vm0, $0xb8;
	[tilespmem:$0x10400] =	vst v63  }
0x107: {  	s22 =	simm.s32 $0x9C00  }
0x108: {  	[tilespmem:s22], [sflag:$0x2] =	stream.indirect_vreg.gather [hbm4b:s6+s3], $0x80, v5, vm0, $0xb8;
	[tilespmem:$0x10400] =	vst v63  }
0x109: {  	s22 =	simm.s32 $0xA400  }
0x10a: {  	[tilespmem:s22], [sflag:$0x2] =	stream.indirect_vreg.gather [hbm4b:s1+s3], $0x80, v4, vm0, $0xb8;
	[tilespmem:$0x10400] =	vst v63  }
0x10b: {  	s22 =	simm.s32 $0xAC00  }
0x10c: {  	[tilespmem:s22], [sflag:$0x2] =	stream.indirect_vreg.gather [hbm4b:s4+s3], $0x80, v4, vm0, $0xb8;
	[tilespmem:$0x10400] =	vst v63  }
0x10d: {  	s22 =	simm.s32 $0xB400  }
0x10e: {  	[tilespmem:s22], [sflag:$0x2] =	stream.indirect_vreg.gather [hbm4b:s5+s3], $0x80, v4, vm0, $0xb8;
	[tilespmem:$0x10400] =	vst v63  }
0x10f: {  	s16 =	simm.s32 $0xBC00  }
0x110: {  	[tilespmem:s16], [sflag:$0x2] =	stream.indirect_vreg.gather [hbm4b:s6+s3], $0x80, v4, vm0, $0xb8;
	[tilespmem:$0x10400] =	vst v63  }
0x111: {  	v4 =	vld [tilespmem:$0x190];
	_ =	sdelay $0x4  }
0x112: {  	v5 =	vshll.u32 v4, $0x3  }
0x113: {  	v4 =	vand.u32 $0x7, v4;
	v5 =	vand.u32 $0xFFFFFFC0, v5  }
0x114: {  	v4 =	vor.u32 v4, v5  }
0x115: {  	v5 =	vperm.xlane v4, v1;
	_ =	sdelay $0x1  }
0x116: {  	v5 =	vadd.s32 v2, v5;
	_ =	sdelay $0x3  }
0x117: {  	s22 =	simm.s32 $0xC400  }
0x118: {  	[tilespmem:s22], [sflag:$0x2] =	stream.indirect_vreg.gather [hbm4b:s1+s3], $0x80, v5, vm0, $0xb8;
	[tilespmem:$0x10400] =	vst v63  }
0x119: {  	v4 =	vperm.xlane v4, v3;
	s22 =	simm.s32 $0xCC00  }
0x11a: {  	[tilespmem:s22], [sflag:$0x2] =	stream.indirect_vreg.gather [hbm4b:s4+s3], $0x80, v5, vm0, $0xb8;
	[tilespmem:$0x10400] =	vst v63  }
0x11b: {  	v4 =	vadd.s32 v2, v4;
	s22 =	simm.s32 $0xD400  }
0x11c: {  	[tilespmem:s22], [sflag:$0x2] =	stream.indirect_vreg.gather [hbm4b:s5+s3], $0x80, v5, vm0, $0xb8;
	[tilespmem:$0x10400] =	vst v63  }
0x11d: {  	s22 =	simm.s32 $0xDC00  }
0x11e: {  	[tilespmem:s22], [sflag:$0x2] =	stream.indirect_vreg.gather [hbm4b:s6+s3], $0x80, v5, vm0, $0xb8;
	[tilespmem:$0x10400] =	vst v63  }
0x11f: {  	s22 =	simm.s32 $0xE400  }
0x120: {  	[tilespmem:s22], [sflag:$0x2] =	stream.indirect_vreg.gather [hbm4b:s1+s3], $0x80, v4, vm0, $0xb8;
	[tilespmem:$0x10400] =	vst v63  }
0x121: {  	s22 =	simm.s32 $0xEC00  }
0x122: {  	[tilespmem:s22], [sflag:$0x2] =	stream.indirect_vreg.gather [hbm4b:s4+s3], $0x80, v4, vm0, $0xb8;
	[tilespmem:$0x10400] =	vst v63  }
0x123: {  	s22 =	simm.s32 $0xF400  }
0x124: {  	[tilespmem:s22], [sflag:$0x2] =	stream.indirect_vreg.gather [hbm4b:s5+s3], $0x80, v4, vm0, $0xb8;
	[tilespmem:$0x10400] =	vst v63  }
0x125: {  	s22 =	simm.s32 $0xFC00  }
0x126: {  	[tilespmem:s22], [sflag:$0x2] =	stream.indirect_vreg.gather [hbm4b:s6+s3], $0x80, v4, vm0, $0xb8;
	[tilespmem:$0x10400] =	vst v63  }
0x127: {  	_ =	swait.ge [sflag:s18], $0x8000  }
0x128: {  	[sflag:s18] =	ssyncset.done $0x0  }
0x129: {  	s16 =	rddreg [dreg:$0xe];
	[sflag:s18] =	ssyncadd.s32 $0xFFFF8000  }
0x12a: {  	[hbm4b:s16+s3] =	stream.linear.scatter [tilespmem:s25], [sflag:$0x3], $0x8000, $0x38;
	[tilespmem:$0x10400] =	vst v63  }
0x12b: {  	_ =	swait.ge [sflag:s19], $0x8000  }
0x12c: {  	[sflag:s19] =	ssyncset.done $0x0  }
0x12d: {  	[sflag:s19] =	ssyncadd.s32 $0xFFFF8000  }
0x12e: {  	v4 =	vld [tilespmem:$0x200];
	_ =	sdelay $0x4  }
0x12f: {  	v5 =	vshll.u32 v4, $0x3  }
0x130: {  	v4 =	vand.u32 $0x7, v4;
	v5 =	vand.u32 $0xFFFFFFC0, v5  }
0x131: {  	v4 =	vor.u32 v4, v5  }
0x132: {  	v5 =	vperm.xlane v4, v1;
	_ =	sdelay $0x1  }
0x133: {  	v5 =	vadd.s32 v2, v5;
	_ =	sdelay $0x4  }
0x134: {  	[tilespmem:s25], [sflag:$0x1] =	stream.indirect_vreg.gather [hbm4b:s1+s3], $0x80, v5, vm0, $0xb8;
	[tilespmem:$0x10400] =	vst v63  }
0x135: {  	v4 =	vperm.xlane v4, v3  }
0x136: {  	[tilespmem:s23], [sflag:$0x1] =	stream.indirect_vreg.gather [hbm4b:s4+s3], $0x80, v5, vm0, $0xb8;
	[tilespmem:$0x10400] =	vst v63  }
0x137: {  	v4 =	vadd.s32 v2, v4  }
0x138: {  	[tilespmem:s24], [sflag:$0x1] =	stream.indirect_vreg.gather [hbm4b:s5+s3], $0x80, v5, vm0, $0xb8;
	[tilespmem:$0x10400] =	vst v63  }
0x139: {  	_ = 	snop  }
0x13a: {  	[tilespmem:s26], [sflag:$0x1] =	stream.indirect_vreg.gather [hbm4b:s6+s3], $0x80, v5, vm0, $0xb8;
	[tilespmem:$0x10400] =	vst v63  }
0x13b: {  	_ = 	snop  }
0x13c: {  	[tilespmem:s28], [sflag:$0x1] =	stream.indirect_vreg.gather [hbm4b:s1+s3], $0x80, v4, vm0, $0xb8;
	[tilespmem:$0x10400] =	vst v63  }
0x13d: {  	_ = 	snop  }
0x13e: {  	[tilespmem:s29], [sflag:$0x1] =	stream.indirect_vreg.gather [hbm4b:s4+s3], $0x80, v4, vm0, $0xb8;
	[tilespmem:$0x10400] =	vst v63  }
0x13f: {  	_ = 	snop  }
0x140: {  	[tilespmem:s30], [sflag:$0x1] =	stream.indirect_vreg.gather [hbm4b:s5+s3], $0x80, v4, vm0, $0xb8;
	[tilespmem:$0x10400] =	vst v63  }
0x141: {  	_ = 	snop  }
0x142: {  	[tilespmem:s31], [sflag:$0x1] =	stream.indirect_vreg.gather [hbm4b:s6+s3], $0x80, v4, vm0, $0xb8;
	[tilespmem:$0x10400] =	vst v63  }
0x143: {  	v4 =	vld [tilespmem:$0x210];
	_ =	sdelay $0x4  }
0x144: {  	v5 =	vshll.u32 v4, $0x3  }
0x145: {  	v4 =	vand.u32 $0x7, v4;
	v5 =	vand.u32 $0xFFFFFFC0, v5  }
0x146: {  	v4 =	vor.u32 v4, v5  }
0x147: {  	v5 =	vperm.xlane v4, v1;
	_ =	sdelay $0x1  }
0x148: {  	v5 =	vadd.s32 v2, v5;
	_ =	sdelay $0x4  }
0x149: {  	[tilespmem:s9], [sflag:$0x1] =	stream.indirect_vreg.gather [hbm4b:s1+s3], $0x80, v5, vm0, $0xb8;
	[tilespmem:$0x10400] =	vst v63  }
0x14a: {  	v4 =	vperm.xlane v4, v3  }
0x14b: {  	[tilespmem:s17], [sflag:$0x1] =	stream.indirect_vreg.gather [hbm4b:s4+s3], $0x80, v5, vm0, $0xb8;
	[tilespmem:$0x10400] =	vst v63  }
0x14c: {  	v4 =	vadd.s32 v2, v4  }
0x14d: {  	[tilespmem:s10], [sflag:$0x1] =	stream.indirect_vreg.gather [hbm4b:s5+s3], $0x80, v5, vm0, $0xb8;
	[tilespmem:$0x10400] =	vst v63  }
0x14e: {  	_ = 	snop  }
0x14f: {  	[tilespmem:s11], [sflag:$0x1] =	stream.indirect_vreg.gather [hbm4b:s6+s3], $0x80, v5, vm0, $0xb8;
	[tilespmem:$0x10400] =	vst v63  }
0x150: {  	_ = 	snop  }
0x151: {  	[tilespmem:s12], [sflag:$0x1] =	stream.indirect_vreg.gather [hbm4b:s1+s3], $0x80, v4, vm0, $0xb8;
	[tilespmem:$0x10400] =	vst v63  }
0x152: {  	_ = 	snop  }
0x153: {  	[tilespmem:s13], [sflag:$0x1] =	stream.indirect_vreg.gather [hbm4b:s4+s3], $0x80, v4, vm0, $0xb8;
	[tilespmem:$0x10400] =	vst v63  }
0x154: {  	_ = 	snop  }
0x155: {  	[tilespmem:s14], [sflag:$0x1] =	stream.indirect_vreg.gather [hbm4b:s5+s3], $0x80, v4, vm0, $0xb8;
	[tilespmem:$0x10400] =	vst v63  }
0x156: {  	_ = 	snop  }
0x157: {  	[tilespmem:s15], [sflag:$0x1] =	stream.indirect_vreg.gather [hbm4b:s6+s3], $0x80, v4, vm0, $0xb8;
	[tilespmem:$0x10400] =	vst v63  }
0x158: {  	_ =	swait.ge [sflag:s20], $0x8000  }
0x159: {  	[sflag:s20] =	ssyncset.done $0x0  }
0x15a: {  	s16 =	rddreg [dreg:$0xf];
	[sflag:s20] =	ssyncadd.s32 $0xFFFF8000  }
0x15b: {  	[hbm4b:s16+s3] =	stream.linear.scatter [tilespmem:s0], [sflag:$0x4], $0x8000, $0x38;
	[tilespmem:$0x10400] =	vst v63  }
0x15c: {  	_ =	swait.ge [sflag:s21], $0x8000  }
0x15d: {  	[sflag:s21] =	ssyncset.done $0x0  }
0x15e: {  	[sflag:s21] =	ssyncadd.s32 $0xFFFF8000  }
0x15f: {  	v4 =	vld [tilespmem:$0x280];
	_ =	sdelay $0x4  }
0x160: {  	v5 =	vshll.u32 v4, $0x3  }
0x161: {  	v4 =	vand.u32 $0x7, v4;
	v5 =	vand.u32 $0xFFFFFFC0, v5  }
0x162: {  	v4 =	vor.u32 v4, v5  }
0x163: {  	v5 =	vperm.xlane v4, v1;
	_ =	sdelay $0x1  }
0x164: {  	v5 =	vadd.s32 v2, v5;
	_ =	sdelay $0x4  }
0x165: {  	[tilespmem:s0], [sflag:$0x2] =	stream.indirect_vreg.gather [hbm4b:s1+s3], $0x80, v5, vm0, $0xb8;
	[tilespmem:$0x10400] =	vst v63  }
0x166: {  	v4 =	vperm.xlane v4, v3  }
0x167: {  	[tilespmem:s2], [sflag:$0x2] =	stream.indirect_vreg.gather [hbm4b:s4+s3], $0x80, v5, vm0, $0xb8;
	[tilespmem:$0x10400] =	vst v63  }
0x168: {  	s22 =	simm.s32 $0x9400;
	v4 =	vadd.s32 v2, v4  }
0x169: {  	[tilespmem:s22], [sflag:$0x2] =	stream.indirect_vreg.gather [hbm4b:s5+s3], $0x80, v5, vm0, $0xb8;
	[tilespmem:$0x10400] =	vst v63  }
0x16a: {  	s22 =	simm.s32 $0x9C00  }
0x16b: {  	[tilespmem:s22], [sflag:$0x2] =	stream.indirect_vreg.gather [hbm4b:s6+s3], $0x80, v5, vm0, $0xb8;
	[tilespmem:$0x10400] =	vst v63  }
0x16c: {  	s22 =	simm.s32 $0xA400  }
0x16d: {  	[tilespmem:s22], [sflag:$0x2] =	stream.indirect_vreg.gather [hbm4b:s1+s3], $0x80, v4, vm0, $0xb8;
	[tilespmem:$0x10400] =	vst v63  }
0x16e: {  	s22 =	simm.s32 $0xAC00  }
0x16f: {  	[tilespmem:s22], [sflag:$0x2] =	stream.indirect_vreg.gather [hbm4b:s4+s3], $0x80, v4, vm0, $0xb8;
	[tilespmem:$0x10400] =	vst v63  }
0x170: {  	s22 =	simm.s32 $0xB400  }
0x171: {  	[tilespmem:s22], [sflag:$0x2] =	stream.indirect_vreg.gather [hbm4b:s5+s3], $0x80, v4, vm0, $0xb8;
	[tilespmem:$0x10400] =	vst v63  }
0x172: {  	s22 =	simm.s32 $0xBC00  }
0x173: {  	[tilespmem:s22], [sflag:$0x2] =	stream.indirect_vreg.gather [hbm4b:s6+s3], $0x80, v4, vm0, $0xb8;
	[tilespmem:$0x10400] =	vst v63  }
0x174: {  	v4 =	vld [tilespmem:$0x290];
	_ =	sdelay $0x4  }
0x175: {  	v5 =	vshll.u32 v4, $0x3  }
0x176: {  	v4 =	vand.u32 $0x7, v4;
	v5 =	vand.u32 $0xFFFFFFC0, v5  }
0x177: {  	v4 =	vor.u32 v4, v5  }
0x178: {  	v5 =	vperm.xlane v4, v1;
	_ =	sdelay $0x1  }
0x179: {  	v5 =	vadd.s32 v2, v5;
	_ =	sdelay $0x3  }
0x17a: {  	s22 =	simm.s32 $0xC400  }
0x17b: {  	[tilespmem:s22], [sflag:$0x2] =	stream.indirect_vreg.gather [hbm4b:s1+s3], $0x80, v5, vm0, $0xb8;
	[tilespmem:$0x10400] =	vst v63  }
0x17c: {  	v4 =	vperm.xlane v4, v3;
	s22 =	simm.s32 $0xCC00  }
0x17d: {  	[tilespmem:s22], [sflag:$0x2] =	stream.indirect_vreg.gather [hbm4b:s4+s3], $0x80, v5, vm0, $0xb8;
	[tilespmem:$0x10400] =	vst v63  }
0x17e: {  	v4 =	vadd.s32 v2, v4;
	s22 =	simm.s32 $0xD400  }
0x17f: {  	[tilespmem:s22], [sflag:$0x2] =	stream.indirect_vreg.gather [hbm4b:s5+s3], $0x80, v5, vm0, $0xb8;
	[tilespmem:$0x10400] =	vst v63  }
0x180: {  	s22 =	simm.s32 $0xDC00  }
0x181: {  	[tilespmem:s22], [sflag:$0x2] =	stream.indirect_vreg.gather [hbm4b:s6+s3], $0x80, v5, vm0, $0xb8;
	[tilespmem:$0x10400] =	vst v63  }
0x182: {  	s22 =	simm.s32 $0xE400  }
0x183: {  	[tilespmem:s22], [sflag:$0x2] =	stream.indirect_vreg.gather [hbm4b:s1+s3], $0x80, v4, vm0, $0xb8;
	[tilespmem:$0x10400] =	vst v63  }
0x184: {  	s22 =	simm.s32 $0xEC00  }
0x185: {  	[tilespmem:s22], [sflag:$0x2] =	stream.indirect_vreg.gather [hbm4b:s4+s3], $0x80, v4, vm0, $0xb8;
	[tilespmem:$0x10400] =	vst v63  }
0x186: {  	s22 =	simm.s32 $0xF400  }
0x187: {  	[tilespmem:s22], [sflag:$0x2] =	stream.indirect_vreg.gather [hbm4b:s5+s3], $0x80, v4, vm0, $0xb8;
	[tilespmem:$0x10400] =	vst v63  }
0x188: {  	s22 =	simm.s32 $0xFC00  }
0x189: {  	[tilespmem:s22], [sflag:$0x2] =	stream.indirect_vreg.gather [hbm4b:s6+s3], $0x80, v4, vm0, $0xb8;
	[tilespmem:$0x10400] =	vst v63  }
0x18a: {  	_ =	swait.ge [sflag:s18], $0x8000  }
0x18b: {  	[sflag:s18] =	ssyncset.done $0x0  }
0x18c: {  	s22 =	rddreg [dreg:$0x10];
	[sflag:s18] =	ssyncadd.s32 $0xFFFF8000  }
0x18d: {  	[hbm4b:s22+s3] =	stream.linear.scatter [tilespmem:s25], [sflag:$0x3], $0x8000, $0x38;
	[tilespmem:$0x10400] =	vst v63  }
0x18e: {  	_ =	swait.ge [sflag:s19], $0x8000  }
0x18f: {  	[sflag:s19] =	ssyncset.done $0x0  }
0x190: {  	[sflag:s19] =	ssyncadd.s32 $0xFFFF8000  }
0x191: {  	v4 =	vld [tilespmem:$0x300];
	_ =	sdelay $0x4  }
0x192: {  	v5 =	vshll.u32 v4, $0x3  }
0x193: {  	v4 =	vand.u32 $0x7, v4;
	v5 =	vand.u32 $0xFFFFFFC0, v5  }
0x194: {  	v4 =	vor.u32 v4, v5  }
0x195: {  	v5 =	vperm.xlane v4, v1;
	_ =	sdelay $0x1  }
0x196: {  	v5 =	vadd.s32 v2, v5;
	_ =	sdelay $0x4  }
0x197: {  	[tilespmem:s25], [sflag:$0x1] =	stream.indirect_vreg.gather [hbm4b:s1+s3], $0x80, v5, vm0, $0xb8;
	[tilespmem:$0x10400] =	vst v63  }
0x198: {  	v4 =	vperm.xlane v4, v3  }
0x199: {  	[tilespmem:s23], [sflag:$0x1] =	stream.indirect_vreg.gather [hbm4b:s4+s3], $0x80, v5, vm0, $0xb8;
	[tilespmem:$0x10400] =	vst v63  }
0x19a: {  	v4 =	vadd.s32 v2, v4  }
0x19b: {  	[tilespmem:s24], [sflag:$0x1] =	stream.indirect_vreg.gather [hbm4b:s5+s3], $0x80, v5, vm0, $0xb8;
	[tilespmem:$0x10400] =	vst v63  }
0x19c: {  	_ = 	snop  }
0x19d: {  	[tilespmem:s26], [sflag:$0x1] =	stream.indirect_vreg.gather [hbm4b:s6+s3], $0x80, v5, vm0, $0xb8;
	[tilespmem:$0x10400] =	vst v63  }
0x19e: {  	_ = 	snop  }
0x19f: {  	[tilespmem:s28], [sflag:$0x1] =	stream.indirect_vreg.gather [hbm4b:s1+s3], $0x80, v4, vm0, $0xb8;
	[tilespmem:$0x10400] =	vst v63  }
0x1a0: {  	_ = 	snop  }
0x1a1: {  	[tilespmem:s29], [sflag:$0x1] =	stream.indirect_vreg.gather [hbm4b:s4+s3], $0x80, v4, vm0, $0xb8;
	[tilespmem:$0x10400] =	vst v63  }
0x1a2: {  	_ = 	snop  }
0x1a3: {  	[tilespmem:s30], [sflag:$0x1] =	stream.indirect_vreg.gather [hbm4b:s5+s3], $0x80, v4, vm0, $0xb8;
	[tilespmem:$0x10400] =	vst v63  }
0x1a4: {  	_ = 	snop  }
0x1a5: {  	[tilespmem:s31], [sflag:$0x1] =	stream.indirect_vreg.gather [hbm4b:s6+s3], $0x80, v4, vm0, $0xb8;
	[tilespmem:$0x10400] =	vst v63  }
0x1a6: {  	v4 =	vld [tilespmem:$0x310];
	_ =	sdelay $0x4  }
0x1a7: {  	v5 =	vshll.u32 v4, $0x3  }
0x1a8: {  	v4 =	vand.u32 $0x7, v4;
	v5 =	vand.u32 $0xFFFFFFC0, v5  }
0x1a9: {  	v4 =	vor.u32 v4, v5  }
0x1aa: {  	v5 =	vperm.xlane v4, v1;
	_ =	sdelay $0x1  }
0x1ab: {  	v5 =	vadd.s32 v2, v5;
	_ =	sdelay $0x4  }
0x1ac: {  	[tilespmem:s9], [sflag:$0x1] =	stream.indirect_vreg.gather [hbm4b:s1+s3], $0x80, v5, vm0, $0xb8;
	[tilespmem:$0x10400] =	vst v63  }
0x1ad: {  	v4 =	vperm.xlane v4, v3  }
0x1ae: {  	[tilespmem:s17], [sflag:$0x1] =	stream.indirect_vreg.gather [hbm4b:s4+s3], $0x80, v5, vm0, $0xb8;
	[tilespmem:$0x10400] =	vst v63  }
0x1af: {  	v4 =	vadd.s32 v2, v4  }
0x1b0: {  	[tilespmem:s10], [sflag:$0x1] =	stream.indirect_vreg.gather [hbm4b:s5+s3], $0x80, v5, vm0, $0xb8;
	[tilespmem:$0x10400] =	vst v63  }
0x1b1: {  	_ = 	snop  }
0x1b2: {  	[tilespmem:s11], [sflag:$0x1] =	stream.indirect_vreg.gather [hbm4b:s6+s3], $0x80, v5, vm0, $0xb8;
	[tilespmem:$0x10400] =	vst v63  }
0x1b3: {  	_ = 	snop  }
0x1b4: {  	[tilespmem:s12], [sflag:$0x1] =	stream.indirect_vreg.gather [hbm4b:s1+s3], $0x80, v4, vm0, $0xb8;
	[tilespmem:$0x10400] =	vst v63  }
0x1b5: {  	_ = 	snop  }
0x1b6: {  	[tilespmem:s13], [sflag:$0x1] =	stream.indirect_vreg.gather [hbm4b:s4+s3], $0x80, v4, vm0, $0xb8;
	[tilespmem:$0x10400] =	vst v63  }
0x1b7: {  	_ = 	snop  }
0x1b8: {  	[tilespmem:s14], [sflag:$0x1] =	stream.indirect_vreg.gather [hbm4b:s5+s3], $0x80, v4, vm0, $0xb8;
	[tilespmem:$0x10400] =	vst v63  }
0x1b9: {  	_ = 	snop  }
0x1ba: {  	[tilespmem:s15], [sflag:$0x1] =	stream.indirect_vreg.gather [hbm4b:s6+s3], $0x80, v4, vm0, $0xb8;
	[tilespmem:$0x10400] =	vst v63  }
0x1bb: {  	_ =	swait.ge [sflag:s20], $0x8000  }
0x1bc: {  	[sflag:s20] =	ssyncset.done $0x0  }
0x1bd: {  	s23 =	rddreg [dreg:$0x11];
	[sflag:s20] =	ssyncadd.s32 $0xFFFF8000  }
0x1be: {  	[hbm4b:s23+s3] =	stream.linear.scatter [tilespmem:s0], [sflag:$0x4], $0x8000, $0x38;
	[tilespmem:$0x10400] =	vst v63  }
0x1bf: {  	_ =	swait.ge [sflag:s21], $0x8000  }
0x1c0: {  	[sflag:s21] =	ssyncset.done $0x0  }
0x1c1: {  	[sflag:s21] =	ssyncadd.s32 $0xFFFF8000  }
0x1c2: {  	v4 =	vld [tilespmem:$0x380];
	_ =	sdelay $0x4  }
0x1c3: {  	v5 =	vshll.u32 v4, $0x3  }
0x1c4: {  	v4 =	vand.u32 $0x7, v4;
	v5 =	vand.u32 $0xFFFFFFC0, v5  }
0x1c5: {  	v4 =	vor.u32 v4, v5  }
0x1c6: {  	v5 =	vperm.xlane v4, v1;
	_ =	sdelay $0x1  }
0x1c7: {  	v5 =	vadd.s32 v2, v5;
	_ =	sdelay $0x4  }
0x1c8: {  	[tilespmem:s0], [sflag:$0x2] =	stream.indirect_vreg.gather [hbm4b:s1+s3], $0x80, v5, vm0, $0xb8;
	[tilespmem:$0x10400] =	vst v63  }
0x1c9: {  	s2 =	simm.s32 $0x8C00;
	v4 =	vperm.xlane v4, v3  }
0x1ca: {  	[tilespmem:s2], [sflag:$0x2] =	stream.indirect_vreg.gather [hbm4b:s4+s3], $0x80, v5, vm0, $0xb8;
	[tilespmem:$0x10400] =	vst v63  }
0x1cb: {  	s23 =	simm.s32 $0x9400;
	v4 =	vadd.s32 v2, v4  }
0x1cc: {  	[tilespmem:s23], [sflag:$0x2] =	stream.indirect_vreg.gather [hbm4b:s5+s3], $0x80, v5, vm0, $0xb8;
	[tilespmem:$0x10400] =	vst v63  }
0x1cd: {  	s16 =	simm.s32 $0x9C00  }
0x1ce: {  	[tilespmem:s16], [sflag:$0x2] =	stream.indirect_vreg.gather [hbm4b:s6+s3], $0x80, v5, vm0, $0xb8;
	[tilespmem:$0x10400] =	vst v63  }
0x1cf: {  	s16 =	simm.s32 $0xA400  }
0x1d0: {  	[tilespmem:s16], [sflag:$0x2] =	stream.indirect_vreg.gather [hbm4b:s1+s3], $0x80, v4, vm0, $0xb8;
	[tilespmem:$0x10400] =	vst v63  }
0x1d1: {  	s22 =	simm.s32 $0xAC00  }
0x1d2: {  	[tilespmem:s22], [sflag:$0x2] =	stream.indirect_vreg.gather [hbm4b:s4+s3], $0x80, v4, vm0, $0xb8;
	[tilespmem:$0x10400] =	vst v63  }
0x1d3: {  	s23 =	simm.s32 $0xB400  }
0x1d4: {  	[tilespmem:s23], [sflag:$0x2] =	stream.indirect_vreg.gather [hbm4b:s5+s3], $0x80, v4, vm0, $0xb8;
	[tilespmem:$0x10400] =	vst v63  }
0x1d5: {  	s16 =	simm.s32 $0xBC00  }
0x1d6: {  	[tilespmem:s16], [sflag:$0x2] =	stream.indirect_vreg.gather [hbm4b:s6+s3], $0x80, v4, vm0, $0xb8;
	[tilespmem:$0x10400] =	vst v63  }
0x1d7: {  	v4 =	vld [tilespmem:$0x390];
	_ =	sdelay $0x4  }
0x1d8: {  	v5 =	vshll.u32 v4, $0x3  }
0x1d9: {  	v4 =	vand.u32 $0x7, v4;
	v5 =	vand.u32 $0xFFFFFFC0, v5  }
0x1da: {  	v4 =	vor.u32 v4, v5  }
0x1db: {  	v5 =	vperm.xlane v4, v1;
	_ =	sdelay $0x1  }
0x1dc: {  	v5 =	vadd.s32 v2, v5;
	_ =	sdelay $0x3  }
0x1dd: {  	s22 =	simm.s32 $0xC400  }
0x1de: {  	[tilespmem:s22], [sflag:$0x2] =	stream.indirect_vreg.gather [hbm4b:s1+s3], $0x80, v5, vm0, $0xb8;
	[tilespmem:$0x10400] =	vst v63  }
0x1df: {  	s23 =	simm.s32 $0xCC00;
	v4 =	vperm.xlane v4, v3  }
0x1e0: {  	[tilespmem:s23], [sflag:$0x2] =	stream.indirect_vreg.gather [hbm4b:s4+s3], $0x80, v5, vm0, $0xb8;
	[tilespmem:$0x10400] =	vst v63  }
0x1e1: {  	s16 =	simm.s32 $0xD400;
	v4 =	vadd.s32 v2, v4  }
0x1e2: {  	[tilespmem:s16], [sflag:$0x2] =	stream.indirect_vreg.gather [hbm4b:s5+s3], $0x80, v5, vm0, $0xb8;
	[tilespmem:$0x10400] =	vst v63  }
0x1e3: {  	s22 =	simm.s32 $0xDC00  }
0x1e4: {  	[tilespmem:s22], [sflag:$0x2] =	stream.indirect_vreg.gather [hbm4b:s6+s3], $0x80, v5, vm0, $0xb8;
	[tilespmem:$0x10400] =	vst v63  }
0x1e5: {  	s23 =	simm.s32 $0xE400  }
0x1e6: {  	[tilespmem:s23], [sflag:$0x2] =	stream.indirect_vreg.gather [hbm4b:s1+s3], $0x80, v4, vm0, $0xb8;
	[tilespmem:$0x10400] =	vst v63  }
0x1e7: {  	s16 =	simm.s32 $0xEC00  }
0x1e8: {  	[tilespmem:s16], [sflag:$0x2] =	stream.indirect_vreg.gather [hbm4b:s4+s3], $0x80, v4, vm0, $0xb8;
	[tilespmem:$0x10400] =	vst v63  }
0x1e9: {  	s22 =	simm.s32 $0xF400  }
0x1ea: {  	[tilespmem:s22], [sflag:$0x2] =	stream.indirect_vreg.gather [hbm4b:s5+s3], $0x80, v4, vm0, $0xb8;
	[tilespmem:$0x10400] =	vst v63  }
0x1eb: {  	s23 =	simm.s32 $0xFC00  }
0x1ec: {  	[tilespmem:s23], [sflag:$0x2] =	stream.indirect_vreg.gather [hbm4b:s6+s3], $0x80, v4, vm0, $0xb8;
	[tilespmem:$0x10400] =	vst v63  }
0x1ed: {  	_ =	swait.ge [sflag:s18], $0x8000  }
0x1ee: {  	[sflag:s18] =	ssyncset.done $0x0  }
0x1ef: {  	s16 =	rddreg [dreg:$0x12];
	[sflag:s18] =	ssyncadd.s32 $0xFFFF8000  }
0x1f0: {  	[hbm4b:s16+s3] =	stream.linear.scatter [tilespmem:s25], [sflag:$0x3], $0x8000, $0x38;
	[tilespmem:$0x10400] =	vst v63  }
0x1f1: {  	_ =	swait.ge [sflag:s20], $0x8000  }
0x1f2: {  	[sflag:s20] =	ssyncset.done $0x0  }
0x1f3: {  	s23 =	rddreg [dreg:$0x13];
	[sflag:s20] =	ssyncadd.s32 $0xFFFF8000  }
0x1f4: {  	[hbm4b:s23+s3] =	stream.linear.scatter [tilespmem:s0], [sflag:$0x4], $0x8000, $0x38;
	[tilespmem:$0x10400] =	vst v63  }
0x1f5: {  	p0 =	sne.s32 s7, $0x1;
	_ =	swait.ge [sflag:s19], $0x8000  }
.Ltmp0:
0x1f6: {  	[sflag:s19] =	ssyncset.done $0x0;
	(pc) =	sbr.rel @p0 .LBB2_1-.Ltmp0, $4  }
0x1f7: {  	[sflag:s19] =	ssyncadd.s32 $0xFFFF8000  }
0x1f8: {  	_ =	swait.ge [sflag:s21], $0x8000  }
0x1f9: {  	[sflag:s21] =	ssyncset.done $0x0  }
0x1fa: {  	s7 =	sadd.s32 $0xFFFFFFFF, s7;
	[sflag:s21] =	ssyncadd.s32 $0xFFFF8000  }
0x1fb: {  	_ =	sfence.sel $0x180000  }
0x1fc: {  	[bflag:$0x0] =	sbarrier.arrive $0xFFFF  }
0x1fd: {  	_ =	strace $0x90000047  }
0x1fe: {  	s0 =	stileid.u32;
	[bflag:$0x2] =	sbarrier.arrive $0xFFFF  }
0x1ff: {  	p0 =	sne.s32 s0, $0x0;
	s0 =	rddreg [dreg:$0x3]  }
0x200: {  	s0 =	sadd.s32 @!p0 $0x100000, s0  }
0x201: {  	[sflag:s0] =	ssyncadd.tile.s32 @!p0 $0x1;
	_ =	shalt  }
.Lfunc_end2:
_tile_overlayer_lowered:
.L_overlay_start_2:
0x202: {  	(tag) =	ssettag $0x2  }
0x203: {  	s0 =	rddreg [dreg:$0x0];
	s2 =	stileid.u32  }
0x204: {  	s1 =	rddreg [dreg:$0x1];
	p0 =	sne.s32 s2, $0x0  }
0x205: {  	s3 =	rddreg [dreg:$0x2];
	[bflag:$0x3] =	sbarrier.arrive $0xFFFF;
	s2 =	simm.s32 @!p0 $0x1C05  }
0x206: {  	[timem:s3], [sflag:s2] =	dma.local @!p0 [hbm:s0], s1  }
0x207: {  	s0 =	simm.s32 @!p0 $0x5  }
0x208: {  	_ =	swait.ge @!p0 [sflag:s0], s1  }
0x209: {  	s1 =	ssub.s32 @!p0 $0x0, s1;
	[sflag:s0] =	ssyncset.done @!p0 $0x0  }
0x20a: {  	[sflag:s0] =	ssyncadd.s32 @!p0 s1  }
0x20b: {  	[bflag:$0x3] =	sbarrier.arrive $0xFFFF  }
0x20c: {  	_ =	shalt  }

</sc_bundles>
